<compile_context>
chip_gen: v7x
topology: tpu7x:2x2x1
jax: 0.10.2.dev20260603
libtpu: 0.0.44.dev20260713+nightly
codegen_flags: <defaults>
</compile_context>

<pallas_src>
import functools

import jax
import jax.numpy as jnp
from jax import lax
from jax.experimental import pallas as pl
from jax.experimental.pallas import tpu as pltpu
from jax.experimental.pallas import tpu_sc as plsc

N, E, D, H = 2048, 8, 2048, 1024
TN = 128
TT = TN * E
GRID = N // TN
NEG = float(jnp.finfo(jnp.float32).min)
DN = (((1,), (0,)), ((), ()))
_VM = pltpu.CompilerParams(dimension_semantics=("arbitrary",),
                           vmem_limit_bytes=100 * 1024 * 1024)


def _mm(l, w):
    return lax.dot_general(l, w, DN, preferred_element_type=jnp.float32)



def _mm_relu_body(x_ref, w_ref, b_ref, o_ref):
    x = x_ref[...].astype(jnp.float32)
    r = jnp.maximum(_mm(x, w_ref[...]) + b_ref[...], 0.0)
    o_ref[...] = r.astype(o_ref.dtype)


def _mm_relu(x, w, b, out_dtype=jnp.float32):
    m, k = x.shape
    h = w.shape[1]
    return pl.pallas_call(
        _mm_relu_body,
        grid=(m // TT,),
        in_specs=[pl.BlockSpec((TT, k), lambda i: (i, 0)),
                  pl.BlockSpec((k, h), lambda i: (0, 0)),
                  pl.BlockSpec((1, h), lambda i: (0, 0))],
        out_specs=pl.BlockSpec((TT, h), lambda i: (i, 0)),
        out_shape=jax.ShapeDtypeStruct((m, h), out_dtype),
        compiler_params=_VM,
    )(x, w, b)



def _pool_body(fi_ref, h_ref, w_ref, b_ref, h2_ref, me_ref, mx_ref,
               hf_ref, acc):
    x = h_ref[...].astype(jnp.float32)
    h2 = jnp.maximum(_mm(x, w_ref[...]) + b_ref[...], 0.0)
    h2_ref[...] = h2
    h3 = h2.reshape(TN, E, H)
    acc[...] = h3[:, 0, :]
    for e in range(1, E):
        acc[...] = acc[...] + h3[:, e, :]
    me_ref[...] = acc[...] * (1.0 / E)
    mx_ref[...] = h3.max(axis=1)
    onehot = (lax.broadcasted_iota(jnp.int32, (1, E, 1), 1) == fi_ref[0, 0]
              ).astype(jnp.float32)
    hf_ref[...] = (h3 * onehot).sum(axis=1)


def _pools(fi, h1, w2, b2):
    return pl.pallas_call(
        _pool_body,
        grid=(GRID,),
        in_specs=[pl.BlockSpec(memory_space=pltpu.SMEM),
                  pl.BlockSpec((TT, H), lambda i: (i, 0)),
                  pl.BlockSpec((H, H), lambda i: (0, 0)),
                  pl.BlockSpec((1, H), lambda i: (0, 0))],
        out_specs=[pl.BlockSpec((TT, H), lambda i: (i, 0))]
        + [pl.BlockSpec((TN, H), lambda i: (i, 0))] * 3,
        out_shape=[jax.ShapeDtypeStruct((N * E, H), jnp.float32)]
        + [jax.ShapeDtypeStruct((N, H), jnp.float32)] * 3,
        scratch_shapes=[pltpu.VMEM((TN, H), jnp.float32)],
        compiler_params=_VM,
    )(fi, h1, w2, b2)



def _scorer_body(h_ref, me_ref, mx_ref, hf_ref, w_ref, b_ref, w2_ref,
                 b2_ref, o_ref):
    h3 = h_ref[...].reshape(TN, E, H)
    feats = jnp.concatenate([
        h3,
        jnp.broadcast_to(me_ref[...][:, None, :], (TN, E, H)),
        jnp.broadcast_to(mx_ref[...][:, None, :], (TN, E, H)),
        jnp.broadcast_to(hf_ref[...][:, None, :], (TN, E, H))], axis=-1)
    sh = jnp.maximum(_mm(feats.reshape(TT, 4 * H), w_ref[...])
                     + b_ref[...], 0.0)
    sh = sh.astype(jnp.bfloat16).astype(jnp.float32)
    o_ref[...] = (_mm(sh, w2_ref[...]) + b2_ref[0, 0]).reshape(TN, E)


def _scorer(h2, me, mx, hf, ws1, bs1, ws2, bs2):
    return pl.pallas_call(
        _scorer_body,
        grid=(GRID,),
        in_specs=[pl.BlockSpec((TT, H), lambda i: (i, 0)),
                  pl.BlockSpec((TN, H), lambda i: (i, 0)),
                  pl.BlockSpec((TN, H), lambda i: (i, 0)),
                  pl.BlockSpec((TN, H), lambda i: (i, 0)),
                  pl.BlockSpec((4 * H, H), lambda i: (0, 0)),
                  pl.BlockSpec((1, H), lambda i: (0, 0)),
                  pl.BlockSpec((H, 1), lambda i: (0, 0)),
                  pl.BlockSpec((1, 1), lambda i: (0, 0))],
        out_specs=pl.BlockSpec((TN, E), lambda i: (i, 0)),
        out_shape=jax.ShapeDtypeStruct((N, E), jnp.float32),
        compiler_params=_VM,
    )(h2, me, mx, hf, ws1, bs1, ws2, bs2)



def _defer_body(hf_ref, me_ref, mx_ref, wa, wb, wc, b_ref, w2_ref, b2_ref,
                o_ref):
    dh = jnp.maximum(_mm(hf_ref[...], wa[...]) + _mm(me_ref[...], wb[...])
                     + _mm(mx_ref[...], wc[...]) + b_ref[...], 0.0)
    z = _mm(dh, w2_ref[...]) + b2_ref[0, 0]
    o_ref[...] = 1.0 / (1.0 + jnp.exp(-z))


def _defer(hf, me, mx, wa, wb, wc, bd1, wd2, bd2):
    dt = 1024
    return pl.pallas_call(
        _defer_body,
        grid=(N // dt,),
        in_specs=[pl.BlockSpec((dt, H), lambda i: (i, 0)),
                  pl.BlockSpec((dt, H), lambda i: (i, 0)),
                  pl.BlockSpec((dt, H), lambda i: (i, 0)),
                  pl.BlockSpec((H, H), lambda i: (0, 0)),
                  pl.BlockSpec((H, H), lambda i: (0, 0)),
                  pl.BlockSpec((H, H), lambda i: (0, 0)),
                  pl.BlockSpec((1, H), lambda i: (0, 0)),
                  pl.BlockSpec((H, 1), lambda i: (0, 0)),
                  pl.BlockSpec((1, 1), lambda i: (0, 0))],
        out_specs=pl.BlockSpec((dt, 1), lambda i: (i, 0)),
        out_shape=jax.ShapeDtypeStruct((N, 1), jnp.float32),
        compiler_params=_VM,
    )(hf, me, mx, wa, wb, wc, bd1, wd2, bd2)



_NC, _NS = 2, 16
_NW = _NC * _NS
_ROWS = N // _NW
_GROUPS = _ROWS // 16

@functools.lru_cache(maxsize=1)
def _route_kernel():
    mesh = plsc.VectorSubcoreMesh(core_axis_name="c", subcore_axis_name="s")
    return functools.partial(
        pl.kernel, mesh=mesh,
        out_type=jax.ShapeDtypeStruct((N * E,), jnp.float32),
        scratch_types=[
            pltpu.VMEM((_ROWS * E,), jnp.float32),
            pltpu.VMEM((_ROWS * E,), jnp.float32),
            pltpu.VMEM((16,), jnp.int32),
        ],
        compiler_params=pltpu.CompilerParams(needs_layout_passes=False),
    )(_route_body)


def _route_body(logits_hbm, fi_hbm, out_hbm, slab, oslab, fi_v):
    wid = lax.axis_index("s") * _NC + lax.axis_index("c")
    base = wid * (_ROWS * E)
    pltpu.sync_copy(logits_hbm.at[pl.ds(base, _ROWS * E)], slab)
    pltpu.sync_copy(fi_hbm, fi_v)
    fiv = fi_v[...]
    lane = lax.iota(jnp.int32, 16)
    neg = jnp.full((16,), NEG, jnp.float32)

    for g in range(_GROUPS):
        ls, allowed, idxs = [], [], []
        for e in range(E):
            idx = lane * E + (g * 16 * E + e)
            idxs.append(idx)
            ls.append(plsc.load_gather(slab, [idx]))
            allowed.append(fiv != e)
        m1 = neg
        for e in range(E):
            m1 = jnp.maximum(m1, jnp.where(allowed[e], ls[e], neg))
        i1 = jnp.full((16,), E, jnp.int32)
        for e in range(E - 1, -1, -1):
            hit = allowed[e] & (ls[e] == m1)
            i1 = jnp.where(hit, jnp.full((16,), e, jnp.int32), i1)
        m2 = neg
        for e in range(E):
            ok = allowed[e] & (i1 != e)
            m2 = jnp.maximum(m2, jnp.where(ok, ls[e], neg))
        i2 = jnp.full((16,), E, jnp.int32)
        for e in range(E - 1, -1, -1):
            hit = allowed[e] & (i1 != e) & (ls[e] == m2)
            i2 = jnp.where(hit, jnp.full((16,), e, jnp.int32), i2)
        den = jnp.zeros((16,), jnp.float32)
        ws = []
        for e in range(E):
            keep = (i1 == e) | (i2 == e)
            w = jnp.where(keep, jnp.exp(ls[e] - m1), 0.0)
            den = den + w
            ws.append(w)
        inv = 1.0 / den
        for e in range(E):
            plsc.store_scatter(oslab, [idxs[e]], ws[e] * inv)

    pltpu.sync_copy(oslab, out_hbm.at[pl.ds(base, _ROWS * E)])



def kernel(tokens, W1, b1, W2, b2, Ws1, bs1, Ws2, bs2, Wd1, bd1, Wd2, bd2,
           full_index):
    x = tokens.reshape(N * E, D)
    Wd1a, Wd1b, Wd1c = Wd1[:H], Wd1[H:2 * H], Wd1[2 * H:]
    fi = jnp.asarray(full_index, jnp.int32)

    h1 = _mm_relu(x, W1, b1.reshape(1, H), out_dtype=jnp.bfloat16)
    h2, me, mx, hf = _pools(fi.reshape(1, 1), h1, W2, b2.reshape(1, H))
    logits = _scorer(h2, me, mx, hf, Ws1, bs1.reshape(1, H), Ws2,
                     bs2.reshape(1, 1))
    defer_prob = _defer(hf, me, mx, Wd1a, Wd1b, Wd1c, bd1.reshape(1, H),
                        Wd2, bd2.reshape(1, 1))
    weights = _route_kernel()(logits.reshape(N * E),
                              jnp.full((16,), fi, jnp.int32))
    return weights.reshape(N, E), defer_prob

# --- scband reference (transcript-rebuilt; emitter-appended) ---
"""Pipeline reference for scband-contextual-sparse-router-44229573214658 (READ-ONLY COPY).

The authoritative reference and input builder live on the scoring server;
editing this copy changes nothing except your own understanding.
"""

import jax, jax.numpy as jnp
import numpy as np

N, E, D, H = 2048, 8, 2048, 1024
TOP_K = 2
DEFER_BIAS = -1.0


def _uniform(key, shape, fan_in):
    bound = 1.0 / np.sqrt(fan_in)
    return jax.random.uniform(key, shape, jnp.float32, -bound, bound)


def setup_inputs(seed: int = 0) -> dict:
    key = jax.random.key(seed)
    ks = jax.random.split(key, 16)
    return {
        'tokens': jax.random.normal(ks[0], (N, E, D), dtype=jnp.float32),
        'W1': _uniform(ks[1], (D, H), D),
        'b1': _uniform(ks[2], (H,), D),
        'W2': _uniform(ks[3], (H, H), H),
        'b2': _uniform(ks[4], (H,), H),
        'Ws1': _uniform(ks[5], (4 * H, H), 4 * H),
        'bs1': _uniform(ks[6], (H,), 4 * H),
        'Ws2': _uniform(ks[7], (H, 1), H),
        'bs2': _uniform(ks[8], (1,), H),
        'Wd1': _uniform(ks[9], (3 * H, H), 3 * H),
        'bd1': _uniform(ks[10], (H,), 3 * H),
        'Wd2': _uniform(ks[11], (H, 1), H),
        'bd2': jnp.full((1,), DEFER_BIAS, dtype=jnp.float32),
        'full_index': 0,
    }


def reference(tokens, W1, b1, W2, b2, Ws1, bs1, Ws2, bs2, Wd1, bd1, Wd2, bd2, full_index):
    # token encoder: two-layer MLP applied per (row, expert) token
    h = jax.nn.relu(jnp.einsum('ned,dh->neh', tokens, W1) + b1)
    h = jax.nn.relu(jnp.einsum('neh,hk->nek', h, W2) + b2)  # [N, E, H]
    mean_pool = h.mean(axis=1)                     # [N, H]
    max_pool = h.max(axis=1)                       # [N, H]
    h_full = h[:, full_index, :]                   # [N, H]
    mb = jnp.broadcast_to(mean_pool[:, None, :], h.shape)
    xb = jnp.broadcast_to(max_pool[:, None, :], h.shape)
    fb = jnp.broadcast_to(h_full[:, None, :], h.shape)
    feats = jnp.concatenate([h, mb, xb, fb], axis=-1)  # [N, E, 4H]
    s_hidden = jax.nn.relu(jnp.einsum('nef,fh->neh', feats, Ws1) + bs1)
    logits = (jnp.einsum('neh,ho->neo', s_hidden, Ws2) + bs2)[..., 0]  # [N, E]
    # _apply_top_k_mask: mask full expert, keep top-k specialists
    neg = jnp.finfo(logits.dtype).min
    masked = logits.at[:, full_index].set(neg)
    k = max(1, min(int(TOP_K), E - 1))
    _, idx = jax.lax.top_k(masked, k)
    keep = jnp.zeros(masked.shape, dtype=bool)
    rows = jnp.arange(masked.shape[0])[:, None]
    keep = keep.at[rows, idx].set(True)
    keep = keep.at[:, full_index].set(False)
    masked_logits = jnp.where(keep, masked, neg)
    specialist_weights = jax.nn.softmax(masked_logits, axis=1)  # [N, E]
    defer_in = jnp.concatenate([h_full, mean_pool, max_pool], axis=-1)  # [N, 3H]
    d_hidden = jax.nn.relu(defer_in @ Wd1 + bd1)
    defer_prob = jax.nn.sigmoid(d_hidden @ Wd2 + bd2)  # [N, 1]
    return specialist_weights, defer_prob

if __name__ == "__main__":
    import jax
    _d = setup_inputs()
    print(jax.jit(kernel)(*tuple(_d.values())))

</pallas_src>

<mosaic_0001>
#map = affine_map<(d0, d1) -> (0)>
module attributes {stable_mosaic.version = 14 : i64} {
  func.func @_route_body(%arg0: i32, %arg1: i32, %arg2: memref<16384xf32, #tpu.memory_space<hbm>>, %arg3: memref<16xi32, #tpu.memory_space<hbm>>, %arg4: memref<16384xf32, #tpu.memory_space<hbm>>, %arg5: memref<512xf32, #tpu.memory_space<vmem>>, %arg6: memref<512xf32, #tpu.memory_space<vmem>>, %arg7: memref<16xi32, #tpu.memory_space<vmem>>) attributes {dimension_semantics = [#tpu.dimension_semantics<core_parallel>, #tpu.dimension_semantics<subcore_parallel>], iteration_bounds = array<i64: 2, 16>, scalar_prefetch = 0 : i64, scratch_operands = 3 : i64, tpu.core_type = #tpu.core_type<sc_vector_subcore>, window_params = [{transform_indices = #map}, {transform_indices = #map}, {transform_indices = #map}]} {
    %mul3A = arith.constant 2 : i32
    %mul3A_0 = arith.muli %arg1, %mul3A : i32
    %add3A = arith.addi %mul3A_0, %arg0 : i32
    %mul3A_1 = arith.constant 512 : i32
    %mul3A_2 = arith.muli %add3A, %mul3A_1 : i32
    "tpu.region"() ({
      %run_scoped3A = tpu.sem_alloc : memref<!tpu.dma_semaphore, #tpu.memory_space<semaphore_mem>>
      %dma_start3A = tpu.memref_slice %arg2[%mul3A_2] : memref<16384xf32, #tpu.memory_space<hbm>> -> memref<512xf32, #tpu.memory_space<hbm>>
      %dma_start3A_1502 = tpu.memref_slice %arg2[%mul3A_2] : memref<16384xf32, #tpu.memory_space<hbm>> -> memref<512xf32, #tpu.memory_space<hbm>>
      tpu.enqueue_dma source(%dma_start3A_1502 : memref<512xf32, #tpu.memory_space<hbm>>) target(%arg5 : memref<512xf32, #tpu.memory_space<vmem>>) target_semaphore(%run_scoped3A : memref<!tpu.dma_semaphore, #tpu.memory_space<semaphore_mem>>)
      %dma_wait3A = tpu.memref_slice %arg2[%mul3A_2] : memref<16384xf32, #tpu.memory_space<hbm>> -> memref<512xf32, #tpu.memory_space<hbm>>
      %dma_wait3A_1503 = tpu.memref_slice %arg2[%mul3A_2] : memref<16384xf32, #tpu.memory_space<hbm>> -> memref<512xf32, #tpu.memory_space<hbm>>
      tpu.wait_dma2 semaphore(%run_scoped3A : memref<!tpu.dma_semaphore, #tpu.memory_space<semaphore_mem>>) src(%dma_wait3A_1503 : memref<512xf32, #tpu.memory_space<hbm>>) dst(%arg5 : memref<512xf32, #tpu.memory_space<vmem>>)
      tpu.yield
    }) : () -> ()
    "tpu.region"() ({
      %run_scoped3A = tpu.sem_alloc : memref<!tpu.dma_semaphore, #tpu.memory_space<semaphore_mem>>
      tpu.enqueue_dma source(%arg3 : memref<16xi32, #tpu.memory_space<hbm>>) target(%arg7 : memref<16xi32, #tpu.memory_space<vmem>>) target_semaphore(%run_scoped3A : memref<!tpu.dma_semaphore, #tpu.memory_space<semaphore_mem>>)
      tpu.wait_dma2 semaphore(%run_scoped3A : memref<!tpu.dma_semaphore, #tpu.memory_space<semaphore_mem>>) src(%arg3 : memref<16xi32, #tpu.memory_space<hbm>>) dst(%arg7 : memref<16xi32, #tpu.memory_space<vmem>>)
      tpu.yield
    }) : () -> ()
    %get3A = arith.constant 0 : index
    %get3A_3 = tpu.vector_load %arg7[%get3A] {strides = array<i32>} : memref<16xi32, #tpu.memory_space<vmem>>, vector<16xi32>,
    %iota3A = tpu.iota {dimensions = array<i32: 0>} : vector<16xi32>
    %broadcast_in_dim3A = arith.constant -3.40282347E+38 : f32
    %broadcast_in_dim3A_4 = vector.broadcast %broadcast_in_dim3A : f32 to vector<16xf32>
    %mul3A_5 = arith.constant 8 : i32
    %mul3A_6 = vector.broadcast %mul3A_5 : i32 to vector<16xi32>
    %mul3A_7 = arith.muli %iota3A, %mul3A_6 : vector<16xi32>
    %add3A_8 = arith.constant 0 : i32
    %add3A_9 = vector.broadcast %add3A_8 : i32 to vector<16xi32>
    %add3A_10 = arith.addi %mul3A_7, %add3A_9 : vector<16xi32>
    %gather3A = tpu.vector_load_idx %arg5[%add3A_10] : memref<512xf32, #tpu.memory_space<vmem>>[vector<16xi32>], vector<16xf32>,
    %ne3A = arith.constant 0 : i32
    %ne3A_11 = vector.broadcast %ne3A : i32 to vector<16xi32>
    %ne3A_12 = arith.cmpi ne, %get3A_3, %ne3A_11 : vector<16xi32>
    %mul3A_13 = arith.constant 8 : i32
    %mul3A_14 = vector.broadcast %mul3A_13 : i32 to vector<16xi32>
    %mul3A_15 = arith.muli %iota3A, %mul3A_14 : vector<16xi32>
    %add3A_16 = arith.constant 1 : i32
    %add3A_17 = vector.broadcast %add3A_16 : i32 to vector<16xi32>
    %add3A_18 = arith.addi %mul3A_15, %add3A_17 : vector<16xi32>
    %gather3A_19 = tpu.vector_load_idx %arg5[%add3A_18] : memref<512xf32, #tpu.memory_space<vmem>>[vector<16xi32>], vector<16xf32>,
    %ne3A_20 = arith.constant 1 : i32
    %ne3A_21 = vector.broadcast %ne3A_20 : i32 to vector<16xi32>
    %ne3A_22 = arith.cmpi ne, %get3A_3, %ne3A_21 : vector<16xi32>
    %mul3A_23 = arith.constant 8 : i32
    %mul3A_24 = vector.broadcast %mul3A_23 : i32 to vector<16xi32>
    %mul3A_25 = arith.muli %iota3A, %mul3A_24 : vector<16xi32>
    %add3A_26 = arith.constant 2 : i32
    %add3A_27 = vector.broadcast %add3A_26 : i32 to vector<16xi32>
    %add3A_28 = arith.addi %mul3A_25, %add3A_27 : vector<16xi32>
    %gather3A_29 = tpu.vector_load_idx %arg5[%add3A_28] : memref<512xf32, #tpu.memory_space<vmem>>[vector<16xi32>], vector<16xf32>,
    %ne3A_30 = arith.constant 2 : i32
    %ne3A_31 = vector.broadcast %ne3A_30 : i32 to vector<16xi32>
    %ne3A_32 = arith.cmpi ne, %get3A_3, %ne3A_31 : vector<16xi32>
    %mul3A_33 = arith.constant 8 : i32
    %mul3A_34 = vector.broadcast %mul3A_33 : i32 to vector<16xi32>
    %mul3A_35 = arith.muli %iota3A, %mul3A_34 : vector<16xi32>
    %add3A_36 = arith.constant 3 : i32
    %add3A_37 = vector.broadcast %add3A_36 : i32 to vector<16xi32>
    %add3A_38 = arith.addi %mul3A_35, %add3A_37 : vector<16xi32>
    %gather3A_39 = tpu.vector_load_idx %arg5[%add3A_38] : memref<512xf32, #tpu.memory_space<vmem>>[vector<16xi32>], vector<16xf32>,
    %ne3A_40 = arith.constant 3 : i32
    %ne3A_41 = vector.broadcast %ne3A_40 : i32 to vector<16xi32>
    %ne3A_42 = arith.cmpi ne, %get3A_3, %ne3A_41 : vector<16xi32>
    %mul3A_43 = arith.constant 8 : i32
    %mul3A_44 = vector.broadcast %mul3A_43 : i32 to vector<16xi32>
    %mul3A_45 = arith.muli %iota3A, %mul3A_44 : vector<16xi32>
    %add3A_46 = arith.constant 4 : i32
    %add3A_47 = vector.broadcast %add3A_46 : i32 to vector<16xi32>
    %add3A_48 = arith.addi %mul3A_45, %add3A_47 : vector<16xi32>
    %gather3A_49 = tpu.vector_load_idx %arg5[%add3A_48] : memref<512xf32, #tpu.memory_space<vmem>>[vector<16xi32>], vector<16xf32>,
    %ne3A_50 = arith.constant 4 : i32
    %ne3A_51 = vector.broadcast %ne3A_50 : i32 to vector<16xi32>
    %ne3A_52 = arith.cmpi ne, %get3A_3, %ne3A_51 : vector<16xi32>
    %mul3A_53 = arith.constant 8 : i32
    %mul3A_54 = vector.broadcast %mul3A_53 : i32 to vector<16xi32>
    %mul3A_55 = arith.muli %iota3A, %mul3A_54 : vector<16xi32>
    %add3A_56 = arith.constant 5 : i32
    %add3A_57 = vector.broadcast %add3A_56 : i32 to vector<16xi32>
    %add3A_58 = arith.addi %mul3A_55, %add3A_57 : vector<16xi32>
    %gather3A_59 = tpu.vector_load_idx %arg5[%add3A_58] : memref<512xf32, #tpu.memory_space<vmem>>[vector<16xi32>], vector<16xf32>,
    %ne3A_60 = arith.constant 5 : i32
    %ne3A_61 = vector.broadcast %ne3A_60 : i32 to vector<16xi32>
    %ne3A_62 = arith.cmpi ne, %get3A_3, %ne3A_61 : vector<16xi32>
    %mul3A_63 = arith.constant 8 : i32
    %mul3A_64 = vector.broadcast %mul3A_63 : i32 to vector<16xi32>
    %mul3A_65 = arith.muli %iota3A, %mul3A_64 : vector<16xi32>
    %add3A_66 = arith.constant 6 : i32
    %add3A_67 = vector.broadcast %add3A_66 : i32 to vector<16xi32>
    %add3A_68 = arith.addi %mul3A_65, %add3A_67 : vector<16xi32>
    %gather3A_69 = tpu.vector_load_idx %arg5[%add3A_68] : memref<512xf32, #tpu.memory_space<vmem>>[vector<16xi32>], vector<16xf32>,
    %ne3A_70 = arith.constant 6 : i32
    %ne3A_71 = vector.broadcast %ne3A_70 : i32 to vector<16xi32>
    %ne3A_72 = arith.cmpi ne, %get3A_3, %ne3A_71 : vector<16xi32>
    %mul3A_73 = arith.constant 8 : i32
    %mul3A_74 = vector.broadcast %mul3A_73 : i32 to vector<16xi32>
    %mul3A_75 = arith.muli %iota3A, %mul3A_74 : vector<16xi32>
    %add3A_76 = arith.constant 7 : i32
    %add3A_77 = vector.broadcast %add3A_76 : i32 to vector<16xi32>
    %add3A_78 = arith.addi %mul3A_75, %add3A_77 : vector<16xi32>
    %gather3A_79 = tpu.vector_load_idx %arg5[%add3A_78] : memref<512xf32, #tpu.memory_space<vmem>>[vector<16xi32>], vector<16xf32>,
    %ne3A_80 = arith.constant 7 : i32
    %ne3A_81 = vector.broadcast %ne3A_80 : i32 to vector<16xi32>
    %ne3A_82 = arith.cmpi ne, %get3A_3, %ne3A_81 : vector<16xi32>
    %select_n3A = arith.select %ne3A_12, %gather3A, %broadcast_in_dim3A_4 : vector<16xi1>, vector<16xf32>
    %max3A = arith.maximumf %broadcast_in_dim3A_4, %select_n3A : vector<16xf32>
    %select_n3A_83 = arith.select %ne3A_22, %gather3A_19, %broadcast_in_dim3A_4 : vector<16xi1>, vector<16xf32>
    %max3A_84 = arith.maximumf %max3A, %select_n3A_83 : vector<16xf32>
    %select_n3A_85 = arith.select %ne3A_32, %gather3A_29, %broadcast_in_dim3A_4 : vector<16xi1>, vector<16xf32>
    %max3A_86 = arith.maximumf %max3A_84, %select_n3A_85 : vector<16xf32>
    %select_n3A_87 = arith.select %ne3A_42, %gather3A_39, %broadcast_in_dim3A_4 : vector<16xi1>, vector<16xf32>
    %max3A_88 = arith.maximumf %max3A_86, %select_n3A_87 : vector<16xf32>
    %select_n3A_89 = arith.select %ne3A_52, %gather3A_49, %broadcast_in_dim3A_4 : vector<16xi1>, vector<16xf32>
    %max3A_90 = arith.maximumf %max3A_88, %select_n3A_89 : vector<16xf32>
    %select_n3A_91 = arith.select %ne3A_62, %gather3A_59, %broadcast_in_dim3A_4 : vector<16xi1>, vector<16xf32>
    %max3A_92 = arith.maximumf %max3A_90, %select_n3A_91 : vector<16xf32>
    %select_n3A_93 = arith.select %ne3A_72, %gather3A_69, %broadcast_in_dim3A_4 : vector<16xi1>, vector<16xf32>
    %max3A_94 = arith.maximumf %max3A_92, %select_n3A_93 : vector<16xf32>
    %select_n3A_95 = arith.select %ne3A_82, %gather3A_79, %broadcast_in_dim3A_4 : vector<16xi1>, vector<16xf32>
    %max3A_96 = arith.maximumf %max3A_94, %select_n3A_95 : vector<16xf32>
    %broadcast_in_dim3A_97 = arith.constant 8 : i32
    %broadcast_in_dim3A_98 = vector.broadcast %broadcast_in_dim3A_97 : i32 to vector<16xi32>
    %eq3A = arith.cmpf oeq, %gather3A_79, %max3A_96 : vector<16xf32>
    %and3A = arith.andi %ne3A_82, %eq3A : vector<16xi1>
    %broadcast_in_dim3A_99 = arith.constant 7 : i32
    %broadcast_in_dim3A_100 = vector.broadcast %broadcast_in_dim3A_99 : i32 to vector<16xi32>
    %select_n3A_101 = arith.select %and3A, %broadcast_in_dim3A_100, %broadcast_in_dim3A_98 : vector<16xi1>, vector<16xi32>
    %eq3A_102 = arith.cmpf oeq, %gather3A_69, %max3A_96 : vector<16xf32>
    %and3A_103 = arith.andi %ne3A_72, %eq3A_102 : vector<16xi1>
    %broadcast_in_dim3A_104 = arith.constant 6 : i32
    %broadcast_in_dim3A_105 = vector.broadcast %broadcast_in_dim3A_104 : i32 to vector<16xi32>
    %select_n3A_106 = arith.select %and3A_103, %broadcast_in_dim3A_105, %select_n3A_101 : vector<16xi1>, vector<16xi32>
    %eq3A_107 = arith.cmpf oeq, %gather3A_59, %max3A_96 : vector<16xf32>
    %and3A_108 = arith.andi %ne3A_62, %eq3A_107 : vector<16xi1>
    %broadcast_in_dim3A_109 = arith.constant 5 : i32
    %broadcast_in_dim3A_110 = vector.broadcast %broadcast_in_dim3A_109 : i32 to vector<16xi32>
    %select_n3A_111 = arith.select %and3A_108, %broadcast_in_dim3A_110, %select_n3A_106 : vector<16xi1>, vector<16xi32>
    %eq3A_112 = arith.cmpf oeq, %gather3A_49, %max3A_96 : vector<16xf32>
    %and3A_113 = arith.andi %ne3A_52, %eq3A_112 : vector<16xi1>
    %broadcast_in_dim3A_114 = arith.constant 4 : i32
    %broadcast_in_dim3A_115 = vector.broadcast %broadcast_in_dim3A_114 : i32 to vector<16xi32>
    %select_n3A_116 = arith.select %and3A_113, %broadcast_in_dim3A_115, %select_n3A_111 : vector<16xi1>, vector<16xi32>
    %eq3A_117 = arith.cmpf oeq, %gather3A_39, %max3A_96 : vector<16xf32>
    %and3A_118 = arith.andi %ne3A_42, %eq3A_117 : vector<16xi1>
    %broadcast_in_dim3A_119 = arith.constant 3 : i32
    %broadcast_in_dim3A_120 = vector.broadcast %broadcast_in_dim3A_119 : i32 to vector<16xi32>
    %select_n3A_121 = arith.select %and3A_118, %broadcast_in_dim3A_120, %select_n3A_116 : vector<16xi1>, vector<16xi32>
    %eq3A_122 = arith.cmpf oeq, %gather3A_29, %max3A_96 : vector<16xf32>
    %and3A_123 = arith.andi %ne3A_32, %eq3A_122 : vector<16xi1>
    %broadcast_in_dim3A_124 = arith.constant 2 : i32
    %broadcast_in_dim3A_125 = vector.broadcast %broadcast_in_dim3A_124 : i32 to vector<16xi32>
    %select_n3A_126 = arith.select %and3A_123, %broadcast_in_dim3A_125, %select_n3A_121 : vector<16xi1>, vector<16xi32>
    %eq3A_127 = arith.cmpf oeq, %gather3A_19, %max3A_96 : vector<16xf32>
    %and3A_128 = arith.andi %ne3A_22, %eq3A_127 : vector<16xi1>
    %broadcast_in_dim3A_129 = arith.constant 1 : i32
    %broadcast_in_dim3A_130 = vector.broadcast %broadcast_in_dim3A_129 : i32 to vector<16xi32>
    %select_n3A_131 = arith.select %and3A_128, %broadcast_in_dim3A_130, %select_n3A_126 : vector<16xi1>, vector<16xi32>
    %eq3A_132 = arith.cmpf oeq, %gather3A, %max3A_96 : vector<16xf32>
    %and3A_133 = arith.andi %ne3A_12, %eq3A_132 : vector<16xi1>
    %broadcast_in_dim3A_134 = arith.constant 0 : i32
    %broadcast_in_dim3A_135 = vector.broadcast %broadcast_in_dim3A_134 : i32 to vector<16xi32>
    %select_n3A_136 = arith.select %and3A_133, %broadcast_in_dim3A_135, %select_n3A_131 : vector<16xi1>, vector<16xi32>
    %ne3A_137 = arith.constant 0 : i32
    %ne3A_138 = vector.broadcast %ne3A_137 : i32 to vector<16xi32>
    %ne3A_139 = arith.cmpi ne, %select_n3A_136, %ne3A_138 : vector<16xi32>
    %and3A_140 = arith.andi %ne3A_12, %ne3A_139 : vector<16xi1>
    %select_n3A_141 = arith.select %and3A_140, %gather3A, %broadcast_in_dim3A_4 : vector<16xi1>, vector<16xf32>
    %max3A_142 = arith.maximumf %broadcast_in_dim3A_4, %select_n3A_141 : vector<16xf32>
    %ne3A_143 = arith.constant 1 : i32
    %ne3A_144 = vector.broadcast %ne3A_143 : i32 to vector<16xi32>
    %ne3A_145 = arith.cmpi ne, %select_n3A_136, %ne3A_144 : vector<16xi32>
    %and3A_146 = arith.andi %ne3A_22, %ne3A_145 : vector<16xi1>
    %select_n3A_147 = arith.select %and3A_146, %gather3A_19, %broadcast_in_dim3A_4 : vector<16xi1>, vector<16xf32>
    %max3A_148 = arith.maximumf %max3A_142, %select_n3A_147 : vector<16xf32>
    %ne3A_149 = arith.constant 2 : i32
    %ne3A_150 = vector.broadcast %ne3A_149 : i32 to vector<16xi32>
    %ne3A_151 = arith.cmpi ne, %select_n3A_136, %ne3A_150 : vector<16xi32>
    %and3A_152 = arith.andi %ne3A_32, %ne3A_151 : vector<16xi1>
    %select_n3A_153 = arith.select %and3A_152, %gather3A_29, %broadcast_in_dim3A_4 : vector<16xi1>, vector<16xf32>
    %max3A_154 = arith.maximumf %max3A_148, %select_n3A_153 : vector<16xf32>
    %ne3A_155 = arith.constant 3 : i32
    %ne3A_156 = vector.broadcast %ne3A_155 : i32 to vector<16xi32>
    %ne3A_157 = arith.cmpi ne, %select_n3A_136, %ne3A_156 : vector<16xi32>
    %and3A_158 = arith.andi %ne3A_42, %ne3A_157 : vector<16xi1>
    %select_n3A_159 = arith.select %and3A_158, %gather3A_39, %broadcast_in_dim3A_4 : vector<16xi1>, vector<16xf32>
    %max3A_160 = arith.maximumf %max3A_154, %select_n3A_159 : vector<16xf32>
    %ne3A_161 = arith.constant 4 : i32
    %ne3A_162 = vector.broadcast %ne3A_161 : i32 to vector<16xi32>
    %ne3A_163 = arith.cmpi ne, %select_n3A_136, %ne3A_162 : vector<16xi32>
    %and3A_164 = arith.andi %ne3A_52, %ne3A_163 : vector<16xi1>
    %select_n3A_165 = arith.select %and3A_164, %gather3A_49, %broadcast_in_dim3A_4 : vector<16xi1>, vector<16xf32>
    %max3A_166 = arith.maximumf %max3A_160, %select_n3A_165 : vector<16xf32>
    %ne3A_167 = arith.constant 5 : i32
    %ne3A_168 = vector.broadcast %ne3A_167 : i32 to vector<16xi32>
    %ne3A_169 = arith.cmpi ne, %select_n3A_136, %ne3A_168 : vector<16xi32>
    %and3A_170 = arith.andi %ne3A_62, %ne3A_169 : vector<16xi1>
    %select_n3A_171 = arith.select %and3A_170, %gather3A_59, %broadcast_in_dim3A_4 : vector<16xi1>, vector<16xf32>
    %max3A_172 = arith.maximumf %max3A_166, %select_n3A_171 : vector<16xf32>
    %ne3A_173 = arith.constant 6 : i32
    %ne3A_174 = vector.broadcast %ne3A_173 : i32 to vector<16xi32>
    %ne3A_175 = arith.cmpi ne, %select_n3A_136, %ne3A_174 : vector<16xi32>
    %and3A_176 = arith.andi %ne3A_72, %ne3A_175 : vector<16xi1>
    %select_n3A_177 = arith.select %and3A_176, %gather3A_69, %broadcast_in_dim3A_4 : vector<16xi1>, vector<16xf32>
    %max3A_178 = arith.maximumf %max3A_172, %select_n3A_177 : vector<16xf32>
    %ne3A_179 = arith.constant 7 : i32
    %ne3A_180 = vector.broadcast %ne3A_179 : i32 to vector<16xi32>
    %ne3A_181 = arith.cmpi ne, %select_n3A_136, %ne3A_180 : vector<16xi32>
    %and3A_182 = arith.andi %ne3A_82, %ne3A_181 : vector<16xi1>
    %select_n3A_183 = arith.select %and3A_182, %gather3A_79, %broadcast_in_dim3A_4 : vector<16xi1>, vector<16xf32>
    %max3A_184 = arith.maximumf %max3A_178, %select_n3A_183 : vector<16xf32>
    %broadcast_in_dim3A_185 = arith.constant 8 : i32
    %broadcast_in_dim3A_186 = vector.broadcast %broadcast_in_dim3A_185 : i32 to vector<16xi32>
    %ne3A_187 = arith.constant 7 : i32
    %ne3A_188 = vector.broadcast %ne3A_187 : i32 to vector<16xi32>
    %ne3A_189 = arith.cmpi ne, %select_n3A_136, %ne3A_188 : vector<16xi32>
    %and3A_190 = arith.andi %ne3A_82, %ne3A_189 : vector<16xi1>
    %eq3A_191 = arith.cmpf oeq, %gather3A_79, %max3A_184 : vector<16xf32>
    %and3A_192 = arith.andi %and3A_190, %eq3A_191 : vector<16xi1>
    %broadcast_in_dim3A_193 = arith.constant 7 : i32
    %broadcast_in_dim3A_194 = vector.broadcast %broadcast_in_dim3A_193 : i32 to vector<16xi32>
    %select_n3A_195 = arith.select %and3A_192, %broadcast_in_dim3A_194, %broadcast_in_dim3A_186 : vector<16xi1>, vector<16xi32>
    %ne3A_196 = arith.constant 6 : i32
    %ne3A_197 = vector.broadcast %ne3A_196 : i32 to vector<16xi32>
    %ne3A_198 = arith.cmpi ne, %select_n3A_136, %ne3A_197 : vector<16xi32>
    %and3A_199 = arith.andi %ne3A_72, %ne3A_198 : vector<16xi1>
    %eq3A_200 = arith.cmpf oeq, %gather3A_69, %max3A_184 : vector<16xf32>
    %and3A_201 = arith.andi %and3A_199, %eq3A_200 : vector<16xi1>
    %broadcast_in_dim3A_202 = arith.constant 6 : i32
    %broadcast_in_dim3A_203 = vector.broadcast %broadcast_in_dim3A_202 : i32 to vector<16xi32>
    %select_n3A_204 = arith.select %and3A_201, %broadcast_in_dim3A_203, %select_n3A_195 : vector<16xi1>, vector<16xi32>
    %ne3A_205 = arith.constant 5 : i32
    %ne3A_206 = vector.broadcast %ne3A_205 : i32 to vector<16xi32>
    %ne3A_207 = arith.cmpi ne, %select_n3A_136, %ne3A_206 : vector<16xi32>
    %and3A_208 = arith.andi %ne3A_62, %ne3A_207 : vector<16xi1>
    %eq3A_209 = arith.cmpf oeq, %gather3A_59, %max3A_184 : vector<16xf32>
    %and3A_210 = arith.andi %and3A_208, %eq3A_209 : vector<16xi1>
    %broadcast_in_dim3A_211 = arith.constant 5 : i32
    %broadcast_in_dim3A_212 = vector.broadcast %broadcast_in_dim3A_211 : i32 to vector<16xi32>
    %select_n3A_213 = arith.select %and3A_210, %broadcast_in_dim3A_212, %select_n3A_204 : vector<16xi1>, vector<16xi32>
    %ne3A_214 = arith.constant 4 : i32
    %ne3A_215 = vector.broadcast %ne3A_214 : i32 to vector<16xi32>
    %ne3A_216 = arith.cmpi ne, %select_n3A_136, %ne3A_215 : vector<16xi32>
    %and3A_217 = arith.andi %ne3A_52, %ne3A_216 : vector<16xi1>
    %eq3A_218 = arith.cmpf oeq, %gather3A_49, %max3A_184 : vector<16xf32>
    %and3A_219 = arith.andi %and3A_217, %eq3A_218 : vector<16xi1>
    %broadcast_in_dim3A_220 = arith.constant 4 : i32
    %broadcast_in_dim3A_221 = vector.broadcast %broadcast_in_dim3A_220 : i32 to vector<16xi32>
    %select_n3A_222 = arith.select %and3A_219, %broadcast_in_dim3A_221, %select_n3A_213 : vector<16xi1>, vector<16xi32>
    %ne3A_223 = arith.constant 3 : i32
    %ne3A_224 = vector.broadcast %ne3A_223 : i32 to vector<16xi32>
    %ne3A_225 = arith.cmpi ne, %select_n3A_136, %ne3A_224 : vector<16xi32>
    %and3A_226 = arith.andi %ne3A_42, %ne3A_225 : vector<16xi1>
    %eq3A_227 = arith.cmpf oeq, %gather3A_39, %max3A_184 : vector<16xf32>
    %and3A_228 = arith.andi %and3A_226, %eq3A_227 : vector<16xi1>
    %broadcast_in_dim3A_229 = arith.constant 3 : i32
    %broadcast_in_dim3A_230 = vector.broadcast %broadcast_in_dim3A_229 : i32 to vector<16xi32>
    %select_n3A_231 = arith.select %and3A_228, %broadcast_in_dim3A_230, %select_n3A_222 : vector<16xi1>, vector<16xi32>
    %ne3A_232 = arith.constant 2 : i32
    %ne3A_233 = vector.broadcast %ne3A_232 : i32 to vector<16xi32>
    %ne3A_234 = arith.cmpi ne, %select_n3A_136, %ne3A_233 : vector<16xi32>
    %and3A_235 = arith.andi %ne3A_32, %ne3A_234 : vector<16xi1>
    %eq3A_236 = arith.cmpf oeq, %gather3A_29, %max3A_184 : vector<16xf32>
    %and3A_237 = arith.andi %and3A_235, %eq3A_236 : vector<16xi1>
    %broadcast_in_dim3A_238 = arith.constant 2 : i32
    %broadcast_in_dim3A_239 = vector.broadcast %broadcast_in_dim3A_238 : i32 to vector<16xi32>
    %select_n3A_240 = arith.select %and3A_237, %broadcast_in_dim3A_239, %select_n3A_231 : vector<16xi1>, vector<16xi32>
    %ne3A_241 = arith.constant 1 : i32
    %ne3A_242 = vector.broadcast %ne3A_241 : i32 to vector<16xi32>
    %ne3A_243 = arith.cmpi ne, %select_n3A_136, %ne3A_242 : vector<16xi32>
    %and3A_244 = arith.andi %ne3A_22, %ne3A_243 : vector<16xi1>
    %eq3A_245 = arith.cmpf oeq, %gather3A_19, %max3A_184 : vector<16xf32>
    %and3A_246 = arith.andi %and3A_244, %eq3A_245 : vector<16xi1>
    %broadcast_in_dim3A_247 = arith.constant 1 : i32
    %broadcast_in_dim3A_248 = vector.broadcast %broadcast_in_dim3A_247 : i32 to vector<16xi32>
    %select_n3A_249 = arith.select %and3A_246, %broadcast_in_dim3A_248, %select_n3A_240 : vector<16xi1>, vector<16xi32>
    %ne3A_250 = arith.constant 0 : i32
    %ne3A_251 = vector.broadcast %ne3A_250 : i32 to vector<16xi32>
    %ne3A_252 = arith.cmpi ne, %select_n3A_136, %ne3A_251 : vector<16xi32>
    %and3A_253 = arith.andi %ne3A_12, %ne3A_252 : vector<16xi1>
    %eq3A_254 = arith.cmpf oeq, %gather3A, %max3A_184 : vector<16xf32>
    %and3A_255 = arith.andi %and3A_253, %eq3A_254 : vector<16xi1>
    %broadcast_in_dim3A_256 = arith.constant 0 : i32
    %broadcast_in_dim3A_257 = vector.broadcast %broadcast_in_dim3A_256 : i32 to vector<16xi32>
    %select_n3A_258 = arith.select %and3A_255, %broadcast_in_dim3A_257, %select_n3A_249 : vector<16xi1>, vector<16xi32>
    %broadcast_in_dim3A_259 = arith.constant 0.000000e+00 : f32
    %broadcast_in_dim3A_260 = vector.broadcast %broadcast_in_dim3A_259 : f32 to vector<16xf32>
    %eq3A_261 = arith.constant 0 : i32
    %eq3A_262 = vector.broadcast %eq3A_261 : i32 to vector<16xi32>
    %eq3A_263 = arith.cmpi eq, %select_n3A_136, %eq3A_262 : vector<16xi32>
    %eq3A_264 = arith.constant 0 : i32
    %eq3A_265 = vector.broadcast %eq3A_264 : i32 to vector<16xi32>
    %eq3A_266 = arith.cmpi eq, %select_n3A_258, %eq3A_265 : vector<16xi32>
    %or3A = arith.ori %eq3A_263, %eq3A_266 : vector<16xi1>
    %sub3A = arith.subf %gather3A, %max3A_96 : vector<16xf32>
    %exp3A = math.exp %sub3A : vector<16xf32>
    %jit3A = arith.constant 0.000000e+00 : f32
    %broadcast_in_dim3A_267 = vector.broadcast %jit3A : f32 to vector<16xf32>
    %select_n3A_268 = arith.select %or3A, %exp3A, %broadcast_in_dim3A_267 : vector<16xi1>, vector<16xf32>
    %add3A_269 = arith.addf %broadcast_in_dim3A_260, %select_n3A_268 : vector<16xf32>
    %eq3A_270 = arith.constant 1 : i32
    %eq3A_271 = vector.broadcast %eq3A_270 : i32 to vector<16xi32>
    %eq3A_272 = arith.cmpi eq, %select_n3A_136, %eq3A_271 : vector<16xi32>
    %eq3A_273 = arith.constant 1 : i32
    %eq3A_274 = vector.broadcast %eq3A_273 : i32 to vector<16xi32>
    %eq3A_275 = arith.cmpi eq, %select_n3A_258, %eq3A_274 : vector<16xi32>
    %or3A_276 = arith.ori %eq3A_272, %eq3A_275 : vector<16xi1>
    %sub3A_277 = arith.subf %gather3A_19, %max3A_96 : vector<16xf32>
    %exp3A_278 = math.exp %sub3A_277 : vector<16xf32>
    %jit3A_279 = arith.constant 0.000000e+00 : f32
    %broadcast_in_dim3A_280 = vector.broadcast %jit3A_279 : f32 to vector<16xf32>
    %select_n3A_281 = arith.select %or3A_276, %exp3A_278, %broadcast_in_dim3A_280 : vector<16xi1>, vector<16xf32>
    %add3A_282 = arith.addf %add3A_269, %select_n3A_281 : vector<16xf32>
    %eq3A_283 = arith.constant 2 : i32
    %eq3A_284 = vector.broadcast %eq3A_283 : i32 to vector<16xi32>
    %eq3A_285 = arith.cmpi eq, %select_n3A_136, %eq3A_284 : vector<16xi32>
    %eq3A_286 = arith.constant 2 : i32
    %eq3A_287 = vector.broadcast %eq3A_286 : i32 to vector<16xi32>
    %eq3A_288 = arith.cmpi eq, %select_n3A_258, %eq3A_287 : vector<16xi32>
    %or3A_289 = arith.ori %eq3A_285, %eq3A_288 : vector<16xi1>
    %sub3A_290 = arith.subf %gather3A_29, %max3A_96 : vector<16xf32>
    %exp3A_291 = math.exp %sub3A_290 : vector<16xf32>
    %jit3A_292 = arith.constant 0.000000e+00 : f32
    %broadcast_in_dim3A_293 = vector.broadcast %jit3A_292 : f32 to vector<16xf32>
    %select_n3A_294 = arith.select %or3A_289, %exp3A_291, %broadcast_in_dim3A_293 : vector<16xi1>, vector<16xf32>
    %add3A_295 = arith.addf %add3A_282, %select_n3A_294 : vector<16xf32>
    %eq3A_296 = arith.constant 3 : i32
    %eq3A_297 = vector.broadcast %eq3A_296 : i32 to vector<16xi32>
    %eq3A_298 = arith.cmpi eq, %select_n3A_136, %eq3A_297 : vector<16xi32>
    %eq3A_299 = arith.constant 3 : i32
    %eq3A_300 = vector.broadcast %eq3A_299 : i32 to vector<16xi32>
    %eq3A_301 = arith.cmpi eq, %select_n3A_258, %eq3A_300 : vector<16xi32>
    %or3A_302 = arith.ori %eq3A_298, %eq3A_301 : vector<16xi1>
    %sub3A_303 = arith.subf %gather3A_39, %max3A_96 : vector<16xf32>
    %exp3A_304 = math.exp %sub3A_303 : vector<16xf32>
    %jit3A_305 = arith.constant 0.000000e+00 : f32
    %broadcast_in_dim3A_306 = vector.broadcast %jit3A_305 : f32 to vector<16xf32>
    %select_n3A_307 = arith.select %or3A_302, %exp3A_304, %broadcast_in_dim3A_306 : vector<16xi1>, vector<16xf32>
    %add3A_308 = arith.addf %add3A_295, %select_n3A_307 : vector<16xf32>
    %eq3A_309 = arith.constant 4 : i32
    %eq3A_310 = vector.broadcast %eq3A_309 : i32 to vector<16xi32>
    %eq3A_311 = arith.cmpi eq, %select_n3A_136, %eq3A_310 : vector<16xi32>
    %eq3A_312 = arith.constant 4 : i32
    %eq3A_313 = vector.broadcast %eq3A_312 : i32 to vector<16xi32>
    %eq3A_314 = arith.cmpi eq, %select_n3A_258, %eq3A_313 : vector<16xi32>
    %or3A_315 = arith.ori %eq3A_311, %eq3A_314 : vector<16xi1>
    %sub3A_316 = arith.subf %gather3A_49, %max3A_96 : vector<16xf32>
    %exp3A_317 = math.exp %sub3A_316 : vector<16xf32>
    %jit3A_318 = arith.constant 0.000000e+00 : f32
    %broadcast_in_dim3A_319 = vector.broadcast %jit3A_318 : f32 to vector<16xf32>
    %select_n3A_320 = arith.select %or3A_315, %exp3A_317, %broadcast_in_dim3A_319 : vector<16xi1>, vector<16xf32>
    %add3A_321 = arith.addf %add3A_308, %select_n3A_320 : vector<16xf32>
    %eq3A_322 = arith.constant 5 : i32
    %eq3A_323 = vector.broadcast %eq3A_322 : i32 to vector<16xi32>
    %eq3A_324 = arith.cmpi eq, %select_n3A_136, %eq3A_323 : vector<16xi32>
    %eq3A_325 = arith.constant 5 : i32
    %eq3A_326 = vector.broadcast %eq3A_325 : i32 to vector<16xi32>
    %eq3A_327 = arith.cmpi eq, %select_n3A_258, %eq3A_326 : vector<16xi32>
    %or3A_328 = arith.ori %eq3A_324, %eq3A_327 : vector<16xi1>
    %sub3A_329 = arith.subf %gather3A_59, %max3A_96 : vector<16xf32>
    %exp3A_330 = math.exp %sub3A_329 : vector<16xf32>
    %jit3A_331 = arith.constant 0.000000e+00 : f32
    %broadcast_in_dim3A_332 = vector.broadcast %jit3A_331 : f32 to vector<16xf32>
    %select_n3A_333 = arith.select %or3A_328, %exp3A_330, %broadcast_in_dim3A_332 : vector<16xi1>, vector<16xf32>
    %add3A_334 = arith.addf %add3A_321, %select_n3A_333 : vector<16xf32>
    %eq3A_335 = arith.constant 6 : i32
    %eq3A_336 = vector.broadcast %eq3A_335 : i32 to vector<16xi32>
    %eq3A_337 = arith.cmpi eq, %select_n3A_136, %eq3A_336 : vector<16xi32>
    %eq3A_338 = arith.constant 6 : i32
    %eq3A_339 = vector.broadcast %eq3A_338 : i32 to vector<16xi32>
    %eq3A_340 = arith.cmpi eq, %select_n3A_258, %eq3A_339 : vector<16xi32>
    %or3A_341 = arith.ori %eq3A_337, %eq3A_340 : vector<16xi1>
    %sub3A_342 = arith.subf %gather3A_69, %max3A_96 : vector<16xf32>
    %exp3A_343 = math.exp %sub3A_342 : vector<16xf32>
    %jit3A_344 = arith.constant 0.000000e+00 : f32
    %broadcast_in_dim3A_345 = vector.broadcast %jit3A_344 : f32 to vector<16xf32>
    %select_n3A_346 = arith.select %or3A_341, %exp3A_343, %broadcast_in_dim3A_345 : vector<16xi1>, vector<16xf32>
    %add3A_347 = arith.addf %add3A_334, %select_n3A_346 : vector<16xf32>
    %eq3A_348 = arith.constant 7 : i32
    %eq3A_349 = vector.broadcast %eq3A_348 : i32 to vector<16xi32>
    %eq3A_350 = arith.cmpi eq, %select_n3A_136, %eq3A_349 : vector<16xi32>
    %eq3A_351 = arith.constant 7 : i32
    %eq3A_352 = vector.broadcast %eq3A_351 : i32 to vector<16xi32>
    %eq3A_353 = arith.cmpi eq, %select_n3A_258, %eq3A_352 : vector<16xi32>
    %or3A_354 = arith.ori %eq3A_350, %eq3A_353 : vector<16xi1>
    %sub3A_355 = arith.subf %gather3A_79, %max3A_96 : vector<16xf32>
    %exp3A_356 = math.exp %sub3A_355 : vector<16xf32>
    %jit3A_357 = arith.constant 0.000000e+00 : f32
    %broadcast_in_dim3A_358 = vector.broadcast %jit3A_357 : f32 to vector<16xf32>
    %select_n3A_359 = arith.select %or3A_354, %exp3A_356, %broadcast_in_dim3A_358 : vector<16xi1>, vector<16xf32>
    %add3A_360 = arith.addf %add3A_347, %select_n3A_359 : vector<16xf32>
    %div3A = arith.constant 1.000000e+00 : f32
    %div3A_361 = vector.broadcast %div3A : f32 to vector<16xf32>
    %div3A_362 = arith.divf %div3A_361, %add3A_360 : vector<16xf32>
    %mul3A_363 = arith.mulf %select_n3A_268, %div3A_362 : vector<16xf32>
    tpu.vector_store_idx %arg6[%add3A_10], %mul3A_363 : memref<512xf32, #tpu.memory_space<vmem>>[vector<16xi32>], vector<16xf32>,
    %mul3A_364 = arith.mulf %select_n3A_281, %div3A_362 : vector<16xf32>
    tpu.vector_store_idx %arg6[%add3A_18], %mul3A_364 : memref<512xf32, #tpu.memory_space<vmem>>[vector<16xi32>], vector<16xf32>,
    %mul3A_365 = arith.mulf %select_n3A_294, %div3A_362 : vector<16xf32>
    tpu.vector_store_idx %arg6[%add3A_28], %mul3A_365 : memref<512xf32, #tpu.memory_space<vmem>>[vector<16xi32>], vector<16xf32>,
    %mul3A_366 = arith.mulf %select_n3A_307, %div3A_362 : vector<16xf32>
    tpu.vector_store_idx %arg6[%add3A_38], %mul3A_366 : memref<512xf32, #tpu.memory_space<vmem>>[vector<16xi32>], vector<16xf32>,
    %mul3A_367 = arith.mulf %select_n3A_320, %div3A_362 : vector<16xf32>
    tpu.vector_store_idx %arg6[%add3A_48], %mul3A_367 : memref<512xf32, #tpu.memory_space<vmem>>[vector<16xi32>], vector<16xf32>,
    %mul3A_368 = arith.mulf %select_n3A_333, %div3A_362 : vector<16xf32>
    tpu.vector_store_idx %arg6[%add3A_58], %mul3A_368 : memref<512xf32, #tpu.memory_space<vmem>>[vector<16xi32>], vector<16xf32>,
    %mul3A_369 = arith.mulf %select_n3A_346, %div3A_362 : vector<16xf32>
    tpu.vector_store_idx %arg6[%add3A_68], %mul3A_369 : memref<512xf32, #tpu.memory_space<vmem>>[vector<16xi32>], vector<16xf32>,
    %mul3A_370 = arith.mulf %select_n3A_359, %div3A_362 : vector<16xf32>
    tpu.vector_store_idx %arg6[%add3A_78], %mul3A_370 : memref<512xf32, #tpu.memory_space<vmem>>[vector<16xi32>], vector<16xf32>,
    %mul3A_371 = arith.constant 8 : i32
    %mul3A_372 = vector.broadcast %mul3A_371 : i32 to vector<16xi32>
    %mul3A_373 = arith.muli %iota3A, %mul3A_372 : vector<16xi32>
    %add3A_374 = arith.constant 128 : i32
    %add3A_375 = vector.broadcast %add3A_374 : i32 to vector<16xi32>
    %add3A_376 = arith.addi %mul3A_373, %add3A_375 : vector<16xi32>
    %gather3A_377 = tpu.vector_load_idx %arg5[%add3A_376] : memref<512xf32, #tpu.memory_space<vmem>>[vector<16xi32>], vector<16xf32>,
    %ne3A_378 = arith.constant 0 : i32
    %ne3A_379 = vector.broadcast %ne3A_378 : i32 to vector<16xi32>
    %ne3A_380 = arith.cmpi ne, %get3A_3, %ne3A_379 : vector<16xi32>
    %mul3A_381 = arith.constant 8 : i32
    %mul3A_382 = vector.broadcast %mul3A_381 : i32 to vector<16xi32>
    %mul3A_383 = arith.muli %iota3A, %mul3A_382 : vector<16xi32>
    %add3A_384 = arith.constant 129 : i32
    %add3A_385 = vector.broadcast %add3A_384 : i32 to vector<16xi32>
    %add3A_386 = arith.addi %mul3A_383, %add3A_385 : vector<16xi32>
    %gather3A_387 = tpu.vector_load_idx %arg5[%add3A_386] : memref<512xf32, #tpu.memory_space<vmem>>[vector<16xi32>], vector<16xf32>,
    %ne3A_388 = arith.constant 1 : i32
    %ne3A_389 = vector.broadcast %ne3A_388 : i32 to vector<16xi32>
    %ne3A_390 = arith.cmpi ne, %get3A_3, %ne3A_389 : vector<16xi32>
    %mul3A_391 = arith.constant 8 : i32
    %mul3A_392 = vector.broadcast %mul3A_391 : i32 to vector<16xi32>
    %mul3A_393 = arith.muli %iota3A, %mul3A_392 : vector<16xi32>
    %add3A_394 = arith.constant 130 : i32
    %add3A_395 = vector.broadcast %add3A_394 : i32 to vector<16xi32>
    %add3A_396 = arith.addi %mul3A_393, %add3A_395 : vector<16xi32>
    %gather3A_397 = tpu.vector_load_idx %arg5[%add3A_396] : memref<512xf32, #tpu.memory_space<vmem>>[vector<16xi32>], vector<16xf32>,
    %ne3A_398 = arith.constant 2 : i32
    %ne3A_399 = vector.broadcast %ne3A_398 : i32 to vector<16xi32>
    %ne3A_400 = arith.cmpi ne, %get3A_3, %ne3A_399 : vector<16xi32>
    %mul3A_401 = arith.constant 8 : i32
    %mul3A_402 = vector.broadcast %mul3A_401 : i32 to vector<16xi32>
    %mul3A_403 = arith.muli %iota3A, %mul3A_402 : vector<16xi32>
    %add3A_404 = arith.constant 131 : i32
    %add3A_405 = vector.broadcast %add3A_404 : i32 to vector<16xi32>
    %add3A_406 = arith.addi %mul3A_403, %add3A_405 : vector<16xi32>
    %gather3A_407 = tpu.vector_load_idx %arg5[%add3A_406] : memref<512xf32, #tpu.memory_space<vmem>>[vector<16xi32>], vector<16xf32>,
    %ne3A_408 = arith.constant 3 : i32
    %ne3A_409 = vector.broadcast %ne3A_408 : i32 to vector<16xi32>
    %ne3A_410 = arith.cmpi ne, %get3A_3, %ne3A_409 : vector<16xi32>
    %mul3A_411 = arith.constant 8 : i32
    %mul3A_412 = vector.broadcast %mul3A_411 : i32 to vector<16xi32>
    %mul3A_413 = arith.muli %iota3A, %mul3A_412 : vector<16xi32>
    %add3A_414 = arith.constant 132 : i32
    %add3A_415 = vector.broadcast %add3A_414 : i32 to vector<16xi32>
    %add3A_416 = arith.addi %mul3A_413, %add3A_415 : vector<16xi32>
    %gather3A_417 = tpu.vector_load_idx %arg5[%add3A_416] : memref<512xf32, #tpu.memory_space<vmem>>[vector<16xi32>], vector<16xf32>,
    %ne3A_418 = arith.constant 4 : i32
    %ne3A_419 = vector.broadcast %ne3A_418 : i32 to vector<16xi32>
    %ne3A_420 = arith.cmpi ne, %get3A_3, %ne3A_419 : vector<16xi32>
    %mul3A_421 = arith.constant 8 : i32
    %mul3A_422 = vector.broadcast %mul3A_421 : i32 to vector<16xi32>
    %mul3A_423 = arith.muli %iota3A, %mul3A_422 : vector<16xi32>
    %add3A_424 = arith.constant 133 : i32
    %add3A_425 = vector.broadcast %add3A_424 : i32 to vector<16xi32>
    %add3A_426 = arith.addi %mul3A_423, %add3A_425 : vector<16xi32>
    %gather3A_427 = tpu.vector_load_idx %arg5[%add3A_426] : memref<512xf32, #tpu.memory_space<vmem>>[vector<16xi32>], vector<16xf32>,
    %ne3A_428 = arith.constant 5 : i32
    %ne3A_429 = vector.broadcast %ne3A_428 : i32 to vector<16xi32>
    %ne3A_430 = arith.cmpi ne, %get3A_3, %ne3A_429 : vector<16xi32>
    %mul3A_431 = arith.constant 8 : i32
    %mul3A_432 = vector.broadcast %mul3A_431 : i32 to vector<16xi32>
    %mul3A_433 = arith.muli %iota3A, %mul3A_432 : vector<16xi32>
    %add3A_434 = arith.constant 134 : i32
    %add3A_435 = vector.broadcast %add3A_434 : i32 to vector<16xi32>
    %add3A_436 = arith.addi %mul3A_433, %add3A_435 : vector<16xi32>
    %gather3A_437 = tpu.vector_load_idx %arg5[%add3A_436] : memref<512xf32, #tpu.memory_space<vmem>>[vector<16xi32>], vector<16xf32>,
    %ne3A_438 = arith.constant 6 : i32
    %ne3A_439 = vector.broadcast %ne3A_438 : i32 to vector<16xi32>
    %ne3A_440 = arith.cmpi ne, %get3A_3, %ne3A_439 : vector<16xi32>
    %mul3A_441 = arith.constant 8 : i32
    %mul3A_442 = vector.broadcast %mul3A_441 : i32 to vector<16xi32>
    %mul3A_443 = arith.muli %iota3A, %mul3A_442 : vector<16xi32>
    %add3A_444 = arith.constant 135 : i32
    %add3A_445 = vector.broadcast %add3A_444 : i32 to vector<16xi32>
    %add3A_446 = arith.addi %mul3A_443, %add3A_445 : vector<16xi32>
    %gather3A_447 = tpu.vector_load_idx %arg5[%add3A_446] : memref<512xf32, #tpu.memory_space<vmem>>[vector<16xi32>], vector<16xf32>,
    %ne3A_448 = arith.constant 7 : i32
    %ne3A_449 = vector.broadcast %ne3A_448 : i32 to vector<16xi32>
    %ne3A_450 = arith.cmpi ne, %get3A_3, %ne3A_449 : vector<16xi32>
    %select_n3A_451 = arith.select %ne3A_380, %gather3A_377, %broadcast_in_dim3A_4 : vector<16xi1>, vector<16xf32>
    %max3A_452 = arith.maximumf %broadcast_in_dim3A_4, %select_n3A_451 : vector<16xf32>
    %select_n3A_453 = arith.select %ne3A_390, %gather3A_387, %broadcast_in_dim3A_4 : vector<16xi1>, vector<16xf32>
    %max3A_454 = arith.maximumf %max3A_452, %select_n3A_453 : vector<16xf32>
    %select_n3A_455 = arith.select %ne3A_400, %gather3A_397, %broadcast_in_dim3A_4 : vector<16xi1>, vector<16xf32>
    %max3A_456 = arith.maximumf %max3A_454, %select_n3A_455 : vector<16xf32>
    %select_n3A_457 = arith.select %ne3A_410, %gather3A_407, %broadcast_in_dim3A_4 : vector<16xi1>, vector<16xf32>
    %max3A_458 = arith.maximumf %max3A_456, %select_n3A_457 : vector<16xf32>
    %select_n3A_459 = arith.select %ne3A_420, %gather3A_417, %broadcast_in_dim3A_4 : vector<16xi1>, vector<16xf32>
    %max3A_460 = arith.maximumf %max3A_458, %select_n3A_459 : vector<16xf32>
    %select_n3A_461 = arith.select %ne3A_430, %gather3A_427, %broadcast_in_dim3A_4 : vector<16xi1>, vector<16xf32>
    %max3A_462 = arith.maximumf %max3A_460, %select_n3A_461 : vector<16xf32>
    %select_n3A_463 = arith.select %ne3A_440, %gather3A_437, %broadcast_in_dim3A_4 : vector<16xi1>, vector<16xf32>
    %max3A_464 = arith.maximumf %max3A_462, %select_n3A_463 : vector<16xf32>
    %select_n3A_465 = arith.select %ne3A_450, %gather3A_447, %broadcast_in_dim3A_4 : vector<16xi1>, vector<16xf32>
    %max3A_466 = arith.maximumf %max3A_464, %select_n3A_465 : vector<16xf32>
    %broadcast_in_dim3A_467 = arith.constant 8 : i32
    %broadcast_in_dim3A_468 = vector.broadcast %broadcast_in_dim3A_467 : i32 to vector<16xi32>
    %eq3A_469 = arith.cmpf oeq, %gather3A_447, %max3A_466 : vector<16xf32>
    %and3A_470 = arith.andi %ne3A_450, %eq3A_469 : vector<16xi1>
    %broadcast_in_dim3A_471 = arith.constant 7 : i32
    %broadcast_in_dim3A_472 = vector.broadcast %broadcast_in_dim3A_471 : i32 to vector<16xi32>
    %select_n3A_473 = arith.select %and3A_470, %broadcast_in_dim3A_472, %broadcast_in_dim3A_468 : vector<16xi1>, vector<16xi32>
    %eq3A_474 = arith.cmpf oeq, %gather3A_437, %max3A_466 : vector<16xf32>
    %and3A_475 = arith.andi %ne3A_440, %eq3A_474 : vector<16xi1>
    %broadcast_in_dim3A_476 = arith.constant 6 : i32
    %broadcast_in_dim3A_477 = vector.broadcast %broadcast_in_dim3A_476 : i32 to vector<16xi32>
    %select_n3A_478 = arith.select %and3A_475, %broadcast_in_dim3A_477, %select_n3A_473 : vector<16xi1>, vector<16xi32>
    %eq3A_479 = arith.cmpf oeq, %gather3A_427, %max3A_466 : vector<16xf32>
    %and3A_480 = arith.andi %ne3A_430, %eq3A_479 : vector<16xi1>
    %broadcast_in_dim3A_481 = arith.constant 5 : i32
    %broadcast_in_dim3A_482 = vector.broadcast %broadcast_in_dim3A_481 : i32 to vector<16xi32>
    %select_n3A_483 = arith.select %and3A_480, %broadcast_in_dim3A_482, %select_n3A_478 : vector<16xi1>, vector<16xi32>
    %eq3A_484 = arith.cmpf oeq, %gather3A_417, %max3A_466 : vector<16xf32>
    %and3A_485 = arith.andi %ne3A_420, %eq3A_484 : vector<16xi1>
    %broadcast_in_dim3A_486 = arith.constant 4 : i32
    %broadcast_in_dim3A_487 = vector.broadcast %broadcast_in_dim3A_486 : i32 to vector<16xi32>
    %select_n3A_488 = arith.select %and3A_485, %broadcast_in_dim3A_487, %select_n3A_483 : vector<16xi1>, vector<16xi32>
    %eq3A_489 = arith.cmpf oeq, %gather3A_407, %max3A_466 : vector<16xf32>
    %and3A_490 = arith.andi %ne3A_410, %eq3A_489 : vector<16xi1>
    %broadcast_in_dim3A_491 = arith.constant 3 : i32
    %broadcast_in_dim3A_492 = vector.broadcast %broadcast_in_dim3A_491 : i32 to vector<16xi32>
    %select_n3A_493 = arith.select %and3A_490, %broadcast_in_dim3A_492, %select_n3A_488 : vector<16xi1>, vector<16xi32>
    %eq3A_494 = arith.cmpf oeq, %gather3A_397, %max3A_466 : vector<16xf32>
    %and3A_495 = arith.andi %ne3A_400, %eq3A_494 : vector<16xi1>
    %broadcast_in_dim3A_496 = arith.constant 2 : i32
    %broadcast_in_dim3A_497 = vector.broadcast %broadcast_in_dim3A_496 : i32 to vector<16xi32>
    %select_n3A_498 = arith.select %and3A_495, %broadcast_in_dim3A_497, %select_n3A_493 : vector<16xi1>, vector<16xi32>
    %eq3A_499 = arith.cmpf oeq, %gather3A_387, %max3A_466 : vector<16xf32>
    %and3A_500 = arith.andi %ne3A_390, %eq3A_499 : vector<16xi1>
    %broadcast_in_dim3A_501 = arith.constant 1 : i32
    %broadcast_in_dim3A_502 = vector.broadcast %broadcast_in_dim3A_501 : i32 to vector<16xi32>
    %select_n3A_503 = arith.select %and3A_500, %broadcast_in_dim3A_502, %select_n3A_498 : vector<16xi1>, vector<16xi32>
    %eq3A_504 = arith.cmpf oeq, %gather3A_377, %max3A_466 : vector<16xf32>
    %and3A_505 = arith.andi %ne3A_380, %eq3A_504 : vector<16xi1>
    %broadcast_in_dim3A_506 = arith.constant 0 : i32
    %broadcast_in_dim3A_507 = vector.broadcast %broadcast_in_dim3A_506 : i32 to vector<16xi32>
    %select_n3A_508 = arith.select %and3A_505, %broadcast_in_dim3A_507, %select_n3A_503 : vector<16xi1>, vector<16xi32>
    %ne3A_509 = arith.constant 0 : i32
    %ne3A_510 = vector.broadcast %ne3A_509 : i32 to vector<16xi32>
    %ne3A_511 = arith.cmpi ne, %select_n3A_508, %ne3A_510 : vector<16xi32>
    %and3A_512 = arith.andi %ne3A_380, %ne3A_511 : vector<16xi1>
    %select_n3A_513 = arith.select %and3A_512, %gather3A_377, %broadcast_in_dim3A_4 : vector<16xi1>, vector<16xf32>
    %max3A_514 = arith.maximumf %broadcast_in_dim3A_4, %select_n3A_513 : vector<16xf32>
    %ne3A_515 = arith.constant 1 : i32
    %ne3A_516 = vector.broadcast %ne3A_515 : i32 to vector<16xi32>
    %ne3A_517 = arith.cmpi ne, %select_n3A_508, %ne3A_516 : vector<16xi32>
    %and3A_518 = arith.andi %ne3A_390, %ne3A_517 : vector<16xi1>
    %select_n3A_519 = arith.select %and3A_518, %gather3A_387, %broadcast_in_dim3A_4 : vector<16xi1>, vector<16xf32>
    %max3A_520 = arith.maximumf %max3A_514, %select_n3A_519 : vector<16xf32>
    %ne3A_521 = arith.constant 2 : i32
    %ne3A_522 = vector.broadcast %ne3A_521 : i32 to vector<16xi32>
    %ne3A_523 = arith.cmpi ne, %select_n3A_508, %ne3A_522 : vector<16xi32>
    %and3A_524 = arith.andi %ne3A_400, %ne3A_523 : vector<16xi1>
    %select_n3A_525 = arith.select %and3A_524, %gather3A_397, %broadcast_in_dim3A_4 : vector<16xi1>, vector<16xf32>
    %max3A_526 = arith.maximumf %max3A_520, %select_n3A_525 : vector<16xf32>
    %ne3A_527 = arith.constant 3 : i32
    %ne3A_528 = vector.broadcast %ne3A_527 : i32 to vector<16xi32>
    %ne3A_529 = arith.cmpi ne, %select_n3A_508, %ne3A_528 : vector<16xi32>
    %and3A_530 = arith.andi %ne3A_410, %ne3A_529 : vector<16xi1>
    %select_n3A_531 = arith.select %and3A_530, %gather3A_407, %broadcast_in_dim3A_4 : vector<16xi1>, vector<16xf32>
    %max3A_532 = arith.maximumf %max3A_526, %select_n3A_531 : vector<16xf32>
    %ne3A_533 = arith.constant 4 : i32
    %ne3A_534 = vector.broadcast %ne3A_533 : i32 to vector<16xi32>
    %ne3A_535 = arith.cmpi ne, %select_n3A_508, %ne3A_534 : vector<16xi32>
    %and3A_536 = arith.andi %ne3A_420, %ne3A_535 : vector<16xi1>
    %select_n3A_537 = arith.select %and3A_536, %gather3A_417, %broadcast_in_dim3A_4 : vector<16xi1>, vector<16xf32>
    %max3A_538 = arith.maximumf %max3A_532, %select_n3A_537 : vector<16xf32>
    %ne3A_539 = arith.constant 5 : i32
    %ne3A_540 = vector.broadcast %ne3A_539 : i32 to vector<16xi32>
    %ne3A_541 = arith.cmpi ne, %select_n3A_508, %ne3A_540 : vector<16xi32>
    %and3A_542 = arith.andi %ne3A_430, %ne3A_541 : vector<16xi1>
    %select_n3A_543 = arith.select %and3A_542, %gather3A_427, %broadcast_in_dim3A_4 : vector<16xi1>, vector<16xf32>
    %max3A_544 = arith.maximumf %max3A_538, %select_n3A_543 : vector<16xf32>
    %ne3A_545 = arith.constant 6 : i32
    %ne3A_546 = vector.broadcast %ne3A_545 : i32 to vector<16xi32>
    %ne3A_547 = arith.cmpi ne, %select_n3A_508, %ne3A_546 : vector<16xi32>
    %and3A_548 = arith.andi %ne3A_440, %ne3A_547 : vector<16xi1>
    %select_n3A_549 = arith.select %and3A_548, %gather3A_437, %broadcast_in_dim3A_4 : vector<16xi1>, vector<16xf32>
    %max3A_550 = arith.maximumf %max3A_544, %select_n3A_549 : vector<16xf32>
    %ne3A_551 = arith.constant 7 : i32
    %ne3A_552 = vector.broadcast %ne3A_551 : i32 to vector<16xi32>
    %ne3A_553 = arith.cmpi ne, %select_n3A_508, %ne3A_552 : vector<16xi32>
    %and3A_554 = arith.andi %ne3A_450, %ne3A_553 : vector<16xi1>
    %select_n3A_555 = arith.select %and3A_554, %gather3A_447, %broadcast_in_dim3A_4 : vector<16xi1>, vector<16xf32>
    %max3A_556 = arith.maximumf %max3A_550, %select_n3A_555 : vector<16xf32>
    %broadcast_in_dim3A_557 = arith.constant 8 : i32
    %broadcast_in_dim3A_558 = vector.broadcast %broadcast_in_dim3A_557 : i32 to vector<16xi32>
    %ne3A_559 = arith.constant 7 : i32
    %ne3A_560 = vector.broadcast %ne3A_559 : i32 to vector<16xi32>
    %ne3A_561 = arith.cmpi ne, %select_n3A_508, %ne3A_560 : vector<16xi32>
    %and3A_562 = arith.andi %ne3A_450, %ne3A_561 : vector<16xi1>
    %eq3A_563 = arith.cmpf oeq, %gather3A_447, %max3A_556 : vector<16xf32>
    %and3A_564 = arith.andi %and3A_562, %eq3A_563 : vector<16xi1>
    %broadcast_in_dim3A_565 = arith.constant 7 : i32
    %broadcast_in_dim3A_566 = vector.broadcast %broadcast_in_dim3A_565 : i32 to vector<16xi32>
    %select_n3A_567 = arith.select %and3A_564, %broadcast_in_dim3A_566, %broadcast_in_dim3A_558 : vector<16xi1>, vector<16xi32>
    %ne3A_568 = arith.constant 6 : i32
    %ne3A_569 = vector.broadcast %ne3A_568 : i32 to vector<16xi32>
    %ne3A_570 = arith.cmpi ne, %select_n3A_508, %ne3A_569 : vector<16xi32>
    %and3A_571 = arith.andi %ne3A_440, %ne3A_570 : vector<16xi1>
    %eq3A_572 = arith.cmpf oeq, %gather3A_437, %max3A_556 : vector<16xf32>
    %and3A_573 = arith.andi %and3A_571, %eq3A_572 : vector<16xi1>
    %broadcast_in_dim3A_574 = arith.constant 6 : i32
    %broadcast_in_dim3A_575 = vector.broadcast %broadcast_in_dim3A_574 : i32 to vector<16xi32>
    %select_n3A_576 = arith.select %and3A_573, %broadcast_in_dim3A_575, %select_n3A_567 : vector<16xi1>, vector<16xi32>
    %ne3A_577 = arith.constant 5 : i32
    %ne3A_578 = vector.broadcast %ne3A_577 : i32 to vector<16xi32>
    %ne3A_579 = arith.cmpi ne, %select_n3A_508, %ne3A_578 : vector<16xi32>
    %and3A_580 = arith.andi %ne3A_430, %ne3A_579 : vector<16xi1>
    %eq3A_581 = arith.cmpf oeq, %gather3A_427, %max3A_556 : vector<16xf32>
    %and3A_582 = arith.andi %and3A_580, %eq3A_581 : vector<16xi1>
    %broadcast_in_dim3A_583 = arith.constant 5 : i32
    %broadcast_in_dim3A_584 = vector.broadcast %broadcast_in_dim3A_583 : i32 to vector<16xi32>
    %select_n3A_585 = arith.select %and3A_582, %broadcast_in_dim3A_584, %select_n3A_576 : vector<16xi1>, vector<16xi32>
    %ne3A_586 = arith.constant 4 : i32
    %ne3A_587 = vector.broadcast %ne3A_586 : i32 to vector<16xi32>
    %ne3A_588 = arith.cmpi ne, %select_n3A_508, %ne3A_587 : vector<16xi32>
    %and3A_589 = arith.andi %ne3A_420, %ne3A_588 : vector<16xi1>
    %eq3A_590 = arith.cmpf oeq, %gather3A_417, %max3A_556 : vector<16xf32>
    %and3A_591 = arith.andi %and3A_589, %eq3A_590 : vector<16xi1>
    %broadcast_in_dim3A_592 = arith.constant 4 : i32
    %broadcast_in_dim3A_593 = vector.broadcast %broadcast_in_dim3A_592 : i32 to vector<16xi32>
    %select_n3A_594 = arith.select %and3A_591, %broadcast_in_dim3A_593, %select_n3A_585 : vector<16xi1>, vector<16xi32>
    %ne3A_595 = arith.constant 3 : i32
    %ne3A_596 = vector.broadcast %ne3A_595 : i32 to vector<16xi32>
    %ne3A_597 = arith.cmpi ne, %select_n3A_508, %ne3A_596 : vector<16xi32>
    %and3A_598 = arith.andi %ne3A_410, %ne3A_597 : vector<16xi1>
    %eq3A_599 = arith.cmpf oeq, %gather3A_407, %max3A_556 : vector<16xf32>
    %and3A_600 = arith.andi %and3A_598, %eq3A_599 : vector<16xi1>
    %broadcast_in_dim3A_601 = arith.constant 3 : i32
    %broadcast_in_dim3A_602 = vector.broadcast %broadcast_in_dim3A_601 : i32 to vector<16xi32>
    %select_n3A_603 = arith.select %and3A_600, %broadcast_in_dim3A_602, %select_n3A_594 : vector<16xi1>, vector<16xi32>
    %ne3A_604 = arith.constant 2 : i32
    %ne3A_605 = vector.broadcast %ne3A_604 : i32 to vector<16xi32>
    %ne3A_606 = arith.cmpi ne, %select_n3A_508, %ne3A_605 : vector<16xi32>
    %and3A_607 = arith.andi %ne3A_400, %ne3A_606 : vector<16xi1>
    %eq3A_608 = arith.cmpf oeq, %gather3A_397, %max3A_556 : vector<16xf32>
    %and3A_609 = arith.andi %and3A_607, %eq3A_608 : vector<16xi1>
    %broadcast_in_dim3A_610 = arith.constant 2 : i32
    %broadcast_in_dim3A_611 = vector.broadcast %broadcast_in_dim3A_610 : i32 to vector<16xi32>
    %select_n3A_612 = arith.select %and3A_609, %broadcast_in_dim3A_611, %select_n3A_603 : vector<16xi1>, vector<16xi32>
    %ne3A_613 = arith.constant 1 : i32
    %ne3A_614 = vector.broadcast %ne3A_613 : i32 to vector<16xi32>
    %ne3A_615 = arith.cmpi ne, %select_n3A_508, %ne3A_614 : vector<16xi32>
    %and3A_616 = arith.andi %ne3A_390, %ne3A_615 : vector<16xi1>
    %eq3A_617 = arith.cmpf oeq, %gather3A_387, %max3A_556 : vector<16xf32>
    %and3A_618 = arith.andi %and3A_616, %eq3A_617 : vector<16xi1>
    %broadcast_in_dim3A_619 = arith.constant 1 : i32
    %broadcast_in_dim3A_620 = vector.broadcast %broadcast_in_dim3A_619 : i32 to vector<16xi32>
    %select_n3A_621 = arith.select %and3A_618, %broadcast_in_dim3A_620, %select_n3A_612 : vector<16xi1>, vector<16xi32>
    %ne3A_622 = arith.constant 0 : i32
    %ne3A_623 = vector.broadcast %ne3A_622 : i32 to vector<16xi32>
    %ne3A_624 = arith.cmpi ne, %select_n3A_508, %ne3A_623 : vector<16xi32>
    %and3A_625 = arith.andi %ne3A_380, %ne3A_624 : vector<16xi1>
    %eq3A_626 = arith.cmpf oeq, %gather3A_377, %max3A_556 : vector<16xf32>
    %and3A_627 = arith.andi %and3A_625, %eq3A_626 : vector<16xi1>
    %broadcast_in_dim3A_628 = arith.constant 0 : i32
    %broadcast_in_dim3A_629 = vector.broadcast %broadcast_in_dim3A_628 : i32 to vector<16xi32>
    %select_n3A_630 = arith.select %and3A_627, %broadcast_in_dim3A_629, %select_n3A_621 : vector<16xi1>, vector<16xi32>
    %broadcast_in_dim3A_631 = arith.constant 0.000000e+00 : f32
    %broadcast_in_dim3A_632 = vector.broadcast %broadcast_in_dim3A_631 : f32 to vector<16xf32>
    %eq3A_633 = arith.constant 0 : i32
    %eq3A_634 = vector.broadcast %eq3A_633 : i32 to vector<16xi32>
    %eq3A_635 = arith.cmpi eq, %select_n3A_508, %eq3A_634 : vector<16xi32>
    %eq3A_636 = arith.constant 0 : i32
    %eq3A_637 = vector.broadcast %eq3A_636 : i32 to vector<16xi32>
    %eq3A_638 = arith.cmpi eq, %select_n3A_630, %eq3A_637 : vector<16xi32>
    %or3A_639 = arith.ori %eq3A_635, %eq3A_638 : vector<16xi1>
    %sub3A_640 = arith.subf %gather3A_377, %max3A_466 : vector<16xf32>
    %exp3A_641 = math.exp %sub3A_640 : vector<16xf32>
    %jit3A_642 = arith.constant 0.000000e+00 : f32
    %broadcast_in_dim3A_643 = vector.broadcast %jit3A_642 : f32 to vector<16xf32>
    %select_n3A_644 = arith.select %or3A_639, %exp3A_641, %broadcast_in_dim3A_643 : vector<16xi1>, vector<16xf32>
    %add3A_645 = arith.addf %broadcast_in_dim3A_632, %select_n3A_644 : vector<16xf32>
    %eq3A_646 = arith.constant 1 : i32
    %eq3A_647 = vector.broadcast %eq3A_646 : i32 to vector<16xi32>
    %eq3A_648 = arith.cmpi eq, %select_n3A_508, %eq3A_647 : vector<16xi32>
    %eq3A_649 = arith.constant 1 : i32
    %eq3A_650 = vector.broadcast %eq3A_649 : i32 to vector<16xi32>
    %eq3A_651 = arith.cmpi eq, %select_n3A_630, %eq3A_650 : vector<16xi32>
    %or3A_652 = arith.ori %eq3A_648, %eq3A_651 : vector<16xi1>
    %sub3A_653 = arith.subf %gather3A_387, %max3A_466 : vector<16xf32>
    %exp3A_654 = math.exp %sub3A_653 : vector<16xf32>
    %jit3A_655 = arith.constant 0.000000e+00 : f32
    %broadcast_in_dim3A_656 = vector.broadcast %jit3A_655 : f32 to vector<16xf32>
    %select_n3A_657 = arith.select %or3A_652, %exp3A_654, %broadcast_in_dim3A_656 : vector<16xi1>, vector<16xf32>
    %add3A_658 = arith.addf %add3A_645, %select_n3A_657 : vector<16xf32>
    %eq3A_659 = arith.constant 2 : i32
    %eq3A_660 = vector.broadcast %eq3A_659 : i32 to vector<16xi32>
    %eq3A_661 = arith.cmpi eq, %select_n3A_508, %eq3A_660 : vector<16xi32>
    %eq3A_662 = arith.constant 2 : i32
    %eq3A_663 = vector.broadcast %eq3A_662 : i32 to vector<16xi32>
    %eq3A_664 = arith.cmpi eq, %select_n3A_630, %eq3A_663 : vector<16xi32>
    %or3A_665 = arith.ori %eq3A_661, %eq3A_664 : vector<16xi1>
    %sub3A_666 = arith.subf %gather3A_397, %max3A_466 : vector<16xf32>
    %exp3A_667 = math.exp %sub3A_666 : vector<16xf32>
    %jit3A_668 = arith.constant 0.000000e+00 : f32
    %broadcast_in_dim3A_669 = vector.broadcast %jit3A_668 : f32 to vector<16xf32>
    %select_n3A_670 = arith.select %or3A_665, %exp3A_667, %broadcast_in_dim3A_669 : vector<16xi1>, vector<16xf32>
    %add3A_671 = arith.addf %add3A_658, %select_n3A_670 : vector<16xf32>
    %eq3A_672 = arith.constant 3 : i32
    %eq3A_673 = vector.broadcast %eq3A_672 : i32 to vector<16xi32>
    %eq3A_674 = arith.cmpi eq, %select_n3A_508, %eq3A_673 : vector<16xi32>
    %eq3A_675 = arith.constant 3 : i32
    %eq3A_676 = vector.broadcast %eq3A_675 : i32 to vector<16xi32>
    %eq3A_677 = arith.cmpi eq, %select_n3A_630, %eq3A_676 : vector<16xi32>
    %or3A_678 = arith.ori %eq3A_674, %eq3A_677 : vector<16xi1>
    %sub3A_679 = arith.subf %gather3A_407, %max3A_466 : vector<16xf32>
    %exp3A_680 = math.exp %sub3A_679 : vector<16xf32>
    %jit3A_681 = arith.constant 0.000000e+00 : f32
    %broadcast_in_dim3A_682 = vector.broadcast %jit3A_681 : f32 to vector<16xf32>
    %select_n3A_683 = arith.select %or3A_678, %exp3A_680, %broadcast_in_dim3A_682 : vector<16xi1>, vector<16xf32>
    %add3A_684 = arith.addf %add3A_671, %select_n3A_683 : vector<16xf32>
    %eq3A_685 = arith.constant 4 : i32
    %eq3A_686 = vector.broadcast %eq3A_685 : i32 to vector<16xi32>
    %eq3A_687 = arith.cmpi eq, %select_n3A_508, %eq3A_686 : vector<16xi32>
    %eq3A_688 = arith.constant 4 : i32
    %eq3A_689 = vector.broadcast %eq3A_688 : i32 to vector<16xi32>
    %eq3A_690 = arith.cmpi eq, %select_n3A_630, %eq3A_689 : vector<16xi32>
    %or3A_691 = arith.ori %eq3A_687, %eq3A_690 : vector<16xi1>
    %sub3A_692 = arith.subf %gather3A_417, %max3A_466 : vector<16xf32>
    %exp3A_693 = math.exp %sub3A_692 : vector<16xf32>
    %jit3A_694 = arith.constant 0.000000e+00 : f32
    %broadcast_in_dim3A_695 = vector.broadcast %jit3A_694 : f32 to vector<16xf32>
    %select_n3A_696 = arith.select %or3A_691, %exp3A_693, %broadcast_in_dim3A_695 : vector<16xi1>, vector<16xf32>
    %add3A_697 = arith.addf %add3A_684, %select_n3A_696 : vector<16xf32>
    %eq3A_698 = arith.constant 5 : i32
    %eq3A_699 = vector.broadcast %eq3A_698 : i32 to vector<16xi32>
    %eq3A_700 = arith.cmpi eq, %select_n3A_508, %eq3A_699 : vector<16xi32>
    %eq3A_701 = arith.constant 5 : i32
    %eq3A_702 = vector.broadcast %eq3A_701 : i32 to vector<16xi32>
    %eq3A_703 = arith.cmpi eq, %select_n3A_630, %eq3A_702 : vector<16xi32>
    %or3A_704 = arith.ori %eq3A_700, %eq3A_703 : vector<16xi1>
    %sub3A_705 = arith.subf %gather3A_427, %max3A_466 : vector<16xf32>
    %exp3A_706 = math.exp %sub3A_705 : vector<16xf32>
    %jit3A_707 = arith.constant 0.000000e+00 : f32
    %broadcast_in_dim3A_708 = vector.broadcast %jit3A_707 : f32 to vector<16xf32>
    %select_n3A_709 = arith.select %or3A_704, %exp3A_706, %broadcast_in_dim3A_708 : vector<16xi1>, vector<16xf32>
    %add3A_710 = arith.addf %add3A_697, %select_n3A_709 : vector<16xf32>
    %eq3A_711 = arith.constant 6 : i32
    %eq3A_712 = vector.broadcast %eq3A_711 : i32 to vector<16xi32>
    %eq3A_713 = arith.cmpi eq, %select_n3A_508, %eq3A_712 : vector<16xi32>
    %eq3A_714 = arith.constant 6 : i32
    %eq3A_715 = vector.broadcast %eq3A_714 : i32 to vector<16xi32>
    %eq3A_716 = arith.cmpi eq, %select_n3A_630, %eq3A_715 : vector<16xi32>
    %or3A_717 = arith.ori %eq3A_713, %eq3A_716 : vector<16xi1>
    %sub3A_718 = arith.subf %gather3A_437, %max3A_466 : vector<16xf32>
    %exp3A_719 = math.exp %sub3A_718 : vector<16xf32>
    %jit3A_720 = arith.constant 0.000000e+00 : f32
    %broadcast_in_dim3A_721 = vector.broadcast %jit3A_720 : f32 to vector<16xf32>
    %select_n3A_722 = arith.select %or3A_717, %exp3A_719, %broadcast_in_dim3A_721 : vector<16xi1>, vector<16xf32>
    %add3A_723 = arith.addf %add3A_710, %select_n3A_722 : vector<16xf32>
    %eq3A_724 = arith.constant 7 : i32
    %eq3A_725 = vector.broadcast %eq3A_724 : i32 to vector<16xi32>
    %eq3A_726 = arith.cmpi eq, %select_n3A_508, %eq3A_725 : vector<16xi32>
    %eq3A_727 = arith.constant 7 : i32
    %eq3A_728 = vector.broadcast %eq3A_727 : i32 to vector<16xi32>
    %eq3A_729 = arith.cmpi eq, %select_n3A_630, %eq3A_728 : vector<16xi32>
    %or3A_730 = arith.ori %eq3A_726, %eq3A_729 : vector<16xi1>
    %sub3A_731 = arith.subf %gather3A_447, %max3A_466 : vector<16xf32>
    %exp3A_732 = math.exp %sub3A_731 : vector<16xf32>
    %jit3A_733 = arith.constant 0.000000e+00 : f32
    %broadcast_in_dim3A_734 = vector.broadcast %jit3A_733 : f32 to vector<16xf32>
    %select_n3A_735 = arith.select %or3A_730, %exp3A_732, %broadcast_in_dim3A_734 : vector<16xi1>, vector<16xf32>
    %add3A_736 = arith.addf %add3A_723, %select_n3A_735 : vector<16xf32>
    %div3A_737 = arith.constant 1.000000e+00 : f32
    %div3A_738 = vector.broadcast %div3A_737 : f32 to vector<16xf32>
    %div3A_739 = arith.divf %div3A_738, %add3A_736 : vector<16xf32>
    %mul3A_740 = arith.mulf %select_n3A_644, %div3A_739 : vector<16xf32>
    tpu.vector_store_idx %arg6[%add3A_376], %mul3A_740 : memref<512xf32, #tpu.memory_space<vmem>>[vector<16xi32>], vector<16xf32>,
    %mul3A_741 = arith.mulf %select_n3A_657, %div3A_739 : vector<16xf32>
    tpu.vector_store_idx %arg6[%add3A_386], %mul3A_741 : memref<512xf32, #tpu.memory_space<vmem>>[vector<16xi32>], vector<16xf32>,
    %mul3A_742 = arith.mulf %select_n3A_670, %div3A_739 : vector<16xf32>
    tpu.vector_store_idx %arg6[%add3A_396], %mul3A_742 : memref<512xf32, #tpu.memory_space<vmem>>[vector<16xi32>], vector<16xf32>,
    %mul3A_743 = arith.mulf %select_n3A_683, %div3A_739 : vector<16xf32>
    tpu.vector_store_idx %arg6[%add3A_406], %mul3A_743 : memref<512xf32, #tpu.memory_space<vmem>>[vector<16xi32>], vector<16xf32>,
    %mul3A_744 = arith.mulf %select_n3A_696, %div3A_739 : vector<16xf32>
    tpu.vector_store_idx %arg6[%add3A_416], %mul3A_744 : memref<512xf32, #tpu.memory_space<vmem>>[vector<16xi32>], vector<16xf32>,
    %mul3A_745 = arith.mulf %select_n3A_709, %div3A_739 : vector<16xf32>
    tpu.vector_store_idx %arg6[%add3A_426], %mul3A_745 : memref<512xf32, #tpu.memory_space<vmem>>[vector<16xi32>], vector<16xf32>,
    %mul3A_746 = arith.mulf %select_n3A_722, %div3A_739 : vector<16xf32>
    tpu.vector_store_idx %arg6[%add3A_436], %mul3A_746 : memref<512xf32, #tpu.memory_space<vmem>>[vector<16xi32>], vector<16xf32>,
    %mul3A_747 = arith.mulf %select_n3A_735, %div3A_739 : vector<16xf32>
    tpu.vector_store_idx %arg6[%add3A_446], %mul3A_747 : memref<512xf32, #tpu.memory_space<vmem>>[vector<16xi32>], vector<16xf32>,
    %mul3A_748 = arith.constant 8 : i32
    %mul3A_749 = vector.broadcast %mul3A_748 : i32 to vector<16xi32>
    %mul3A_750 = arith.muli %iota3A, %mul3A_749 : vector<16xi32>
    %add3A_751 = arith.constant 256 : i32
    %add3A_752 = vector.broadcast %add3A_751 : i32 to vector<16xi32>
    %add3A_753 = arith.addi %mul3A_750, %add3A_752 : vector<16xi32>
    %gather3A_754 = tpu.vector_load_idx %arg5[%add3A_753] : memref<512xf32, #tpu.memory_space<vmem>>[vector<16xi32>], vector<16xf32>,
    %ne3A_755 = arith.constant 0 : i32
    %ne3A_756 = vector.broadcast %ne3A_755 : i32 to vector<16xi32>
    %ne3A_757 = arith.cmpi ne, %get3A_3, %ne3A_756 : vector<16xi32>
    %mul3A_758 = arith.constant 8 : i32
    %mul3A_759 = vector.broadcast %mul3A_758 : i32 to vector<16xi32>
    %mul3A_760 = arith.muli %iota3A, %mul3A_759 : vector<16xi32>
    %add3A_761 = arith.constant 257 : i32
    %add3A_762 = vector.broadcast %add3A_761 : i32 to vector<16xi32>
    %add3A_763 = arith.addi %mul3A_760, %add3A_762 : vector<16xi32>
    %gather3A_764 = tpu.vector_load_idx %arg5[%add3A_763] : memref<512xf32, #tpu.memory_space<vmem>>[vector<16xi32>], vector<16xf32>,
    %ne3A_765 = arith.constant 1 : i32
    %ne3A_766 = vector.broadcast %ne3A_765 : i32 to vector<16xi32>
    %ne3A_767 = arith.cmpi ne, %get3A_3, %ne3A_766 : vector<16xi32>
    %mul3A_768 = arith.constant 8 : i32
    %mul3A_769 = vector.broadcast %mul3A_768 : i32 to vector<16xi32>
    %mul3A_770 = arith.muli %iota3A, %mul3A_769 : vector<16xi32>
    %add3A_771 = arith.constant 258 : i32
    %add3A_772 = vector.broadcast %add3A_771 : i32 to vector<16xi32>
    %add3A_773 = arith.addi %mul3A_770, %add3A_772 : vector<16xi32>
    %gather3A_774 = tpu.vector_load_idx %arg5[%add3A_773] : memref<512xf32, #tpu.memory_space<vmem>>[vector<16xi32>], vector<16xf32>,
    %ne3A_775 = arith.constant 2 : i32
    %ne3A_776 = vector.broadcast %ne3A_775 : i32 to vector<16xi32>
    %ne3A_777 = arith.cmpi ne, %get3A_3, %ne3A_776 : vector<16xi32>
    %mul3A_778 = arith.constant 8 : i32
    %mul3A_779 = vector.broadcast %mul3A_778 : i32 to vector<16xi32>
    %mul3A_780 = arith.muli %iota3A, %mul3A_779 : vector<16xi32>
    %add3A_781 = arith.constant 259 : i32
    %add3A_782 = vector.broadcast %add3A_781 : i32 to vector<16xi32>
    %add3A_783 = arith.addi %mul3A_780, %add3A_782 : vector<16xi32>
    %gather3A_784 = tpu.vector_load_idx %arg5[%add3A_783] : memref<512xf32, #tpu.memory_space<vmem>>[vector<16xi32>], vector<16xf32>,
    %ne3A_785 = arith.constant 3 : i32
    %ne3A_786 = vector.broadcast %ne3A_785 : i32 to vector<16xi32>
    %ne3A_787 = arith.cmpi ne, %get3A_3, %ne3A_786 : vector<16xi32>
    %mul3A_788 = arith.constant 8 : i32
    %mul3A_789 = vector.broadcast %mul3A_788 : i32 to vector<16xi32>
    %mul3A_790 = arith.muli %iota3A, %mul3A_789 : vector<16xi32>
    %add3A_791 = arith.constant 260 : i32
    %add3A_792 = vector.broadcast %add3A_791 : i32 to vector<16xi32>
    %add3A_793 = arith.addi %mul3A_790, %add3A_792 : vector<16xi32>
    %gather3A_794 = tpu.vector_load_idx %arg5[%add3A_793] : memref<512xf32, #tpu.memory_space<vmem>>[vector<16xi32>], vector<16xf32>,
    %ne3A_795 = arith.constant 4 : i32
    %ne3A_796 = vector.broadcast %ne3A_795 : i32 to vector<16xi32>
    %ne3A_797 = arith.cmpi ne, %get3A_3, %ne3A_796 : vector<16xi32>
    %mul3A_798 = arith.constant 8 : i32
    %mul3A_799 = vector.broadcast %mul3A_798 : i32 to vector<16xi32>
    %mul3A_800 = arith.muli %iota3A, %mul3A_799 : vector<16xi32>
    %add3A_801 = arith.constant 261 : i32
    %add3A_802 = vector.broadcast %add3A_801 : i32 to vector<16xi32>
    %add3A_803 = arith.addi %mul3A_800, %add3A_802 : vector<16xi32>
    %gather3A_804 = tpu.vector_load_idx %arg5[%add3A_803] : memref<512xf32, #tpu.memory_space<vmem>>[vector<16xi32>], vector<16xf32>,
    %ne3A_805 = arith.constant 5 : i32
    %ne3A_806 = vector.broadcast %ne3A_805 : i32 to vector<16xi32>
    %ne3A_807 = arith.cmpi ne, %get3A_3, %ne3A_806 : vector<16xi32>
    %mul3A_808 = arith.constant 8 : i32
    %mul3A_809 = vector.broadcast %mul3A_808 : i32 to vector<16xi32>
    %mul3A_810 = arith.muli %iota3A, %mul3A_809 : vector<16xi32>
    %add3A_811 = arith.constant 262 : i32
    %add3A_812 = vector.broadcast %add3A_811 : i32 to vector<16xi32>
    %add3A_813 = arith.addi %mul3A_810, %add3A_812 : vector<16xi32>
    %gather3A_814 = tpu.vector_load_idx %arg5[%add3A_813] : memref<512xf32, #tpu.memory_space<vmem>>[vector<16xi32>], vector<16xf32>,
    %ne3A_815 = arith.constant 6 : i32
    %ne3A_816 = vector.broadcast %ne3A_815 : i32 to vector<16xi32>
    %ne3A_817 = arith.cmpi ne, %get3A_3, %ne3A_816 : vector<16xi32>
    %mul3A_818 = arith.constant 8 : i32
    %mul3A_819 = vector.broadcast %mul3A_818 : i32 to vector<16xi32>
    %mul3A_820 = arith.muli %iota3A, %mul3A_819 : vector<16xi32>
    %add3A_821 = arith.constant 263 : i32
    %add3A_822 = vector.broadcast %add3A_821 : i32 to vector<16xi32>
    %add3A_823 = arith.addi %mul3A_820, %add3A_822 : vector<16xi32>
    %gather3A_824 = tpu.vector_load_idx %arg5[%add3A_823] : memref<512xf32, #tpu.memory_space<vmem>>[vector<16xi32>], vector<16xf32>,
    %ne3A_825 = arith.constant 7 : i32
    %ne3A_826 = vector.broadcast %ne3A_825 : i32 to vector<16xi32>
    %ne3A_827 = arith.cmpi ne, %get3A_3, %ne3A_826 : vector<16xi32>
    %select_n3A_828 = arith.select %ne3A_757, %gather3A_754, %broadcast_in_dim3A_4 : vector<16xi1>, vector<16xf32>
    %max3A_829 = arith.maximumf %broadcast_in_dim3A_4, %select_n3A_828 : vector<16xf32>
    %select_n3A_830 = arith.select %ne3A_767, %gather3A_764, %broadcast_in_dim3A_4 : vector<16xi1>, vector<16xf32>
    %max3A_831 = arith.maximumf %max3A_829, %select_n3A_830 : vector<16xf32>
    %select_n3A_832 = arith.select %ne3A_777, %gather3A_774, %broadcast_in_dim3A_4 : vector<16xi1>, vector<16xf32>
    %max3A_833 = arith.maximumf %max3A_831, %select_n3A_832 : vector<16xf32>
    %select_n3A_834 = arith.select %ne3A_787, %gather3A_784, %broadcast_in_dim3A_4 : vector<16xi1>, vector<16xf32>
    %max3A_835 = arith.maximumf %max3A_833, %select_n3A_834 : vector<16xf32>
    %select_n3A_836 = arith.select %ne3A_797, %gather3A_794, %broadcast_in_dim3A_4 : vector<16xi1>, vector<16xf32>
    %max3A_837 = arith.maximumf %max3A_835, %select_n3A_836 : vector<16xf32>
    %select_n3A_838 = arith.select %ne3A_807, %gather3A_804, %broadcast_in_dim3A_4 : vector<16xi1>, vector<16xf32>
    %max3A_839 = arith.maximumf %max3A_837, %select_n3A_838 : vector<16xf32>
    %select_n3A_840 = arith.select %ne3A_817, %gather3A_814, %broadcast_in_dim3A_4 : vector<16xi1>, vector<16xf32>
    %max3A_841 = arith.maximumf %max3A_839, %select_n3A_840 : vector<16xf32>
    %select_n3A_842 = arith.select %ne3A_827, %gather3A_824, %broadcast_in_dim3A_4 : vector<16xi1>, vector<16xf32>
    %max3A_843 = arith.maximumf %max3A_841, %select_n3A_842 : vector<16xf32>
    %broadcast_in_dim3A_844 = arith.constant 8 : i32
    %broadcast_in_dim3A_845 = vector.broadcast %broadcast_in_dim3A_844 : i32 to vector<16xi32>
    %eq3A_846 = arith.cmpf oeq, %gather3A_824, %max3A_843 : vector<16xf32>
    %and3A_847 = arith.andi %ne3A_827, %eq3A_846 : vector<16xi1>
    %broadcast_in_dim3A_848 = arith.constant 7 : i32
    %broadcast_in_dim3A_849 = vector.broadcast %broadcast_in_dim3A_848 : i32 to vector<16xi32>
    %select_n3A_850 = arith.select %and3A_847, %broadcast_in_dim3A_849, %broadcast_in_dim3A_845 : vector<16xi1>, vector<16xi32>
    %eq3A_851 = arith.cmpf oeq, %gather3A_814, %max3A_843 : vector<16xf32>
    %and3A_852 = arith.andi %ne3A_817, %eq3A_851 : vector<16xi1>
    %broadcast_in_dim3A_853 = arith.constant 6 : i32
    %broadcast_in_dim3A_854 = vector.broadcast %broadcast_in_dim3A_853 : i32 to vector<16xi32>
    %select_n3A_855 = arith.select %and3A_852, %broadcast_in_dim3A_854, %select_n3A_850 : vector<16xi1>, vector<16xi32>
    %eq3A_856 = arith.cmpf oeq, %gather3A_804, %max3A_843 : vector<16xf32>
    %and3A_857 = arith.andi %ne3A_807, %eq3A_856 : vector<16xi1>
    %broadcast_in_dim3A_858 = arith.constant 5 : i32
    %broadcast_in_dim3A_859 = vector.broadcast %broadcast_in_dim3A_858 : i32 to vector<16xi32>
    %select_n3A_860 = arith.select %and3A_857, %broadcast_in_dim3A_859, %select_n3A_855 : vector<16xi1>, vector<16xi32>
    %eq3A_861 = arith.cmpf oeq, %gather3A_794, %max3A_843 : vector<16xf32>
    %and3A_862 = arith.andi %ne3A_797, %eq3A_861 : vector<16xi1>
    %broadcast_in_dim3A_863 = arith.constant 4 : i32
    %broadcast_in_dim3A_864 = vector.broadcast %broadcast_in_dim3A_863 : i32 to vector<16xi32>
    %select_n3A_865 = arith.select %and3A_862, %broadcast_in_dim3A_864, %select_n3A_860 : vector<16xi1>, vector<16xi32>
    %eq3A_866 = arith.cmpf oeq, %gather3A_784, %max3A_843 : vector<16xf32>
    %and3A_867 = arith.andi %ne3A_787, %eq3A_866 : vector<16xi1>
    %broadcast_in_dim3A_868 = arith.constant 3 : i32
    %broadcast_in_dim3A_869 = vector.broadcast %broadcast_in_dim3A_868 : i32 to vector<16xi32>
    %select_n3A_870 = arith.select %and3A_867, %broadcast_in_dim3A_869, %select_n3A_865 : vector<16xi1>, vector<16xi32>
    %eq3A_871 = arith.cmpf oeq, %gather3A_774, %max3A_843 : vector<16xf32>
    %and3A_872 = arith.andi %ne3A_777, %eq3A_871 : vector<16xi1>
    %broadcast_in_dim3A_873 = arith.constant 2 : i32
    %broadcast_in_dim3A_874 = vector.broadcast %broadcast_in_dim3A_873 : i32 to vector<16xi32>
    %select_n3A_875 = arith.select %and3A_872, %broadcast_in_dim3A_874, %select_n3A_870 : vector<16xi1>, vector<16xi32>
    %eq3A_876 = arith.cmpf oeq, %gather3A_764, %max3A_843 : vector<16xf32>
    %and3A_877 = arith.andi %ne3A_767, %eq3A_876 : vector<16xi1>
    %broadcast_in_dim3A_878 = arith.constant 1 : i32
    %broadcast_in_dim3A_879 = vector.broadcast %broadcast_in_dim3A_878 : i32 to vector<16xi32>
    %select_n3A_880 = arith.select %and3A_877, %broadcast_in_dim3A_879, %select_n3A_875 : vector<16xi1>, vector<16xi32>
    %eq3A_881 = arith.cmpf oeq, %gather3A_754, %max3A_843 : vector<16xf32>
    %and3A_882 = arith.andi %ne3A_757, %eq3A_881 : vector<16xi1>
    %broadcast_in_dim3A_883 = arith.constant 0 : i32
    %broadcast_in_dim3A_884 = vector.broadcast %broadcast_in_dim3A_883 : i32 to vector<16xi32>
    %select_n3A_885 = arith.select %and3A_882, %broadcast_in_dim3A_884, %select_n3A_880 : vector<16xi1>, vector<16xi32>
    %ne3A_886 = arith.constant 0 : i32
    %ne3A_887 = vector.broadcast %ne3A_886 : i32 to vector<16xi32>
    %ne3A_888 = arith.cmpi ne, %select_n3A_885, %ne3A_887 : vector<16xi32>
    %and3A_889 = arith.andi %ne3A_757, %ne3A_888 : vector<16xi1>
    %select_n3A_890 = arith.select %and3A_889, %gather3A_754, %broadcast_in_dim3A_4 : vector<16xi1>, vector<16xf32>
    %max3A_891 = arith.maximumf %broadcast_in_dim3A_4, %select_n3A_890 : vector<16xf32>
    %ne3A_892 = arith.constant 1 : i32
    %ne3A_893 = vector.broadcast %ne3A_892 : i32 to vector<16xi32>
    %ne3A_894 = arith.cmpi ne, %select_n3A_885, %ne3A_893 : vector<16xi32>
    %and3A_895 = arith.andi %ne3A_767, %ne3A_894 : vector<16xi1>
    %select_n3A_896 = arith.select %and3A_895, %gather3A_764, %broadcast_in_dim3A_4 : vector<16xi1>, vector<16xf32>
    %max3A_897 = arith.maximumf %max3A_891, %select_n3A_896 : vector<16xf32>
    %ne3A_898 = arith.constant 2 : i32
    %ne3A_899 = vector.broadcast %ne3A_898 : i32 to vector<16xi32>
    %ne3A_900 = arith.cmpi ne, %select_n3A_885, %ne3A_899 : vector<16xi32>
    %and3A_901 = arith.andi %ne3A_777, %ne3A_900 : vector<16xi1>
    %select_n3A_902 = arith.select %and3A_901, %gather3A_774, %broadcast_in_dim3A_4 : vector<16xi1>, vector<16xf32>
    %max3A_903 = arith.maximumf %max3A_897, %select_n3A_902 : vector<16xf32>
    %ne3A_904 = arith.constant 3 : i32
    %ne3A_905 = vector.broadcast %ne3A_904 : i32 to vector<16xi32>
    %ne3A_906 = arith.cmpi ne, %select_n3A_885, %ne3A_905 : vector<16xi32>
    %and3A_907 = arith.andi %ne3A_787, %ne3A_906 : vector<16xi1>
    %select_n3A_908 = arith.select %and3A_907, %gather3A_784, %broadcast_in_dim3A_4 : vector<16xi1>, vector<16xf32>
    %max3A_909 = arith.maximumf %max3A_903, %select_n3A_908 : vector<16xf32>
    %ne3A_910 = arith.constant 4 : i32
    %ne3A_911 = vector.broadcast %ne3A_910 : i32 to vector<16xi32>
    %ne3A_912 = arith.cmpi ne, %select_n3A_885, %ne3A_911 : vector<16xi32>
    %and3A_913 = arith.andi %ne3A_797, %ne3A_912 : vector<16xi1>
    %select_n3A_914 = arith.select %and3A_913, %gather3A_794, %broadcast_in_dim3A_4 : vector<16xi1>, vector<16xf32>
    %max3A_915 = arith.maximumf %max3A_909, %select_n3A_914 : vector<16xf32>
    %ne3A_916 = arith.constant 5 : i32
    %ne3A_917 = vector.broadcast %ne3A_916 : i32 to vector<16xi32>
    %ne3A_918 = arith.cmpi ne, %select_n3A_885, %ne3A_917 : vector<16xi32>
    %and3A_919 = arith.andi %ne3A_807, %ne3A_918 : vector<16xi1>
    %select_n3A_920 = arith.select %and3A_919, %gather3A_804, %broadcast_in_dim3A_4 : vector<16xi1>, vector<16xf32>
    %max3A_921 = arith.maximumf %max3A_915, %select_n3A_920 : vector<16xf32>
    %ne3A_922 = arith.constant 6 : i32
    %ne3A_923 = vector.broadcast %ne3A_922 : i32 to vector<16xi32>
    %ne3A_924 = arith.cmpi ne, %select_n3A_885, %ne3A_923 : vector<16xi32>
    %and3A_925 = arith.andi %ne3A_817, %ne3A_924 : vector<16xi1>
    %select_n3A_926 = arith.select %and3A_925, %gather3A_814, %broadcast_in_dim3A_4 : vector<16xi1>, vector<16xf32>
    %max3A_927 = arith.maximumf %max3A_921, %select_n3A_926 : vector<16xf32>
    %ne3A_928 = arith.constant 7 : i32
    %ne3A_929 = vector.broadcast %ne3A_928 : i32 to vector<16xi32>
    %ne3A_930 = arith.cmpi ne, %select_n3A_885, %ne3A_929 : vector<16xi32>
    %and3A_931 = arith.andi %ne3A_827, %ne3A_930 : vector<16xi1>
    %select_n3A_932 = arith.select %and3A_931, %gather3A_824, %broadcast_in_dim3A_4 : vector<16xi1>, vector<16xf32>
    %max3A_933 = arith.maximumf %max3A_927, %select_n3A_932 : vector<16xf32>
    %broadcast_in_dim3A_934 = arith.constant 8 : i32
    %broadcast_in_dim3A_935 = vector.broadcast %broadcast_in_dim3A_934 : i32 to vector<16xi32>
    %ne3A_936 = arith.constant 7 : i32
    %ne3A_937 = vector.broadcast %ne3A_936 : i32 to vector<16xi32>
    %ne3A_938 = arith.cmpi ne, %select_n3A_885, %ne3A_937 : vector<16xi32>
    %and3A_939 = arith.andi %ne3A_827, %ne3A_938 : vector<16xi1>
    %eq3A_940 = arith.cmpf oeq, %gather3A_824, %max3A_933 : vector<16xf32>
    %and3A_941 = arith.andi %and3A_939, %eq3A_940 : vector<16xi1>
    %broadcast_in_dim3A_942 = arith.constant 7 : i32
    %broadcast_in_dim3A_943 = vector.broadcast %broadcast_in_dim3A_942 : i32 to vector<16xi32>
    %select_n3A_944 = arith.select %and3A_941, %broadcast_in_dim3A_943, %broadcast_in_dim3A_935 : vector<16xi1>, vector<16xi32>
    %ne3A_945 = arith.constant 6 : i32
    %ne3A_946 = vector.broadcast %ne3A_945 : i32 to vector<16xi32>
    %ne3A_947 = arith.cmpi ne, %select_n3A_885, %ne3A_946 : vector<16xi32>
    %and3A_948 = arith.andi %ne3A_817, %ne3A_947 : vector<16xi1>
    %eq3A_949 = arith.cmpf oeq, %gather3A_814, %max3A_933 : vector<16xf32>
    %and3A_950 = arith.andi %and3A_948, %eq3A_949 : vector<16xi1>
    %broadcast_in_dim3A_951 = arith.constant 6 : i32
    %broadcast_in_dim3A_952 = vector.broadcast %broadcast_in_dim3A_951 : i32 to vector<16xi32>
    %select_n3A_953 = arith.select %and3A_950, %broadcast_in_dim3A_952, %select_n3A_944 : vector<16xi1>, vector<16xi32>
    %ne3A_954 = arith.constant 5 : i32
    %ne3A_955 = vector.broadcast %ne3A_954 : i32 to vector<16xi32>
    %ne3A_956 = arith.cmpi ne, %select_n3A_885, %ne3A_955 : vector<16xi32>
    %and3A_957 = arith.andi %ne3A_807, %ne3A_956 : vector<16xi1>
    %eq3A_958 = arith.cmpf oeq, %gather3A_804, %max3A_933 : vector<16xf32>
    %and3A_959 = arith.andi %and3A_957, %eq3A_958 : vector<16xi1>
    %broadcast_in_dim3A_960 = arith.constant 5 : i32
    %broadcast_in_dim3A_961 = vector.broadcast %broadcast_in_dim3A_960 : i32 to vector<16xi32>
    %select_n3A_962 = arith.select %and3A_959, %broadcast_in_dim3A_961, %select_n3A_953 : vector<16xi1>, vector<16xi32>
    %ne3A_963 = arith.constant 4 : i32
    %ne3A_964 = vector.broadcast %ne3A_963 : i32 to vector<16xi32>
    %ne3A_965 = arith.cmpi ne, %select_n3A_885, %ne3A_964 : vector<16xi32>
    %and3A_966 = arith.andi %ne3A_797, %ne3A_965 : vector<16xi1>
    %eq3A_967 = arith.cmpf oeq, %gather3A_794, %max3A_933 : vector<16xf32>
    %and3A_968 = arith.andi %and3A_966, %eq3A_967 : vector<16xi1>
    %broadcast_in_dim3A_969 = arith.constant 4 : i32
    %broadcast_in_dim3A_970 = vector.broadcast %broadcast_in_dim3A_969 : i32 to vector<16xi32>
    %select_n3A_971 = arith.select %and3A_968, %broadcast_in_dim3A_970, %select_n3A_962 : vector<16xi1>, vector<16xi32>
    %ne3A_972 = arith.constant 3 : i32
    %ne3A_973 = vector.broadcast %ne3A_972 : i32 to vector<16xi32>
    %ne3A_974 = arith.cmpi ne, %select_n3A_885, %ne3A_973 : vector<16xi32>
    %and3A_975 = arith.andi %ne3A_787, %ne3A_974 : vector<16xi1>
    %eq3A_976 = arith.cmpf oeq, %gather3A_784, %max3A_933 : vector<16xf32>
    %and3A_977 = arith.andi %and3A_975, %eq3A_976 : vector<16xi1>
    %broadcast_in_dim3A_978 = arith.constant 3 : i32
    %broadcast_in_dim3A_979 = vector.broadcast %broadcast_in_dim3A_978 : i32 to vector<16xi32>
    %select_n3A_980 = arith.select %and3A_977, %broadcast_in_dim3A_979, %select_n3A_971 : vector<16xi1>, vector<16xi32>
    %ne3A_981 = arith.constant 2 : i32
    %ne3A_982 = vector.broadcast %ne3A_981 : i32 to vector<16xi32>
    %ne3A_983 = arith.cmpi ne, %select_n3A_885, %ne3A_982 : vector<16xi32>
    %and3A_984 = arith.andi %ne3A_777, %ne3A_983 : vector<16xi1>
    %eq3A_985 = arith.cmpf oeq, %gather3A_774, %max3A_933 : vector<16xf32>
    %and3A_986 = arith.andi %and3A_984, %eq3A_985 : vector<16xi1>
    %broadcast_in_dim3A_987 = arith.constant 2 : i32
    %broadcast_in_dim3A_988 = vector.broadcast %broadcast_in_dim3A_987 : i32 to vector<16xi32>
    %select_n3A_989 = arith.select %and3A_986, %broadcast_in_dim3A_988, %select_n3A_980 : vector<16xi1>, vector<16xi32>
    %ne3A_990 = arith.constant 1 : i32
    %ne3A_991 = vector.broadcast %ne3A_990 : i32 to vector<16xi32>
    %ne3A_992 = arith.cmpi ne, %select_n3A_885, %ne3A_991 : vector<16xi32>
    %and3A_993 = arith.andi %ne3A_767, %ne3A_992 : vector<16xi1>
    %eq3A_994 = arith.cmpf oeq, %gather3A_764, %max3A_933 : vector<16xf32>
    %and3A_995 = arith.andi %and3A_993, %eq3A_994 : vector<16xi1>
    %broadcast_in_dim3A_996 = arith.constant 1 : i32
    %broadcast_in_dim3A_997 = vector.broadcast %broadcast_in_dim3A_996 : i32 to vector<16xi32>
    %select_n3A_998 = arith.select %and3A_995, %broadcast_in_dim3A_997, %select_n3A_989 : vector<16xi1>, vector<16xi32>
    %ne3A_999 = arith.constant 0 : i32
    %ne3A_1000 = vector.broadcast %ne3A_999 : i32 to vector<16xi32>
    %ne3A_1001 = arith.cmpi ne, %select_n3A_885, %ne3A_1000 : vector<16xi32>
    %and3A_1002 = arith.andi %ne3A_757, %ne3A_1001 : vector<16xi1>
    %eq3A_1003 = arith.cmpf oeq, %gather3A_754, %max3A_933 : vector<16xf32>
    %and3A_1004 = arith.andi %and3A_1002, %eq3A_1003 : vector<16xi1>
    %broadcast_in_dim3A_1005 = arith.constant 0 : i32
    %broadcast_in_dim3A_1006 = vector.broadcast %broadcast_in_dim3A_1005 : i32 to vector<16xi32>
    %select_n3A_1007 = arith.select %and3A_1004, %broadcast_in_dim3A_1006, %select_n3A_998 : vector<16xi1>, vector<16xi32>
    %broadcast_in_dim3A_1008 = arith.constant 0.000000e+00 : f32
    %broadcast_in_dim3A_1009 = vector.broadcast %broadcast_in_dim3A_1008 : f32 to vector<16xf32>
    %eq3A_1010 = arith.constant 0 : i32
    %eq3A_1011 = vector.broadcast %eq3A_1010 : i32 to vector<16xi32>
    %eq3A_1012 = arith.cmpi eq, %select_n3A_885, %eq3A_1011 : vector<16xi32>
    %eq3A_1013 = arith.constant 0 : i32
    %eq3A_1014 = vector.broadcast %eq3A_1013 : i32 to vector<16xi32>
    %eq3A_1015 = arith.cmpi eq, %select_n3A_1007, %eq3A_1014 : vector<16xi32>
    %or3A_1016 = arith.ori %eq3A_1012, %eq3A_1015 : vector<16xi1>
    %sub3A_1017 = arith.subf %gather3A_754, %max3A_843 : vector<16xf32>
    %exp3A_1018 = math.exp %sub3A_1017 : vector<16xf32>
    %jit3A_1019 = arith.constant 0.000000e+00 : f32
    %broadcast_in_dim3A_1020 = vector.broadcast %jit3A_1019 : f32 to vector<16xf32>
    %select_n3A_1021 = arith.select %or3A_1016, %exp3A_1018, %broadcast_in_dim3A_1020 : vector<16xi1>, vector<16xf32>
    %add3A_1022 = arith.addf %broadcast_in_dim3A_1009, %select_n3A_1021 : vector<16xf32>
    %eq3A_1023 = arith.constant 1 : i32
    %eq3A_1024 = vector.broadcast %eq3A_1023 : i32 to vector<16xi32>
    %eq3A_1025 = arith.cmpi eq, %select_n3A_885, %eq3A_1024 : vector<16xi32>
    %eq3A_1026 = arith.constant 1 : i32
    %eq3A_1027 = vector.broadcast %eq3A_1026 : i32 to vector<16xi32>
    %eq3A_1028 = arith.cmpi eq, %select_n3A_1007, %eq3A_1027 : vector<16xi32>
    %or3A_1029 = arith.ori %eq3A_1025, %eq3A_1028 : vector<16xi1>
    %sub3A_1030 = arith.subf %gather3A_764, %max3A_843 : vector<16xf32>
    %exp3A_1031 = math.exp %sub3A_1030 : vector<16xf32>
    %jit3A_1032 = arith.constant 0.000000e+00 : f32
    %broadcast_in_dim3A_1033 = vector.broadcast %jit3A_1032 : f32 to vector<16xf32>
    %select_n3A_1034 = arith.select %or3A_1029, %exp3A_1031, %broadcast_in_dim3A_1033 : vector<16xi1>, vector<16xf32>
    %add3A_1035 = arith.addf %add3A_1022, %select_n3A_1034 : vector<16xf32>
    %eq3A_1036 = arith.constant 2 : i32
    %eq3A_1037 = vector.broadcast %eq3A_1036 : i32 to vector<16xi32>
    %eq3A_1038 = arith.cmpi eq, %select_n3A_885, %eq3A_1037 : vector<16xi32>
    %eq3A_1039 = arith.constant 2 : i32
    %eq3A_1040 = vector.broadcast %eq3A_1039 : i32 to vector<16xi32>
    %eq3A_1041 = arith.cmpi eq, %select_n3A_1007, %eq3A_1040 : vector<16xi32>
    %or3A_1042 = arith.ori %eq3A_1038, %eq3A_1041 : vector<16xi1>
    %sub3A_1043 = arith.subf %gather3A_774, %max3A_843 : vector<16xf32>
    %exp3A_1044 = math.exp %sub3A_1043 : vector<16xf32>
    %jit3A_1045 = arith.constant 0.000000e+00 : f32
    %broadcast_in_dim3A_1046 = vector.broadcast %jit3A_1045 : f32 to vector<16xf32>
    %select_n3A_1047 = arith.select %or3A_1042, %exp3A_1044, %broadcast_in_dim3A_1046 : vector<16xi1>, vector<16xf32>
    %add3A_1048 = arith.addf %add3A_1035, %select_n3A_1047 : vector<16xf32>
    %eq3A_1049 = arith.constant 3 : i32
    %eq3A_1050 = vector.broadcast %eq3A_1049 : i32 to vector<16xi32>
    %eq3A_1051 = arith.cmpi eq, %select_n3A_885, %eq3A_1050 : vector<16xi32>
    %eq3A_1052 = arith.constant 3 : i32
    %eq3A_1053 = vector.broadcast %eq3A_1052 : i32 to vector<16xi32>
    %eq3A_1054 = arith.cmpi eq, %select_n3A_1007, %eq3A_1053 : vector<16xi32>
    %or3A_1055 = arith.ori %eq3A_1051, %eq3A_1054 : vector<16xi1>
    %sub3A_1056 = arith.subf %gather3A_784, %max3A_843 : vector<16xf32>
    %exp3A_1057 = math.exp %sub3A_1056 : vector<16xf32>
    %jit3A_1058 = arith.constant 0.000000e+00 : f32
    %broadcast_in_dim3A_1059 = vector.broadcast %jit3A_1058 : f32 to vector<16xf32>
    %select_n3A_1060 = arith.select %or3A_1055, %exp3A_1057, %broadcast_in_dim3A_1059 : vector<16xi1>, vector<16xf32>
    %add3A_1061 = arith.addf %add3A_1048, %select_n3A_1060 : vector<16xf32>
    %eq3A_1062 = arith.constant 4 : i32
    %eq3A_1063 = vector.broadcast %eq3A_1062 : i32 to vector<16xi32>
    %eq3A_1064 = arith.cmpi eq, %select_n3A_885, %eq3A_1063 : vector<16xi32>
    %eq3A_1065 = arith.constant 4 : i32
    %eq3A_1066 = vector.broadcast %eq3A_1065 : i32 to vector<16xi32>
    %eq3A_1067 = arith.cmpi eq, %select_n3A_1007, %eq3A_1066 : vector<16xi32>
    %or3A_1068 = arith.ori %eq3A_1064, %eq3A_1067 : vector<16xi1>
    %sub3A_1069 = arith.subf %gather3A_794, %max3A_843 : vector<16xf32>
    %exp3A_1070 = math.exp %sub3A_1069 : vector<16xf32>
    %jit3A_1071 = arith.constant 0.000000e+00 : f32
    %broadcast_in_dim3A_1072 = vector.broadcast %jit3A_1071 : f32 to vector<16xf32>
    %select_n3A_1073 = arith.select %or3A_1068, %exp3A_1070, %broadcast_in_dim3A_1072 : vector<16xi1>, vector<16xf32>
    %add3A_1074 = arith.addf %add3A_1061, %select_n3A_1073 : vector<16xf32>
    %eq3A_1075 = arith.constant 5 : i32
    %eq3A_1076 = vector.broadcast %eq3A_1075 : i32 to vector<16xi32>
    %eq3A_1077 = arith.cmpi eq, %select_n3A_885, %eq3A_1076 : vector<16xi32>
    %eq3A_1078 = arith.constant 5 : i32
    %eq3A_1079 = vector.broadcast %eq3A_1078 : i32 to vector<16xi32>
    %eq3A_1080 = arith.cmpi eq, %select_n3A_1007, %eq3A_1079 : vector<16xi32>
    %or3A_1081 = arith.ori %eq3A_1077, %eq3A_1080 : vector<16xi1>
    %sub3A_1082 = arith.subf %gather3A_804, %max3A_843 : vector<16xf32>
    %exp3A_1083 = math.exp %sub3A_1082 : vector<16xf32>
    %jit3A_1084 = arith.constant 0.000000e+00 : f32
    %broadcast_in_dim3A_1085 = vector.broadcast %jit3A_1084 : f32 to vector<16xf32>
    %select_n3A_1086 = arith.select %or3A_1081, %exp3A_1083, %broadcast_in_dim3A_1085 : vector<16xi1>, vector<16xf32>
    %add3A_1087 = arith.addf %add3A_1074, %select_n3A_1086 : vector<16xf32>
    %eq3A_1088 = arith.constant 6 : i32
    %eq3A_1089 = vector.broadcast %eq3A_1088 : i32 to vector<16xi32>
    %eq3A_1090 = arith.cmpi eq, %select_n3A_885, %eq3A_1089 : vector<16xi32>
    %eq3A_1091 = arith.constant 6 : i32
    %eq3A_1092 = vector.broadcast %eq3A_1091 : i32 to vector<16xi32>
    %eq3A_1093 = arith.cmpi eq, %select_n3A_1007, %eq3A_1092 : vector<16xi32>
    %or3A_1094 = arith.ori %eq3A_1090, %eq3A_1093 : vector<16xi1>
    %sub3A_1095 = arith.subf %gather3A_814, %max3A_843 : vector<16xf32>
    %exp3A_1096 = math.exp %sub3A_1095 : vector<16xf32>
    %jit3A_1097 = arith.constant 0.000000e+00 : f32
    %broadcast_in_dim3A_1098 = vector.broadcast %jit3A_1097 : f32 to vector<16xf32>
    %select_n3A_1099 = arith.select %or3A_1094, %exp3A_1096, %broadcast_in_dim3A_1098 : vector<16xi1>, vector<16xf32>
    %add3A_1100 = arith.addf %add3A_1087, %select_n3A_1099 : vector<16xf32>
    %eq3A_1101 = arith.constant 7 : i32
    %eq3A_1102 = vector.broadcast %eq3A_1101 : i32 to vector<16xi32>
    %eq3A_1103 = arith.cmpi eq, %select_n3A_885, %eq3A_1102 : vector<16xi32>
    %eq3A_1104 = arith.constant 7 : i32
    %eq3A_1105 = vector.broadcast %eq3A_1104 : i32 to vector<16xi32>
    %eq3A_1106 = arith.cmpi eq, %select_n3A_1007, %eq3A_1105 : vector<16xi32>
    %or3A_1107 = arith.ori %eq3A_1103, %eq3A_1106 : vector<16xi1>
    %sub3A_1108 = arith.subf %gather3A_824, %max3A_843 : vector<16xf32>
    %exp3A_1109 = math.exp %sub3A_1108 : vector<16xf32>
    %jit3A_1110 = arith.constant 0.000000e+00 : f32
    %broadcast_in_dim3A_1111 = vector.broadcast %jit3A_1110 : f32 to vector<16xf32>
    %select_n3A_1112 = arith.select %or3A_1107, %exp3A_1109, %broadcast_in_dim3A_1111 : vector<16xi1>, vector<16xf32>
    %add3A_1113 = arith.addf %add3A_1100, %select_n3A_1112 : vector<16xf32>
    %div3A_1114 = arith.constant 1.000000e+00 : f32
    %div3A_1115 = vector.broadcast %div3A_1114 : f32 to vector<16xf32>
    %div3A_1116 = arith.divf %div3A_1115, %add3A_1113 : vector<16xf32>
    %mul3A_1117 = arith.mulf %select_n3A_1021, %div3A_1116 : vector<16xf32>
    tpu.vector_store_idx %arg6[%add3A_753], %mul3A_1117 : memref<512xf32, #tpu.memory_space<vmem>>[vector<16xi32>], vector<16xf32>,
    %mul3A_1118 = arith.mulf %select_n3A_1034, %div3A_1116 : vector<16xf32>
    tpu.vector_store_idx %arg6[%add3A_763], %mul3A_1118 : memref<512xf32, #tpu.memory_space<vmem>>[vector<16xi32>], vector<16xf32>,
    %mul3A_1119 = arith.mulf %select_n3A_1047, %div3A_1116 : vector<16xf32>
    tpu.vector_store_idx %arg6[%add3A_773], %mul3A_1119 : memref<512xf32, #tpu.memory_space<vmem>>[vector<16xi32>], vector<16xf32>,
    %mul3A_1120 = arith.mulf %select_n3A_1060, %div3A_1116 : vector<16xf32>
    tpu.vector_store_idx %arg6[%add3A_783], %mul3A_1120 : memref<512xf32, #tpu.memory_space<vmem>>[vector<16xi32>], vector<16xf32>,
    %mul3A_1121 = arith.mulf %select_n3A_1073, %div3A_1116 : vector<16xf32>
    tpu.vector_store_idx %arg6[%add3A_793], %mul3A_1121 : memref<512xf32, #tpu.memory_space<vmem>>[vector<16xi32>], vector<16xf32>,
    %mul3A_1122 = arith.mulf %select_n3A_1086, %div3A_1116 : vector<16xf32>
    tpu.vector_store_idx %arg6[%add3A_803], %mul3A_1122 : memref<512xf32, #tpu.memory_space<vmem>>[vector<16xi32>], vector<16xf32>,
    %mul3A_1123 = arith.mulf %select_n3A_1099, %div3A_1116 : vector<16xf32>
    tpu.vector_store_idx %arg6[%add3A_813], %mul3A_1123 : memref<512xf32, #tpu.memory_space<vmem>>[vector<16xi32>], vector<16xf32>,
    %mul3A_1124 = arith.mulf %select_n3A_1112, %div3A_1116 : vector<16xf32>
    tpu.vector_store_idx %arg6[%add3A_823], %mul3A_1124 : memref<512xf32, #tpu.memory_space<vmem>>[vector<16xi32>], vector<16xf32>,
    %mul3A_1125 = arith.constant 8 : i32
    %mul3A_1126 = vector.broadcast %mul3A_1125 : i32 to vector<16xi32>
    %mul3A_1127 = arith.muli %iota3A, %mul3A_1126 : vector<16xi32>
    %add3A_1128 = arith.constant 384 : i32
    %add3A_1129 = vector.broadcast %add3A_1128 : i32 to vector<16xi32>
    %add3A_1130 = arith.addi %mul3A_1127, %add3A_1129 : vector<16xi32>
    %gather3A_1131 = tpu.vector_load_idx %arg5[%add3A_1130] : memref<512xf32, #tpu.memory_space<vmem>>[vector<16xi32>], vector<16xf32>,
    %ne3A_1132 = arith.constant 0 : i32
    %ne3A_1133 = vector.broadcast %ne3A_1132 : i32 to vector<16xi32>
    %ne3A_1134 = arith.cmpi ne, %get3A_3, %ne3A_1133 : vector<16xi32>
    %mul3A_1135 = arith.constant 8 : i32
    %mul3A_1136 = vector.broadcast %mul3A_1135 : i32 to vector<16xi32>
    %mul3A_1137 = arith.muli %iota3A, %mul3A_1136 : vector<16xi32>
    %add3A_1138 = arith.constant 385 : i32
    %add3A_1139 = vector.broadcast %add3A_1138 : i32 to vector<16xi32>
    %add3A_1140 = arith.addi %mul3A_1137, %add3A_1139 : vector<16xi32>
    %gather3A_1141 = tpu.vector_load_idx %arg5[%add3A_1140] : memref<512xf32, #tpu.memory_space<vmem>>[vector<16xi32>], vector<16xf32>,
    %ne3A_1142 = arith.constant 1 : i32
    %ne3A_1143 = vector.broadcast %ne3A_1142 : i32 to vector<16xi32>
    %ne3A_1144 = arith.cmpi ne, %get3A_3, %ne3A_1143 : vector<16xi32>
    %mul3A_1145 = arith.constant 8 : i32
    %mul3A_1146 = vector.broadcast %mul3A_1145 : i32 to vector<16xi32>
    %mul3A_1147 = arith.muli %iota3A, %mul3A_1146 : vector<16xi32>
    %add3A_1148 = arith.constant 386 : i32
    %add3A_1149 = vector.broadcast %add3A_1148 : i32 to vector<16xi32>
    %add3A_1150 = arith.addi %mul3A_1147, %add3A_1149 : vector<16xi32>
    %gather3A_1151 = tpu.vector_load_idx %arg5[%add3A_1150] : memref<512xf32, #tpu.memory_space<vmem>>[vector<16xi32>], vector<16xf32>,
    %ne3A_1152 = arith.constant 2 : i32
    %ne3A_1153 = vector.broadcast %ne3A_1152 : i32 to vector<16xi32>
    %ne3A_1154 = arith.cmpi ne, %get3A_3, %ne3A_1153 : vector<16xi32>
    %mul3A_1155 = arith.constant 8 : i32
    %mul3A_1156 = vector.broadcast %mul3A_1155 : i32 to vector<16xi32>
    %mul3A_1157 = arith.muli %iota3A, %mul3A_1156 : vector<16xi32>
    %add3A_1158 = arith.constant 387 : i32
    %add3A_1159 = vector.broadcast %add3A_1158 : i32 to vector<16xi32>
    %add3A_1160 = arith.addi %mul3A_1157, %add3A_1159 : vector<16xi32>
    %gather3A_1161 = tpu.vector_load_idx %arg5[%add3A_1160] : memref<512xf32, #tpu.memory_space<vmem>>[vector<16xi32>], vector<16xf32>,
    %ne3A_1162 = arith.constant 3 : i32
    %ne3A_1163 = vector.broadcast %ne3A_1162 : i32 to vector<16xi32>
    %ne3A_1164 = arith.cmpi ne, %get3A_3, %ne3A_1163 : vector<16xi32>
    %mul3A_1165 = arith.constant 8 : i32
    %mul3A_1166 = vector.broadcast %mul3A_1165 : i32 to vector<16xi32>
    %mul3A_1167 = arith.muli %iota3A, %mul3A_1166 : vector<16xi32>
    %add3A_1168 = arith.constant 388 : i32
    %add3A_1169 = vector.broadcast %add3A_1168 : i32 to vector<16xi32>
    %add3A_1170 = arith.addi %mul3A_1167, %add3A_1169 : vector<16xi32>
    %gather3A_1171 = tpu.vector_load_idx %arg5[%add3A_1170] : memref<512xf32, #tpu.memory_space<vmem>>[vector<16xi32>], vector<16xf32>,
    %ne3A_1172 = arith.constant 4 : i32
    %ne3A_1173 = vector.broadcast %ne3A_1172 : i32 to vector<16xi32>
    %ne3A_1174 = arith.cmpi ne, %get3A_3, %ne3A_1173 : vector<16xi32>
    %mul3A_1175 = arith.constant 8 : i32
    %mul3A_1176 = vector.broadcast %mul3A_1175 : i32 to vector<16xi32>
    %mul3A_1177 = arith.muli %iota3A, %mul3A_1176 : vector<16xi32>
    %add3A_1178 = arith.constant 389 : i32
    %add3A_1179 = vector.broadcast %add3A_1178 : i32 to vector<16xi32>
    %add3A_1180 = arith.addi %mul3A_1177, %add3A_1179 : vector<16xi32>
    %gather3A_1181 = tpu.vector_load_idx %arg5[%add3A_1180] : memref<512xf32, #tpu.memory_space<vmem>>[vector<16xi32>], vector<16xf32>,
    %ne3A_1182 = arith.constant 5 : i32
    %ne3A_1183 = vector.broadcast %ne3A_1182 : i32 to vector<16xi32>
    %ne3A_1184 = arith.cmpi ne, %get3A_3, %ne3A_1183 : vector<16xi32>
    %mul3A_1185 = arith.constant 8 : i32
    %mul3A_1186 = vector.broadcast %mul3A_1185 : i32 to vector<16xi32>
    %mul3A_1187 = arith.muli %iota3A, %mul3A_1186 : vector<16xi32>
    %add3A_1188 = arith.constant 390 : i32
    %add3A_1189 = vector.broadcast %add3A_1188 : i32 to vector<16xi32>
    %add3A_1190 = arith.addi %mul3A_1187, %add3A_1189 : vector<16xi32>
    %gather3A_1191 = tpu.vector_load_idx %arg5[%add3A_1190] : memref<512xf32, #tpu.memory_space<vmem>>[vector<16xi32>], vector<16xf32>,
    %ne3A_1192 = arith.constant 6 : i32
    %ne3A_1193 = vector.broadcast %ne3A_1192 : i32 to vector<16xi32>
    %ne3A_1194 = arith.cmpi ne, %get3A_3, %ne3A_1193 : vector<16xi32>
    %mul3A_1195 = arith.constant 8 : i32
    %mul3A_1196 = vector.broadcast %mul3A_1195 : i32 to vector<16xi32>
    %mul3A_1197 = arith.muli %iota3A, %mul3A_1196 : vector<16xi32>
    %add3A_1198 = arith.constant 391 : i32
    %add3A_1199 = vector.broadcast %add3A_1198 : i32 to vector<16xi32>
    %add3A_1200 = arith.addi %mul3A_1197, %add3A_1199 : vector<16xi32>
    %gather3A_1201 = tpu.vector_load_idx %arg5[%add3A_1200] : memref<512xf32, #tpu.memory_space<vmem>>[vector<16xi32>], vector<16xf32>,
    %ne3A_1202 = arith.constant 7 : i32
    %ne3A_1203 = vector.broadcast %ne3A_1202 : i32 to vector<16xi32>
    %ne3A_1204 = arith.cmpi ne, %get3A_3, %ne3A_1203 : vector<16xi32>
    %select_n3A_1205 = arith.select %ne3A_1134, %gather3A_1131, %broadcast_in_dim3A_4 : vector<16xi1>, vector<16xf32>
    %max3A_1206 = arith.maximumf %broadcast_in_dim3A_4, %select_n3A_1205 : vector<16xf32>
    %select_n3A_1207 = arith.select %ne3A_1144, %gather3A_1141, %broadcast_in_dim3A_4 : vector<16xi1>, vector<16xf32>
    %max3A_1208 = arith.maximumf %max3A_1206, %select_n3A_1207 : vector<16xf32>
    %select_n3A_1209 = arith.select %ne3A_1154, %gather3A_1151, %broadcast_in_dim3A_4 : vector<16xi1>, vector<16xf32>
    %max3A_1210 = arith.maximumf %max3A_1208, %select_n3A_1209 : vector<16xf32>
    %select_n3A_1211 = arith.select %ne3A_1164, %gather3A_1161, %broadcast_in_dim3A_4 : vector<16xi1>, vector<16xf32>
    %max3A_1212 = arith.maximumf %max3A_1210, %select_n3A_1211 : vector<16xf32>
    %select_n3A_1213 = arith.select %ne3A_1174, %gather3A_1171, %broadcast_in_dim3A_4 : vector<16xi1>, vector<16xf32>
    %max3A_1214 = arith.maximumf %max3A_1212, %select_n3A_1213 : vector<16xf32>
    %select_n3A_1215 = arith.select %ne3A_1184, %gather3A_1181, %broadcast_in_dim3A_4 : vector<16xi1>, vector<16xf32>
    %max3A_1216 = arith.maximumf %max3A_1214, %select_n3A_1215 : vector<16xf32>
    %select_n3A_1217 = arith.select %ne3A_1194, %gather3A_1191, %broadcast_in_dim3A_4 : vector<16xi1>, vector<16xf32>
    %max3A_1218 = arith.maximumf %max3A_1216, %select_n3A_1217 : vector<16xf32>
    %select_n3A_1219 = arith.select %ne3A_1204, %gather3A_1201, %broadcast_in_dim3A_4 : vector<16xi1>, vector<16xf32>
    %max3A_1220 = arith.maximumf %max3A_1218, %select_n3A_1219 : vector<16xf32>
    %broadcast_in_dim3A_1221 = arith.constant 8 : i32
    %broadcast_in_dim3A_1222 = vector.broadcast %broadcast_in_dim3A_1221 : i32 to vector<16xi32>
    %eq3A_1223 = arith.cmpf oeq, %gather3A_1201, %max3A_1220 : vector<16xf32>
    %and3A_1224 = arith.andi %ne3A_1204, %eq3A_1223 : vector<16xi1>
    %broadcast_in_dim3A_1225 = arith.constant 7 : i32
    %broadcast_in_dim3A_1226 = vector.broadcast %broadcast_in_dim3A_1225 : i32 to vector<16xi32>
    %select_n3A_1227 = arith.select %and3A_1224, %broadcast_in_dim3A_1226, %broadcast_in_dim3A_1222 : vector<16xi1>, vector<16xi32>
    %eq3A_1228 = arith.cmpf oeq, %gather3A_1191, %max3A_1220 : vector<16xf32>
    %and3A_1229 = arith.andi %ne3A_1194, %eq3A_1228 : vector<16xi1>
    %broadcast_in_dim3A_1230 = arith.constant 6 : i32
    %broadcast_in_dim3A_1231 = vector.broadcast %broadcast_in_dim3A_1230 : i32 to vector<16xi32>
    %select_n3A_1232 = arith.select %and3A_1229, %broadcast_in_dim3A_1231, %select_n3A_1227 : vector<16xi1>, vector<16xi32>
    %eq3A_1233 = arith.cmpf oeq, %gather3A_1181, %max3A_1220 : vector<16xf32>
    %and3A_1234 = arith.andi %ne3A_1184, %eq3A_1233 : vector<16xi1>
    %broadcast_in_dim3A_1235 = arith.constant 5 : i32
    %broadcast_in_dim3A_1236 = vector.broadcast %broadcast_in_dim3A_1235 : i32 to vector<16xi32>
    %select_n3A_1237 = arith.select %and3A_1234, %broadcast_in_dim3A_1236, %select_n3A_1232 : vector<16xi1>, vector<16xi32>
    %eq3A_1238 = arith.cmpf oeq, %gather3A_1171, %max3A_1220 : vector<16xf32>
    %and3A_1239 = arith.andi %ne3A_1174, %eq3A_1238 : vector<16xi1>
    %broadcast_in_dim3A_1240 = arith.constant 4 : i32
    %broadcast_in_dim3A_1241 = vector.broadcast %broadcast_in_dim3A_1240 : i32 to vector<16xi32>
    %select_n3A_1242 = arith.select %and3A_1239, %broadcast_in_dim3A_1241, %select_n3A_1237 : vector<16xi1>, vector<16xi32>
    %eq3A_1243 = arith.cmpf oeq, %gather3A_1161, %max3A_1220 : vector<16xf32>
    %and3A_1244 = arith.andi %ne3A_1164, %eq3A_1243 : vector<16xi1>
    %broadcast_in_dim3A_1245 = arith.constant 3 : i32
    %broadcast_in_dim3A_1246 = vector.broadcast %broadcast_in_dim3A_1245 : i32 to vector<16xi32>
    %select_n3A_1247 = arith.select %and3A_1244, %broadcast_in_dim3A_1246, %select_n3A_1242 : vector<16xi1>, vector<16xi32>
    %eq3A_1248 = arith.cmpf oeq, %gather3A_1151, %max3A_1220 : vector<16xf32>
    %and3A_1249 = arith.andi %ne3A_1154, %eq3A_1248 : vector<16xi1>
    %broadcast_in_dim3A_1250 = arith.constant 2 : i32
    %broadcast_in_dim3A_1251 = vector.broadcast %broadcast_in_dim3A_1250 : i32 to vector<16xi32>
    %select_n3A_1252 = arith.select %and3A_1249, %broadcast_in_dim3A_1251, %select_n3A_1247 : vector<16xi1>, vector<16xi32>
    %eq3A_1253 = arith.cmpf oeq, %gather3A_1141, %max3A_1220 : vector<16xf32>
    %and3A_1254 = arith.andi %ne3A_1144, %eq3A_1253 : vector<16xi1>
    %broadcast_in_dim3A_1255 = arith.constant 1 : i32
    %broadcast_in_dim3A_1256 = vector.broadcast %broadcast_in_dim3A_1255 : i32 to vector<16xi32>
    %select_n3A_1257 = arith.select %and3A_1254, %broadcast_in_dim3A_1256, %select_n3A_1252 : vector<16xi1>, vector<16xi32>
    %eq3A_1258 = arith.cmpf oeq, %gather3A_1131, %max3A_1220 : vector<16xf32>
    %and3A_1259 = arith.andi %ne3A_1134, %eq3A_1258 : vector<16xi1>
    %broadcast_in_dim3A_1260 = arith.constant 0 : i32
    %broadcast_in_dim3A_1261 = vector.broadcast %broadcast_in_dim3A_1260 : i32 to vector<16xi32>
    %select_n3A_1262 = arith.select %and3A_1259, %broadcast_in_dim3A_1261, %select_n3A_1257 : vector<16xi1>, vector<16xi32>
    %ne3A_1263 = arith.constant 0 : i32
    %ne3A_1264 = vector.broadcast %ne3A_1263 : i32 to vector<16xi32>
    %ne3A_1265 = arith.cmpi ne, %select_n3A_1262, %ne3A_1264 : vector<16xi32>
    %and3A_1266 = arith.andi %ne3A_1134, %ne3A_1265 : vector<16xi1>
    %select_n3A_1267 = arith.select %and3A_1266, %gather3A_1131, %broadcast_in_dim3A_4 : vector<16xi1>, vector<16xf32>
    %max3A_1268 = arith.maximumf %broadcast_in_dim3A_4, %select_n3A_1267 : vector<16xf32>
    %ne3A_1269 = arith.constant 1 : i32
    %ne3A_1270 = vector.broadcast %ne3A_1269 : i32 to vector<16xi32>
    %ne3A_1271 = arith.cmpi ne, %select_n3A_1262, %ne3A_1270 : vector<16xi32>
    %and3A_1272 = arith.andi %ne3A_1144, %ne3A_1271 : vector<16xi1>
    %select_n3A_1273 = arith.select %and3A_1272, %gather3A_1141, %broadcast_in_dim3A_4 : vector<16xi1>, vector<16xf32>
    %max3A_1274 = arith.maximumf %max3A_1268, %select_n3A_1273 : vector<16xf32>
    %ne3A_1275 = arith.constant 2 : i32
    %ne3A_1276 = vector.broadcast %ne3A_1275 : i32 to vector<16xi32>
    %ne3A_1277 = arith.cmpi ne, %select_n3A_1262, %ne3A_1276 : vector<16xi32>
    %and3A_1278 = arith.andi %ne3A_1154, %ne3A_1277 : vector<16xi1>
    %select_n3A_1279 = arith.select %and3A_1278, %gather3A_1151, %broadcast_in_dim3A_4 : vector<16xi1>, vector<16xf32>
    %max3A_1280 = arith.maximumf %max3A_1274, %select_n3A_1279 : vector<16xf32>
    %ne3A_1281 = arith.constant 3 : i32
    %ne3A_1282 = vector.broadcast %ne3A_1281 : i32 to vector<16xi32>
    %ne3A_1283 = arith.cmpi ne, %select_n3A_1262, %ne3A_1282 : vector<16xi32>
    %and3A_1284 = arith.andi %ne3A_1164, %ne3A_1283 : vector<16xi1>
    %select_n3A_1285 = arith.select %and3A_1284, %gather3A_1161, %broadcast_in_dim3A_4 : vector<16xi1>, vector<16xf32>
    %max3A_1286 = arith.maximumf %max3A_1280, %select_n3A_1285 : vector<16xf32>
    %ne3A_1287 = arith.constant 4 : i32
    %ne3A_1288 = vector.broadcast %ne3A_1287 : i32 to vector<16xi32>
    %ne3A_1289 = arith.cmpi ne, %select_n3A_1262, %ne3A_1288 : vector<16xi32>
    %and3A_1290 = arith.andi %ne3A_1174, %ne3A_1289 : vector<16xi1>
    %select_n3A_1291 = arith.select %and3A_1290, %gather3A_1171, %broadcast_in_dim3A_4 : vector<16xi1>, vector<16xf32>
    %max3A_1292 = arith.maximumf %max3A_1286, %select_n3A_1291 : vector<16xf32>
    %ne3A_1293 = arith.constant 5 : i32
    %ne3A_1294 = vector.broadcast %ne3A_1293 : i32 to vector<16xi32>
    %ne3A_1295 = arith.cmpi ne, %select_n3A_1262, %ne3A_1294 : vector<16xi32>
    %and3A_1296 = arith.andi %ne3A_1184, %ne3A_1295 : vector<16xi1>
    %select_n3A_1297 = arith.select %and3A_1296, %gather3A_1181, %broadcast_in_dim3A_4 : vector<16xi1>, vector<16xf32>
    %max3A_1298 = arith.maximumf %max3A_1292, %select_n3A_1297 : vector<16xf32>
    %ne3A_1299 = arith.constant 6 : i32
    %ne3A_1300 = vector.broadcast %ne3A_1299 : i32 to vector<16xi32>
    %ne3A_1301 = arith.cmpi ne, %select_n3A_1262, %ne3A_1300 : vector<16xi32>
    %and3A_1302 = arith.andi %ne3A_1194, %ne3A_1301 : vector<16xi1>
    %select_n3A_1303 = arith.select %and3A_1302, %gather3A_1191, %broadcast_in_dim3A_4 : vector<16xi1>, vector<16xf32>
    %max3A_1304 = arith.maximumf %max3A_1298, %select_n3A_1303 : vector<16xf32>
    %ne3A_1305 = arith.constant 7 : i32
    %ne3A_1306 = vector.broadcast %ne3A_1305 : i32 to vector<16xi32>
    %ne3A_1307 = arith.cmpi ne, %select_n3A_1262, %ne3A_1306 : vector<16xi32>
    %and3A_1308 = arith.andi %ne3A_1204, %ne3A_1307 : vector<16xi1>
    %select_n3A_1309 = arith.select %and3A_1308, %gather3A_1201, %broadcast_in_dim3A_4 : vector<16xi1>, vector<16xf32>
    %max3A_1310 = arith.maximumf %max3A_1304, %select_n3A_1309 : vector<16xf32>
    %broadcast_in_dim3A_1311 = arith.constant 8 : i32
    %broadcast_in_dim3A_1312 = vector.broadcast %broadcast_in_dim3A_1311 : i32 to vector<16xi32>
    %ne3A_1313 = arith.constant 7 : i32
    %ne3A_1314 = vector.broadcast %ne3A_1313 : i32 to vector<16xi32>
    %ne3A_1315 = arith.cmpi ne, %select_n3A_1262, %ne3A_1314 : vector<16xi32>
    %and3A_1316 = arith.andi %ne3A_1204, %ne3A_1315 : vector<16xi1>
    %eq3A_1317 = arith.cmpf oeq, %gather3A_1201, %max3A_1310 : vector<16xf32>
    %and3A_1318 = arith.andi %and3A_1316, %eq3A_1317 : vector<16xi1>
    %broadcast_in_dim3A_1319 = arith.constant 7 : i32
    %broadcast_in_dim3A_1320 = vector.broadcast %broadcast_in_dim3A_1319 : i32 to vector<16xi32>
    %select_n3A_1321 = arith.select %and3A_1318, %broadcast_in_dim3A_1320, %broadcast_in_dim3A_1312 : vector<16xi1>, vector<16xi32>
    %ne3A_1322 = arith.constant 6 : i32
    %ne3A_1323 = vector.broadcast %ne3A_1322 : i32 to vector<16xi32>
    %ne3A_1324 = arith.cmpi ne, %select_n3A_1262, %ne3A_1323 : vector<16xi32>
    %and3A_1325 = arith.andi %ne3A_1194, %ne3A_1324 : vector<16xi1>
    %eq3A_1326 = arith.cmpf oeq, %gather3A_1191, %max3A_1310 : vector<16xf32>
    %and3A_1327 = arith.andi %and3A_1325, %eq3A_1326 : vector<16xi1>
    %broadcast_in_dim3A_1328 = arith.constant 6 : i32
    %broadcast_in_dim3A_1329 = vector.broadcast %broadcast_in_dim3A_1328 : i32 to vector<16xi32>
    %select_n3A_1330 = arith.select %and3A_1327, %broadcast_in_dim3A_1329, %select_n3A_1321 : vector<16xi1>, vector<16xi32>
    %ne3A_1331 = arith.constant 5 : i32
    %ne3A_1332 = vector.broadcast %ne3A_1331 : i32 to vector<16xi32>
    %ne3A_1333 = arith.cmpi ne, %select_n3A_1262, %ne3A_1332 : vector<16xi32>
    %and3A_1334 = arith.andi %ne3A_1184, %ne3A_1333 : vector<16xi1>
    %eq3A_1335 = arith.cmpf oeq, %gather3A_1181, %max3A_1310 : vector<16xf32>
    %and3A_1336 = arith.andi %and3A_1334, %eq3A_1335 : vector<16xi1>
    %broadcast_in_dim3A_1337 = arith.constant 5 : i32
    %broadcast_in_dim3A_1338 = vector.broadcast %broadcast_in_dim3A_1337 : i32 to vector<16xi32>
    %select_n3A_1339 = arith.select %and3A_1336, %broadcast_in_dim3A_1338, %select_n3A_1330 : vector<16xi1>, vector<16xi32>
    %ne3A_1340 = arith.constant 4 : i32
    %ne3A_1341 = vector.broadcast %ne3A_1340 : i32 to vector<16xi32>
    %ne3A_1342 = arith.cmpi ne, %select_n3A_1262, %ne3A_1341 : vector<16xi32>
    %and3A_1343 = arith.andi %ne3A_1174, %ne3A_1342 : vector<16xi1>
    %eq3A_1344 = arith.cmpf oeq, %gather3A_1171, %max3A_1310 : vector<16xf32>
    %and3A_1345 = arith.andi %and3A_1343, %eq3A_1344 : vector<16xi1>
    %broadcast_in_dim3A_1346 = arith.constant 4 : i32
    %broadcast_in_dim3A_1347 = vector.broadcast %broadcast_in_dim3A_1346 : i32 to vector<16xi32>
    %select_n3A_1348 = arith.select %and3A_1345, %broadcast_in_dim3A_1347, %select_n3A_1339 : vector<16xi1>, vector<16xi32>
    %ne3A_1349 = arith.constant 3 : i32
    %ne3A_1350 = vector.broadcast %ne3A_1349 : i32 to vector<16xi32>
    %ne3A_1351 = arith.cmpi ne, %select_n3A_1262, %ne3A_1350 : vector<16xi32>
    %and3A_1352 = arith.andi %ne3A_1164, %ne3A_1351 : vector<16xi1>
    %eq3A_1353 = arith.cmpf oeq, %gather3A_1161, %max3A_1310 : vector<16xf32>
    %and3A_1354 = arith.andi %and3A_1352, %eq3A_1353 : vector<16xi1>
    %broadcast_in_dim3A_1355 = arith.constant 3 : i32
    %broadcast_in_dim3A_1356 = vector.broadcast %broadcast_in_dim3A_1355 : i32 to vector<16xi32>
    %select_n3A_1357 = arith.select %and3A_1354, %broadcast_in_dim3A_1356, %select_n3A_1348 : vector<16xi1>, vector<16xi32>
    %ne3A_1358 = arith.constant 2 : i32
    %ne3A_1359 = vector.broadcast %ne3A_1358 : i32 to vector<16xi32>
    %ne3A_1360 = arith.cmpi ne, %select_n3A_1262, %ne3A_1359 : vector<16xi32>
    %and3A_1361 = arith.andi %ne3A_1154, %ne3A_1360 : vector<16xi1>
    %eq3A_1362 = arith.cmpf oeq, %gather3A_1151, %max3A_1310 : vector<16xf32>
    %and3A_1363 = arith.andi %and3A_1361, %eq3A_1362 : vector<16xi1>
    %broadcast_in_dim3A_1364 = arith.constant 2 : i32
    %broadcast_in_dim3A_1365 = vector.broadcast %broadcast_in_dim3A_1364 : i32 to vector<16xi32>
    %select_n3A_1366 = arith.select %and3A_1363, %broadcast_in_dim3A_1365, %select_n3A_1357 : vector<16xi1>, vector<16xi32>
    %ne3A_1367 = arith.constant 1 : i32
    %ne3A_1368 = vector.broadcast %ne3A_1367 : i32 to vector<16xi32>
    %ne3A_1369 = arith.cmpi ne, %select_n3A_1262, %ne3A_1368 : vector<16xi32>
    %and3A_1370 = arith.andi %ne3A_1144, %ne3A_1369 : vector<16xi1>
    %eq3A_1371 = arith.cmpf oeq, %gather3A_1141, %max3A_1310 : vector<16xf32>
    %and3A_1372 = arith.andi %and3A_1370, %eq3A_1371 : vector<16xi1>
    %broadcast_in_dim3A_1373 = arith.constant 1 : i32
    %broadcast_in_dim3A_1374 = vector.broadcast %broadcast_in_dim3A_1373 : i32 to vector<16xi32>
    %select_n3A_1375 = arith.select %and3A_1372, %broadcast_in_dim3A_1374, %select_n3A_1366 : vector<16xi1>, vector<16xi32>
    %ne3A_1376 = arith.constant 0 : i32
    %ne3A_1377 = vector.broadcast %ne3A_1376 : i32 to vector<16xi32>
    %ne3A_1378 = arith.cmpi ne, %select_n3A_1262, %ne3A_1377 : vector<16xi32>
    %and3A_1379 = arith.andi %ne3A_1134, %ne3A_1378 : vector<16xi1>
    %eq3A_1380 = arith.cmpf oeq, %gather3A_1131, %max3A_1310 : vector<16xf32>
    %and3A_1381 = arith.andi %and3A_1379, %eq3A_1380 : vector<16xi1>
    %broadcast_in_dim3A_1382 = arith.constant 0 : i32
    %broadcast_in_dim3A_1383 = vector.broadcast %broadcast_in_dim3A_1382 : i32 to vector<16xi32>
    %select_n3A_1384 = arith.select %and3A_1381, %broadcast_in_dim3A_1383, %select_n3A_1375 : vector<16xi1>, vector<16xi32>
    %broadcast_in_dim3A_1385 = arith.constant 0.000000e+00 : f32
    %broadcast_in_dim3A_1386 = vector.broadcast %broadcast_in_dim3A_1385 : f32 to vector<16xf32>
    %eq3A_1387 = arith.constant 0 : i32
    %eq3A_1388 = vector.broadcast %eq3A_1387 : i32 to vector<16xi32>
    %eq3A_1389 = arith.cmpi eq, %select_n3A_1262, %eq3A_1388 : vector<16xi32>
    %eq3A_1390 = arith.constant 0 : i32
    %eq3A_1391 = vector.broadcast %eq3A_1390 : i32 to vector<16xi32>
    %eq3A_1392 = arith.cmpi eq, %select_n3A_1384, %eq3A_1391 : vector<16xi32>
    %or3A_1393 = arith.ori %eq3A_1389, %eq3A_1392 : vector<16xi1>
    %sub3A_1394 = arith.subf %gather3A_1131, %max3A_1220 : vector<16xf32>
    %exp3A_1395 = math.exp %sub3A_1394 : vector<16xf32>
    %jit3A_1396 = arith.constant 0.000000e+00 : f32
    %broadcast_in_dim3A_1397 = vector.broadcast %jit3A_1396 : f32 to vector<16xf32>
    %select_n3A_1398 = arith.select %or3A_1393, %exp3A_1395, %broadcast_in_dim3A_1397 : vector<16xi1>, vector<16xf32>
    %add3A_1399 = arith.addf %broadcast_in_dim3A_1386, %select_n3A_1398 : vector<16xf32>
    %eq3A_1400 = arith.constant 1 : i32
    %eq3A_1401 = vector.broadcast %eq3A_1400 : i32 to vector<16xi32>
    %eq3A_1402 = arith.cmpi eq, %select_n3A_1262, %eq3A_1401 : vector<16xi32>
    %eq3A_1403 = arith.constant 1 : i32
    %eq3A_1404 = vector.broadcast %eq3A_1403 : i32 to vector<16xi32>
    %eq3A_1405 = arith.cmpi eq, %select_n3A_1384, %eq3A_1404 : vector<16xi32>
    %or3A_1406 = arith.ori %eq3A_1402, %eq3A_1405 : vector<16xi1>
    %sub3A_1407 = arith.subf %gather3A_1141, %max3A_1220 : vector<16xf32>
    %exp3A_1408 = math.exp %sub3A_1407 : vector<16xf32>
    %jit3A_1409 = arith.constant 0.000000e+00 : f32
    %broadcast_in_dim3A_1410 = vector.broadcast %jit3A_1409 : f32 to vector<16xf32>
    %select_n3A_1411 = arith.select %or3A_1406, %exp3A_1408, %broadcast_in_dim3A_1410 : vector<16xi1>, vector<16xf32>
    %add3A_1412 = arith.addf %add3A_1399, %select_n3A_1411 : vector<16xf32>
    %eq3A_1413 = arith.constant 2 : i32
    %eq3A_1414 = vector.broadcast %eq3A_1413 : i32 to vector<16xi32>
    %eq3A_1415 = arith.cmpi eq, %select_n3A_1262, %eq3A_1414 : vector<16xi32>
    %eq3A_1416 = arith.constant 2 : i32
    %eq3A_1417 = vector.broadcast %eq3A_1416 : i32 to vector<16xi32>
    %eq3A_1418 = arith.cmpi eq, %select_n3A_1384, %eq3A_1417 : vector<16xi32>
    %or3A_1419 = arith.ori %eq3A_1415, %eq3A_1418 : vector<16xi1>
    %sub3A_1420 = arith.subf %gather3A_1151, %max3A_1220 : vector<16xf32>
    %exp3A_1421 = math.exp %sub3A_1420 : vector<16xf32>
    %jit3A_1422 = arith.constant 0.000000e+00 : f32
    %broadcast_in_dim3A_1423 = vector.broadcast %jit3A_1422 : f32 to vector<16xf32>
    %select_n3A_1424 = arith.select %or3A_1419, %exp3A_1421, %broadcast_in_dim3A_1423 : vector<16xi1>, vector<16xf32>
    %add3A_1425 = arith.addf %add3A_1412, %select_n3A_1424 : vector<16xf32>
    %eq3A_1426 = arith.constant 3 : i32
    %eq3A_1427 = vector.broadcast %eq3A_1426 : i32 to vector<16xi32>
    %eq3A_1428 = arith.cmpi eq, %select_n3A_1262, %eq3A_1427 : vector<16xi32>
    %eq3A_1429 = arith.constant 3 : i32
    %eq3A_1430 = vector.broadcast %eq3A_1429 : i32 to vector<16xi32>
    %eq3A_1431 = arith.cmpi eq, %select_n3A_1384, %eq3A_1430 : vector<16xi32>
    %or3A_1432 = arith.ori %eq3A_1428, %eq3A_1431 : vector<16xi1>
    %sub3A_1433 = arith.subf %gather3A_1161, %max3A_1220 : vector<16xf32>
    %exp3A_1434 = math.exp %sub3A_1433 : vector<16xf32>
    %jit3A_1435 = arith.constant 0.000000e+00 : f32
    %broadcast_in_dim3A_1436 = vector.broadcast %jit3A_1435 : f32 to vector<16xf32>
    %select_n3A_1437 = arith.select %or3A_1432, %exp3A_1434, %broadcast_in_dim3A_1436 : vector<16xi1>, vector<16xf32>
    %add3A_1438 = arith.addf %add3A_1425, %select_n3A_1437 : vector<16xf32>
    %eq3A_1439 = arith.constant 4 : i32
    %eq3A_1440 = vector.broadcast %eq3A_1439 : i32 to vector<16xi32>
    %eq3A_1441 = arith.cmpi eq, %select_n3A_1262, %eq3A_1440 : vector<16xi32>
    %eq3A_1442 = arith.constant 4 : i32
    %eq3A_1443 = vector.broadcast %eq3A_1442 : i32 to vector<16xi32>
    %eq3A_1444 = arith.cmpi eq, %select_n3A_1384, %eq3A_1443 : vector<16xi32>
    %or3A_1445 = arith.ori %eq3A_1441, %eq3A_1444 : vector<16xi1>
    %sub3A_1446 = arith.subf %gather3A_1171, %max3A_1220 : vector<16xf32>
    %exp3A_1447 = math.exp %sub3A_1446 : vector<16xf32>
    %jit3A_1448 = arith.constant 0.000000e+00 : f32
    %broadcast_in_dim3A_1449 = vector.broadcast %jit3A_1448 : f32 to vector<16xf32>
    %select_n3A_1450 = arith.select %or3A_1445, %exp3A_1447, %broadcast_in_dim3A_1449 : vector<16xi1>, vector<16xf32>
    %add3A_1451 = arith.addf %add3A_1438, %select_n3A_1450 : vector<16xf32>
    %eq3A_1452 = arith.constant 5 : i32
    %eq3A_1453 = vector.broadcast %eq3A_1452 : i32 to vector<16xi32>
    %eq3A_1454 = arith.cmpi eq, %select_n3A_1262, %eq3A_1453 : vector<16xi32>
    %eq3A_1455 = arith.constant 5 : i32
    %eq3A_1456 = vector.broadcast %eq3A_1455 : i32 to vector<16xi32>
    %eq3A_1457 = arith.cmpi eq, %select_n3A_1384, %eq3A_1456 : vector<16xi32>
    %or3A_1458 = arith.ori %eq3A_1454, %eq3A_1457 : vector<16xi1>
    %sub3A_1459 = arith.subf %gather3A_1181, %max3A_1220 : vector<16xf32>
    %exp3A_1460 = math.exp %sub3A_1459 : vector<16xf32>
    %jit3A_1461 = arith.constant 0.000000e+00 : f32
    %broadcast_in_dim3A_1462 = vector.broadcast %jit3A_1461 : f32 to vector<16xf32>
    %select_n3A_1463 = arith.select %or3A_1458, %exp3A_1460, %broadcast_in_dim3A_1462 : vector<16xi1>, vector<16xf32>
    %add3A_1464 = arith.addf %add3A_1451, %select_n3A_1463 : vector<16xf32>
    %eq3A_1465 = arith.constant 6 : i32
    %eq3A_1466 = vector.broadcast %eq3A_1465 : i32 to vector<16xi32>
    %eq3A_1467 = arith.cmpi eq, %select_n3A_1262, %eq3A_1466 : vector<16xi32>
    %eq3A_1468 = arith.constant 6 : i32
    %eq3A_1469 = vector.broadcast %eq3A_1468 : i32 to vector<16xi32>
    %eq3A_1470 = arith.cmpi eq, %select_n3A_1384, %eq3A_1469 : vector<16xi32>
    %or3A_1471 = arith.ori %eq3A_1467, %eq3A_1470 : vector<16xi1>
    %sub3A_1472 = arith.subf %gather3A_1191, %max3A_1220 : vector<16xf32>
    %exp3A_1473 = math.exp %sub3A_1472 : vector<16xf32>
    %jit3A_1474 = arith.constant 0.000000e+00 : f32
    %broadcast_in_dim3A_1475 = vector.broadcast %jit3A_1474 : f32 to vector<16xf32>
    %select_n3A_1476 = arith.select %or3A_1471, %exp3A_1473, %broadcast_in_dim3A_1475 : vector<16xi1>, vector<16xf32>
    %add3A_1477 = arith.addf %add3A_1464, %select_n3A_1476 : vector<16xf32>
    %eq3A_1478 = arith.constant 7 : i32
    %eq3A_1479 = vector.broadcast %eq3A_1478 : i32 to vector<16xi32>
    %eq3A_1480 = arith.cmpi eq, %select_n3A_1262, %eq3A_1479 : vector<16xi32>
    %eq3A_1481 = arith.constant 7 : i32
    %eq3A_1482 = vector.broadcast %eq3A_1481 : i32 to vector<16xi32>
    %eq3A_1483 = arith.cmpi eq, %select_n3A_1384, %eq3A_1482 : vector<16xi32>
    %or3A_1484 = arith.ori %eq3A_1480, %eq3A_1483 : vector<16xi1>
    %sub3A_1485 = arith.subf %gather3A_1201, %max3A_1220 : vector<16xf32>
    %exp3A_1486 = math.exp %sub3A_1485 : vector<16xf32>
    %jit3A_1487 = arith.constant 0.000000e+00 : f32
    %broadcast_in_dim3A_1488 = vector.broadcast %jit3A_1487 : f32 to vector<16xf32>
    %select_n3A_1489 = arith.select %or3A_1484, %exp3A_1486, %broadcast_in_dim3A_1488 : vector<16xi1>, vector<16xf32>
    %add3A_1490 = arith.addf %add3A_1477, %select_n3A_1489 : vector<16xf32>
    %div3A_1491 = arith.constant 1.000000e+00 : f32
    %div3A_1492 = vector.broadcast %div3A_1491 : f32 to vector<16xf32>
    %div3A_1493 = arith.divf %div3A_1492, %add3A_1490 : vector<16xf32>
    %mul3A_1494 = arith.mulf %select_n3A_1398, %div3A_1493 : vector<16xf32>
    tpu.vector_store_idx %arg6[%add3A_1130], %mul3A_1494 : memref<512xf32, #tpu.memory_space<vmem>>[vector<16xi32>], vector<16xf32>,
    %mul3A_1495 = arith.mulf %select_n3A_1411, %div3A_1493 : vector<16xf32>
    tpu.vector_store_idx %arg6[%add3A_1140], %mul3A_1495 : memref<512xf32, #tpu.memory_space<vmem>>[vector<16xi32>], vector<16xf32>,
    %mul3A_1496 = arith.mulf %select_n3A_1424, %div3A_1493 : vector<16xf32>
    tpu.vector_store_idx %arg6[%add3A_1150], %mul3A_1496 : memref<512xf32, #tpu.memory_space<vmem>>[vector<16xi32>], vector<16xf32>,
    %mul3A_1497 = arith.mulf %select_n3A_1437, %div3A_1493 : vector<16xf32>
    tpu.vector_store_idx %arg6[%add3A_1160], %mul3A_1497 : memref<512xf32, #tpu.memory_space<vmem>>[vector<16xi32>], vector<16xf32>,
    %mul3A_1498 = arith.mulf %select_n3A_1450, %div3A_1493 : vector<16xf32>
    tpu.vector_store_idx %arg6[%add3A_1170], %mul3A_1498 : memref<512xf32, #tpu.memory_space<vmem>>[vector<16xi32>], vector<16xf32>,
    %mul3A_1499 = arith.mulf %select_n3A_1463, %div3A_1493 : vector<16xf32>
    tpu.vector_store_idx %arg6[%add3A_1180], %mul3A_1499 : memref<512xf32, #tpu.memory_space<vmem>>[vector<16xi32>], vector<16xf32>,
    %mul3A_1500 = arith.mulf %select_n3A_1476, %div3A_1493 : vector<16xf32>
    tpu.vector_store_idx %arg6[%add3A_1190], %mul3A_1500 : memref<512xf32, #tpu.memory_space<vmem>>[vector<16xi32>], vector<16xf32>,
    %mul3A_1501 = arith.mulf %select_n3A_1489, %div3A_1493 : vector<16xf32>
    tpu.vector_store_idx %arg6[%add3A_1200], %mul3A_1501 : memref<512xf32, #tpu.memory_space<vmem>>[vector<16xi32>], vector<16xf32>,
    "tpu.region"() ({
      %run_scoped3A = tpu.sem_alloc : memref<!tpu.dma_semaphore, #tpu.memory_space<semaphore_mem>>
      %dma_start3A = tpu.memref_slice %arg4[%mul3A_2] : memref<16384xf32, #tpu.memory_space<hbm>> -> memref<512xf32, #tpu.memory_space<hbm>>
      %dma_start3A_1502 = tpu.memref_slice %arg4[%mul3A_2] : memref<16384xf32, #tpu.memory_space<hbm>> -> memref<512xf32, #tpu.memory_space<hbm>>
      tpu.enqueue_dma source(%arg6 : memref<512xf32, #tpu.memory_space<vmem>>) target(%dma_start3A_1502 : memref<512xf32, #tpu.memory_space<hbm>>) target_semaphore(%run_scoped3A : memref<!tpu.dma_semaphore, #tpu.memory_space<semaphore_mem>>)
      %dma_wait3A = tpu.memref_slice %arg4[%mul3A_2] : memref<16384xf32, #tpu.memory_space<hbm>> -> memref<512xf32, #tpu.memory_space<hbm>>
      %dma_wait3A_1503 = tpu.memref_slice %arg4[%mul3A_2] : memref<16384xf32, #tpu.memory_space<hbm>> -> memref<512xf32, #tpu.memory_space<hbm>>
      tpu.wait_dma2 semaphore(%run_scoped3A : memref<!tpu.dma_semaphore, #tpu.memory_space<semaphore_mem>>) src(%arg6 : memref<512xf32, #tpu.memory_space<vmem>>) dst(%dma_wait3A_1503 : memref<512xf32, #tpu.memory_space<hbm>>)
      tpu.yield
    }) : () -> ()
    return
  }
}

module attributes {stable_mosaic.version = 14 : i64} {
  func.func @_scorer_body(%arg0: i32, %arg1: memref<1024x1024xf32, #tpu.memory_space<vmem>>, %arg2: memref<128x1024xf32, #tpu.memory_space<vmem>>, %arg3: memref<128x1024xf32, #tpu.memory_space<vmem>>, %arg4: memref<128x1024xf32, #tpu.memory_space<vmem>>, %arg5: memref<4096x1024xf32, #tpu.memory_space<vmem>>, %arg6: memref<1x1024xf32, #tpu.memory_space<vmem>>, %arg7: memref<1024x1xf32, #tpu.memory_space<vmem>>, %arg8: memref<1x1xf32, #tpu.memory_space<vmem>>, %arg9: memref<128x8xf32, #tpu.memory_space<vmem>>) attributes {dimension_semantics = [#tpu.dimension_semantics<arbitrary>], iteration_bounds = array<i64: 16>, scalar_prefetch = 0 : i64, scratch_operands = 0 : i64, tpu.core_type = #tpu.core_type<tc>, window_params = [{transform_indices = @transform_0, window_bounds = array<i64: 1024, 1024>}, {transform_indices = @transform_1, window_bounds = array<i64: 128, 1024>}, {transform_indices = @transform_2, window_bounds = array<i64: 128, 1024>}, {transform_indices = @transform_3, window_bounds = array<i64: 128, 1024>}, {pipeline_mode = #tpu.pipeline_mode<synchronous>, transform_indices = @transform_4, window_bounds = array<i64: 4096, 1024>}, {pipeline_mode = #tpu.pipeline_mode<synchronous>, transform_indices = @transform_5, window_bounds = array<i64: 1, 1024>}, {pipeline_mode = #tpu.pipeline_mode<synchronous>, transform_indices = @transform_6, window_bounds = array<i64: 1024, 1>}, {pipeline_mode = #tpu.pipeline_mode<synchronous>, transform_indices = @transform_7, window_bounds = array<i64: 1, 1>}, {transform_indices = @transform_8, window_bounds = array<i64: 128, 8>}]} {
    %get3A = arith.constant 0 : index
    %get3A_0 = arith.constant 0 : index
    %get3A_1 = vector.load %arg1[%get3A, %get3A_0] : memref<1024x1024xf32, #tpu.memory_space<vmem>>, vector<1024x1024xf32>
    %reshape3A = vector.shape_cast %get3A_1 : vector<1024x1024xf32> to vector<128x8x1024xf32>
    %get3A_2 = arith.constant 0 : index
    %get3A_3 = arith.constant 0 : index
    %get3A_4 = vector.load %arg2[%get3A_2, %get3A_3] : memref<128x1024xf32, #tpu.memory_space<vmem>>, vector<128x1024xf32>
    %broadcast_in_dim3A = vector.shape_cast %get3A_4 : vector<128x1024xf32> to vector<128x1x1024xf32>
    %broadcast_in_dim3A_5 = vector.shape_cast %broadcast_in_dim3A : vector<128x1x1024xf32> to vector<128x1x1024xf32>
    %broadcast_in_dim3A_6 = vector.broadcast %broadcast_in_dim3A_5 : vector<128x1x1024xf32> to vector<128x8x1024xf32>
    %get3A_7 = arith.constant 0 : index
    %get3A_8 = arith.constant 0 : index
    %get3A_9 = vector.load %arg3[%get3A_7, %get3A_8] : memref<128x1024xf32, #tpu.memory_space<vmem>>, vector<128x1024xf32>
    %broadcast_in_dim3A_10 = vector.shape_cast %get3A_9 : vector<128x1024xf32> to vector<128x1x1024xf32>
    %broadcast_in_dim3A_11 = vector.shape_cast %broadcast_in_dim3A_10 : vector<128x1x1024xf32> to vector<128x1x1024xf32>
    %broadcast_in_dim3A_12 = vector.broadcast %broadcast_in_dim3A_11 : vector<128x1x1024xf32> to vector<128x8x1024xf32>
    %get3A_13 = arith.constant 0 : index
    %get3A_14 = arith.constant 0 : index
    %get3A_15 = vector.load %arg4[%get3A_13, %get3A_14] : memref<128x1024xf32, #tpu.memory_space<vmem>>, vector<128x1024xf32>
    %broadcast_in_dim3A_16 = vector.shape_cast %get3A_15 : vector<128x1024xf32> to vector<128x1x1024xf32>
    %broadcast_in_dim3A_17 = vector.shape_cast %broadcast_in_dim3A_16 : vector<128x1x1024xf32> to vector<128x1x1024xf32>
    %broadcast_in_dim3A_18 = vector.broadcast %broadcast_in_dim3A_17 : vector<128x1x1024xf32> to vector<128x8x1024xf32>
    %concatenate3A = tpu.concatenate %reshape3A, %broadcast_in_dim3A_6, %broadcast_in_dim3A_12, %broadcast_in_dim3A_18 in 2 : vector<128x8x1024xf32>, vector<128x8x1024xf32>, vector<128x8x1024xf32>, vector<128x8x1024xf32> -> vector<128x8x4096xf32>
    %reshape3A_19 = vector.shape_cast %concatenate3A : vector<128x8x4096xf32> to vector<1024x4096xf32>
    %get3A_20 = arith.constant 0 : index
    %get3A_21 = arith.constant 0 : index
    %get3A_22 = vector.load %arg5[%get3A_20, %get3A_21] : memref<4096x1024xf32, #tpu.memory_space<vmem>>, vector<4096x1024xf32>
    %dot_general3A = arith.constant dense<0.000000e+00> : vector<1024x1024xf32>
    %dot_general3A_23 = tpu.matmul %reshape3A_19, %get3A_22, %dot_general3A {dimension_numbers = #tpu.dot_dimension_numbers<[1], [0], [0], [1], [0, 0, 1, 1], [], []>, transpose_lhs_hint = false} : vector<1024x4096xf32>, vector<4096x1024xf32>, vector<1024x1024xf32> -> vector<1024x1024xf32>
    %get3A_24 = arith.constant 0 : index
    %get3A_25 = arith.constant 0 : index
    %get3A_26 = vector.load %arg6[%get3A_24, %get3A_25] : memref<1x1024xf32, #tpu.memory_space<vmem>>, vector<1x1024xf32>
    %add3A = vector.broadcast %get3A_26 : vector<1x1024xf32> to vector<1024x1024xf32>
    %add3A_27 = arith.addf %dot_general3A_23, %add3A : vector<1024x1024xf32>
    %max3A = arith.constant 0.000000e+00 : f32
    %max3A_28 = vector.broadcast %max3A : f32 to vector<1024x1024xf32>
    %max3A_29 = arith.maximumf %add3A_27, %max3A_28 : vector<1024x1024xf32>
    %convert_element_type3A = arith.truncf %max3A_29 : vector<1024x1024xf32> to vector<1024x1024xbf16>
    %convert_element_type3A_30 = arith.extf %convert_element_type3A : vector<1024x1024xbf16> to vector<1024x1024xf32>
    %get3A_31 = arith.constant 0 : index
    %get3A_32 = arith.constant 0 : index
    %get3A_33 = vector.load %arg7[%get3A_31, %get3A_32] : memref<1024x1xf32, #tpu.memory_space<vmem>>, vector<1024x1xf32>
    %dot_general3A_34 = arith.constant dense<0.000000e+00> : vector<1024x1xf32>
    %dot_general3A_35 = tpu.matmul %convert_element_type3A_30, %get3A_33, %dot_general3A_34 {dimension_numbers = #tpu.dot_dimension_numbers<[1], [0], [0], [1], [0, 0, 1, 1], [], []>, transpose_lhs_hint = false} : vector<1024x1024xf32>, vector<1024x1xf32>, vector<1024x1xf32> -> vector<1024x1xf32>
    %get3A_36 = arith.constant 0 : index
    %get3A_37 = arith.constant 0 : index
    %get3A_38 = vector.load %arg8[%get3A_36, %get3A_37] : memref<1x1xf32, #tpu.memory_space<vmem>>, vector<1x1xf32>
    %get3A_39 = vector.extract %get3A_38[0, 0] : f32 from vector<1x1xf32>
    %add3A_40 = vector.broadcast %get3A_39 : f32 to vector<1024x1xf32>
    %add3A_41 = arith.addf %dot_general3A_35, %add3A_40 : vector<1024x1xf32>
    %reshape3A_42 = vector.shape_cast %add3A_41 : vector<1024x1xf32> to vector<128x8xf32>
    %swap3A = arith.constant 0 : index
    %swap3A_43 = arith.constant 0 : index
    %swap3A_44 = vector.load %arg9[%swap3A, %swap3A_43] : memref<128x8xf32, #tpu.memory_space<vmem>>, vector<128x8xf32>
    tpu.vector_store %arg9[%swap3A, %swap3A_43], %reshape3A_42 {strides = array<i32>} : memref<128x8xf32, #tpu.memory_space<vmem>>, vector<128x8xf32>,
    return
  }
  func.func @transform_0(%arg0: i32) -> (i32, i32) {
    %c0_i32 = arith.constant 0 : i32
    %c0_i32_0 = arith.constant 0 : i32
    return %arg0, %c0_i32 : i32, i32
  }
  func.func @transform_1(%arg0: i32) -> (i32, i32) {
    %c0_i32 = arith.constant 0 : i32
    %c0_i32_0 = arith.constant 0 : i32
    return %arg0, %c0_i32 : i32, i32
  }
  func.func @transform_2(%arg0: i32) -> (i32, i32) {
    %c0_i32 = arith.constant 0 : i32
    %c0_i32_0 = arith.constant 0 : i32
    return %arg0, %c0_i32 : i32, i32
  }
  func.func @transform_3(%arg0: i32) -> (i32, i32) {
    %c0_i32 = arith.constant 0 : i32
    %c0_i32_0 = arith.constant 0 : i32
    return %arg0, %c0_i32 : i32, i32
  }
  func.func @transform_4(%arg0: i32) -> (i32, i32) {
    %c0_i32 = arith.constant 0 : i32
    %c0_i32_0 = arith.constant 0 : i32
    %c0_i32_1 = arith.constant 0 : i32
    return %c0_i32, %c0_i32_0 : i32, i32
  }
  func.func @transform_5(%arg0: i32) -> (i32, i32) {
    %c0_i32 = arith.constant 0 : i32
    %c0_i32_0 = arith.constant 0 : i32
    %c0_i32_1 = arith.constant 0 : i32
    return %c0_i32, %c0_i32_0 : i32, i32
  }
  func.func @transform_6(%arg0: i32) -> (i32, i32) {
    %c0_i32 = arith.constant 0 : i32
    %c0_i32_0 = arith.constant 0 : i32
    %c0_i32_1 = arith.constant 0 : i32
    return %c0_i32, %c0_i32_0 : i32, i32
  }
  func.func @transform_7(%arg0: i32) -> (i32, i32) {
    %c0_i32 = arith.constant 0 : i32
    %c0_i32_0 = arith.constant 0 : i32
    %c0_i32_1 = arith.constant 0 : i32
    return %c0_i32, %c0_i32_0 : i32, i32
  }
  func.func @transform_8(%arg0: i32) -> (i32, i32) {
    %c0_i32 = arith.constant 0 : i32
    %c0_i32_0 = arith.constant 0 : i32
    return %arg0, %c0_i32 : i32, i32
  }
}

module attributes {stable_mosaic.version = 14 : i64} {
  func.func @_mm_relu_body(%arg0: i32, %arg1: memref<1024x2048xf32, #tpu.memory_space<vmem>>, %arg2: memref<2048x1024xf32, #tpu.memory_space<vmem>>, %arg3: memref<1x1024xf32, #tpu.memory_space<vmem>>, %arg4: memref<1024x1024xbf16, #tpu.memory_space<vmem>>) attributes {dimension_semantics = [#tpu.dimension_semantics<arbitrary>], iteration_bounds = array<i64: 16>, scalar_prefetch = 0 : i64, scratch_operands = 0 : i64, tpu.core_type = #tpu.core_type<tc>, window_params = [{transform_indices = @transform_0, window_bounds = array<i64: 1024, 2048>}, {pipeline_mode = #tpu.pipeline_mode<synchronous>, transform_indices = @transform_1, window_bounds = array<i64: 2048, 1024>}, {pipeline_mode = #tpu.pipeline_mode<synchronous>, transform_indices = @transform_2, window_bounds = array<i64: 1, 1024>}, {transform_indices = @transform_3, window_bounds = array<i64: 1024, 1024>}]} {
    %get3A = arith.constant 0 : index
    %get3A_0 = arith.constant 0 : index
    %get3A_1 = vector.load %arg1[%get3A, %get3A_0] : memref<1024x2048xf32, #tpu.memory_space<vmem>>, vector<1024x2048xf32>
    %get3A_2 = arith.constant 0 : index
    %get3A_3 = arith.constant 0 : index
    %get3A_4 = vector.load %arg2[%get3A_2, %get3A_3] : memref<2048x1024xf32, #tpu.memory_space<vmem>>, vector<2048x1024xf32>
    %dot_general3A = arith.constant dense<0.000000e+00> : vector<1024x1024xf32>
    %dot_general3A_5 = tpu.matmul %get3A_1, %get3A_4, %dot_general3A {dimension_numbers = #tpu.dot_dimension_numbers<[1], [0], [0], [1], [0, 0, 1, 1], [], []>, transpose_lhs_hint = false} : vector<1024x2048xf32>, vector<2048x1024xf32>, vector<1024x1024xf32> -> vector<1024x1024xf32>
    %get3A_6 = arith.constant 0 : index
    %get3A_7 = arith.constant 0 : index
    %get3A_8 = vector.load %arg3[%get3A_6, %get3A_7] : memref<1x1024xf32, #tpu.memory_space<vmem>>, vector<1x1024xf32>
    %add3A = vector.broadcast %get3A_8 : vector<1x1024xf32> to vector<1024x1024xf32>
    %add3A_9 = arith.addf %dot_general3A_5, %add3A : vector<1024x1024xf32>
    %max3A = arith.constant 0.000000e+00 : f32
    %max3A_10 = vector.broadcast %max3A : f32 to vector<1024x1024xf32>
    %max3A_11 = arith.maximumf %add3A_9, %max3A_10 : vector<1024x1024xf32>
    %convert_element_type3A = arith.truncf %max3A_11 : vector<1024x1024xf32> to vector<1024x1024xbf16>
    %swap3A = arith.constant 0 : index
    %swap3A_12 = arith.constant 0 : index
    %swap3A_13 = vector.load %arg4[%swap3A, %swap3A_12] : memref<1024x1024xbf16, #tpu.memory_space<vmem>>, vector<1024x1024xbf16>
    tpu.vector_store %arg4[%swap3A, %swap3A_12], %convert_element_type3A {strides = array<i32>} : memref<1024x1024xbf16, #tpu.memory_space<vmem>>, vector<1024x1024xbf16>,
    return
  }
  func.func @transform_0(%arg0: i32) -> (i32, i32) {
    %c0_i32 = arith.constant 0 : i32
    %c0_i32_0 = arith.constant 0 : i32
    return %arg0, %c0_i32 : i32, i32
  }
  func.func @transform_1(%arg0: i32) -> (i32, i32) {
    %c0_i32 = arith.constant 0 : i32
    %c0_i32_0 = arith.constant 0 : i32
    %c0_i32_1 = arith.constant 0 : i32
    return %c0_i32, %c0_i32_0 : i32, i32
  }
  func.func @transform_2(%arg0: i32) -> (i32, i32) {
    %c0_i32 = arith.constant 0 : i32
    %c0_i32_0 = arith.constant 0 : i32
    %c0_i32_1 = arith.constant 0 : i32
    return %c0_i32, %c0_i32_0 : i32, i32
  }
  func.func @transform_3(%arg0: i32) -> (i32, i32) {
    %c0_i32 = arith.constant 0 : i32
    %c0_i32_0 = arith.constant 0 : i32
    return %arg0, %c0_i32 : i32, i32
  }
}

module attributes {stable_mosaic.version = 14 : i64} {
  func.func @_pool_body(%arg0: i32, %arg1: memref<1x1xi32, #tpu.memory_space<smem>>, %arg2: memref<1024x1024xbf16, #tpu.memory_space<vmem>>, %arg3: memref<1024x1024xf32, #tpu.memory_space<vmem>>, %arg4: memref<1x1024xf32, #tpu.memory_space<vmem>>, %arg5: memref<1024x1024xf32, #tpu.memory_space<vmem>>, %arg6: memref<128x1024xf32, #tpu.memory_space<vmem>>, %arg7: memref<128x1024xf32, #tpu.memory_space<vmem>>, %arg8: memref<128x1024xf32, #tpu.memory_space<vmem>>, %arg9: memref<128x1024xf32, #tpu.memory_space<vmem>>) attributes {dimension_semantics = [#tpu.dimension_semantics<arbitrary>], iteration_bounds = array<i64: 16>, scalar_prefetch = 0 : i64, scratch_operands = 1 : i64, tpu.core_type = #tpu.core_type<tc>, window_params = [{transform_indices = @transform_0, window_bounds = array<i64: 1, 1>}, {transform_indices = @transform_1, window_bounds = array<i64: 1024, 1024>}, {pipeline_mode = #tpu.pipeline_mode<synchronous>, transform_indices = @transform_2, window_bounds = array<i64: 1024, 1024>}, {pipeline_mode = #tpu.pipeline_mode<synchronous>, transform_indices = @transform_3, window_bounds = array<i64: 1, 1024>}, {transform_indices = @transform_4, window_bounds = array<i64: 1024, 1024>}, {transform_indices = @transform_5, window_bounds = array<i64: 128, 1024>}, {transform_indices = @transform_6, window_bounds = array<i64: 128, 1024>}, {transform_indices = @transform_7, window_bounds = array<i64: 128, 1024>}]} {
    %get3A = arith.constant 0 : index
    %get3A_0 = arith.constant 0 : index
    %get3A_1 = vector.load %arg2[%get3A, %get3A_0] : memref<1024x1024xbf16, #tpu.memory_space<vmem>>, vector<1024x1024xbf16>
    %convert_element_type3A = arith.extf %get3A_1 : vector<1024x1024xbf16> to vector<1024x1024xf32>
    %get3A_2 = arith.constant 0 : index
    %get3A_3 = arith.constant 0 : index
    %get3A_4 = vector.load %arg3[%get3A_2, %get3A_3] : memref<1024x1024xf32, #tpu.memory_space<vmem>>, vector<1024x1024xf32>
    %dot_general3A = arith.constant dense<0.000000e+00> : vector<1024x1024xf32>
    %dot_general3A_5 = tpu.matmul %convert_element_type3A, %get3A_4, %dot_general3A {dimension_numbers = #tpu.dot_dimension_numbers<[1], [0], [0], [1], [0, 0, 1, 1], [], []>, transpose_lhs_hint = false} : vector<1024x1024xf32>, vector<1024x1024xf32>, vector<1024x1024xf32> -> vector<1024x1024xf32>
    %get3A_6 = arith.constant 0 : index
    %get3A_7 = arith.constant 0 : index
    %get3A_8 = vector.load %arg4[%get3A_6, %get3A_7] : memref<1x1024xf32, #tpu.memory_space<vmem>>, vector<1x1024xf32>
    %add3A = vector.broadcast %get3A_8 : vector<1x1024xf32> to vector<1024x1024xf32>
    %add3A_9 = arith.addf %dot_general3A_5, %add3A : vector<1024x1024xf32>
    %max3A = arith.constant 0.000000e+00 : f32
    %max3A_10 = vector.broadcast %max3A : f32 to vector<1024x1024xf32>
    %max3A_11 = arith.maximumf %add3A_9, %max3A_10 : vector<1024x1024xf32>
    %swap3A = arith.constant 0 : index
    %swap3A_12 = arith.constant 0 : index
    %swap3A_13 = vector.load %arg5[%swap3A, %swap3A_12] : memref<1024x1024xf32, #tpu.memory_space<vmem>>, vector<1024x1024xf32>
    tpu.vector_store %arg5[%swap3A, %swap3A_12], %max3A_11 {strides = array<i32>} : memref<1024x1024xf32, #tpu.memory_space<vmem>>, vector<1024x1024xf32>,
    %reshape3A = vector.shape_cast %max3A_11 : vector<1024x1024xf32> to vector<128x8x1024xf32>
    %slice3A = vector.extract_strided_slice %reshape3A {offsets = [0, 0, 0], sizes = [128, 1, 1024], strides = [1, 1, 1]} : vector<128x8x1024xf32> to vector<128x1x1024xf32>
    %squeeze3A = vector.shape_cast %slice3A : vector<128x1x1024xf32> to vector<128x1024xf32>
    %swap3A_14 = arith.constant 0 : index
    %swap3A_15 = arith.constant 0 : index
    %swap3A_16 = vector.load %arg9[%swap3A_14, %swap3A_15] : memref<128x1024xf32, #tpu.memory_space<vmem>>, vector<128x1024xf32>
    tpu.vector_store %arg9[%swap3A_14, %swap3A_15], %squeeze3A {strides = array<i32>} : memref<128x1024xf32, #tpu.memory_space<vmem>>, vector<128x1024xf32>,
    %get3A_17 = arith.constant 0 : index
    %get3A_18 = arith.constant 0 : index
    %get3A_19 = vector.load %arg9[%get3A_17, %get3A_18] : memref<128x1024xf32, #tpu.memory_space<vmem>>, vector<128x1024xf32>
    %slice3A_20 = vector.extract_strided_slice %reshape3A {offsets = [0, 1, 0], sizes = [128, 1, 1024], strides = [1, 1, 1]} : vector<128x8x1024xf32> to vector<128x1x1024xf32>
    %squeeze3A_21 = vector.shape_cast %slice3A_20 : vector<128x1x1024xf32> to vector<128x1024xf32>
    %add3A_22 = arith.addf %get3A_19, %squeeze3A_21 : vector<128x1024xf32>
    %swap3A_23 = arith.constant 0 : index
    %swap3A_24 = arith.constant 0 : index
    %swap3A_25 = vector.load %arg9[%swap3A_23, %swap3A_24] : memref<128x1024xf32, #tpu.memory_space<vmem>>, vector<128x1024xf32>
    tpu.vector_store %arg9[%swap3A_23, %swap3A_24], %add3A_22 {strides = array<i32>} : memref<128x1024xf32, #tpu.memory_space<vmem>>, vector<128x1024xf32>,
    %get3A_26 = arith.constant 0 : index
    %get3A_27 = arith.constant 0 : index
    %get3A_28 = vector.load %arg9[%get3A_26, %get3A_27] : memref<128x1024xf32, #tpu.memory_space<vmem>>, vector<128x1024xf32>
    %slice3A_29 = vector.extract_strided_slice %reshape3A {offsets = [0, 2, 0], sizes = [128, 1, 1024], strides = [1, 1, 1]} : vector<128x8x1024xf32> to vector<128x1x1024xf32>
    %squeeze3A_30 = vector.shape_cast %slice3A_29 : vector<128x1x1024xf32> to vector<128x1024xf32>
    %add3A_31 = arith.addf %get3A_28, %squeeze3A_30 : vector<128x1024xf32>
    %swap3A_32 = arith.constant 0 : index
    %swap3A_33 = arith.constant 0 : index
    %swap3A_34 = vector.load %arg9[%swap3A_32, %swap3A_33] : memref<128x1024xf32, #tpu.memory_space<vmem>>, vector<128x1024xf32>
    tpu.vector_store %arg9[%swap3A_32, %swap3A_33], %add3A_31 {strides = array<i32>} : memref<128x1024xf32, #tpu.memory_space<vmem>>, vector<128x1024xf32>,
    %get3A_35 = arith.constant 0 : index
    %get3A_36 = arith.constant 0 : index
    %get3A_37 = vector.load %arg9[%get3A_35, %get3A_36] : memref<128x1024xf32, #tpu.memory_space<vmem>>, vector<128x1024xf32>
    %slice3A_38 = vector.extract_strided_slice %reshape3A {offsets = [0, 3, 0], sizes = [128, 1, 1024], strides = [1, 1, 1]} : vector<128x8x1024xf32> to vector<128x1x1024xf32>
    %squeeze3A_39 = vector.shape_cast %slice3A_38 : vector<128x1x1024xf32> to vector<128x1024xf32>
    %add3A_40 = arith.addf %get3A_37, %squeeze3A_39 : vector<128x1024xf32>
    %swap3A_41 = arith.constant 0 : index
    %swap3A_42 = arith.constant 0 : index
    %swap3A_43 = vector.load %arg9[%swap3A_41, %swap3A_42] : memref<128x1024xf32, #tpu.memory_space<vmem>>, vector<128x1024xf32>
    tpu.vector_store %arg9[%swap3A_41, %swap3A_42], %add3A_40 {strides = array<i32>} : memref<128x1024xf32, #tpu.memory_space<vmem>>, vector<128x1024xf32>,
    %get3A_44 = arith.constant 0 : index
    %get3A_45 = arith.constant 0 : index
    %get3A_46 = vector.load %arg9[%get3A_44, %get3A_45] : memref<128x1024xf32, #tpu.memory_space<vmem>>, vector<128x1024xf32>
    %slice3A_47 = vector.extract_strided_slice %reshape3A {offsets = [0, 4, 0], sizes = [128, 1, 1024], strides = [1, 1, 1]} : vector<128x8x1024xf32> to vector<128x1x1024xf32>
    %squeeze3A_48 = vector.shape_cast %slice3A_47 : vector<128x1x1024xf32> to vector<128x1024xf32>
    %add3A_49 = arith.addf %get3A_46, %squeeze3A_48 : vector<128x1024xf32>
    %swap3A_50 = arith.constant 0 : index
    %swap3A_51 = arith.constant 0 : index
    %swap3A_52 = vector.load %arg9[%swap3A_50, %swap3A_51] : memref<128x1024xf32, #tpu.memory_space<vmem>>, vector<128x1024xf32>
    tpu.vector_store %arg9[%swap3A_50, %swap3A_51], %add3A_49 {strides = array<i32>} : memref<128x1024xf32, #tpu.memory_space<vmem>>, vector<128x1024xf32>,
    %get3A_53 = arith.constant 0 : index
    %get3A_54 = arith.constant 0 : index
    %get3A_55 = vector.load %arg9[%get3A_53, %get3A_54] : memref<128x1024xf32, #tpu.memory_space<vmem>>, vector<128x1024xf32>
    %slice3A_56 = vector.extract_strided_slice %reshape3A {offsets = [0, 5, 0], sizes = [128, 1, 1024], strides = [1, 1, 1]} : vector<128x8x1024xf32> to vector<128x1x1024xf32>
    %squeeze3A_57 = vector.shape_cast %slice3A_56 : vector<128x1x1024xf32> to vector<128x1024xf32>
    %add3A_58 = arith.addf %get3A_55, %squeeze3A_57 : vector<128x1024xf32>
    %swap3A_59 = arith.constant 0 : index
    %swap3A_60 = arith.constant 0 : index
    %swap3A_61 = vector.load %arg9[%swap3A_59, %swap3A_60] : memref<128x1024xf32, #tpu.memory_space<vmem>>, vector<128x1024xf32>
    tpu.vector_store %arg9[%swap3A_59, %swap3A_60], %add3A_58 {strides = array<i32>} : memref<128x1024xf32, #tpu.memory_space<vmem>>, vector<128x1024xf32>,
    %get3A_62 = arith.constant 0 : index
    %get3A_63 = arith.constant 0 : index
    %get3A_64 = vector.load %arg9[%get3A_62, %get3A_63] : memref<128x1024xf32, #tpu.memory_space<vmem>>, vector<128x1024xf32>
    %slice3A_65 = vector.extract_strided_slice %reshape3A {offsets = [0, 6, 0], sizes = [128, 1, 1024], strides = [1, 1, 1]} : vector<128x8x1024xf32> to vector<128x1x1024xf32>
    %squeeze3A_66 = vector.shape_cast %slice3A_65 : vector<128x1x1024xf32> to vector<128x1024xf32>
    %add3A_67 = arith.addf %get3A_64, %squeeze3A_66 : vector<128x1024xf32>
    %swap3A_68 = arith.constant 0 : index
    %swap3A_69 = arith.constant 0 : index
    %swap3A_70 = vector.load %arg9[%swap3A_68, %swap3A_69] : memref<128x1024xf32, #tpu.memory_space<vmem>>, vector<128x1024xf32>
    tpu.vector_store %arg9[%swap3A_68, %swap3A_69], %add3A_67 {strides = array<i32>} : memref<128x1024xf32, #tpu.memory_space<vmem>>, vector<128x1024xf32>,
    %get3A_71 = arith.constant 0 : index
    %get3A_72 = arith.constant 0 : index
    %get3A_73 = vector.load %arg9[%get3A_71, %get3A_72] : memref<128x1024xf32, #tpu.memory_space<vmem>>, vector<128x1024xf32>
    %slice3A_74 = vector.extract_strided_slice %reshape3A {offsets = [0, 7, 0], sizes = [128, 1, 1024], strides = [1, 1, 1]} : vector<128x8x1024xf32> to vector<128x1x1024xf32>
    %squeeze3A_75 = vector.shape_cast %slice3A_74 : vector<128x1x1024xf32> to vector<128x1024xf32>
    %add3A_76 = arith.addf %get3A_73, %squeeze3A_75 : vector<128x1024xf32>
    %swap3A_77 = arith.constant 0 : index
    %swap3A_78 = arith.constant 0 : index
    %swap3A_79 = vector.load %arg9[%swap3A_77, %swap3A_78] : memref<128x1024xf32, #tpu.memory_space<vmem>>, vector<128x1024xf32>
    tpu.vector_store %arg9[%swap3A_77, %swap3A_78], %add3A_76 {strides = array<i32>} : memref<128x1024xf32, #tpu.memory_space<vmem>>, vector<128x1024xf32>,
    %get3A_80 = arith.constant 0 : index
    %get3A_81 = arith.constant 0 : index
    %get3A_82 = vector.load %arg9[%get3A_80, %get3A_81] : memref<128x1024xf32, #tpu.memory_space<vmem>>, vector<128x1024xf32>
    %mul3A = arith.constant 1.250000e-01 : f32
    %mul3A_83 = vector.broadcast %mul3A : f32 to vector<128x1024xf32>
    %mul3A_84 = arith.mulf %get3A_82, %mul3A_83 : vector<128x1024xf32>
    %swap3A_85 = arith.constant 0 : index
    %swap3A_86 = arith.constant 0 : index
    %swap3A_87 = vector.load %arg6[%swap3A_85, %swap3A_86] : memref<128x1024xf32, #tpu.memory_space<vmem>>, vector<128x1024xf32>
    tpu.vector_store %arg6[%swap3A_85, %swap3A_86], %mul3A_84 {strides = array<i32>} : memref<128x1024xf32, #tpu.memory_space<vmem>>, vector<128x1024xf32>,
    %reduce_max3A = arith.constant dense<0xFF800000> : vector<128x1024xf32>
    %reduce_max3A_88 = vector.multi_reduction <maximumf>, %reshape3A, %reduce_max3A [1] : vector<128x8x1024xf32> to vector<128x1024xf32>
    %swap3A_89 = arith.constant 0 : index
    %swap3A_90 = arith.constant 0 : index
    %swap3A_91 = vector.load %arg7[%swap3A_89, %swap3A_90] : memref<128x1024xf32, #tpu.memory_space<vmem>>, vector<128x1024xf32>
    tpu.vector_store %arg7[%swap3A_89, %swap3A_90], %reduce_max3A_88 {strides = array<i32>} : memref<128x1024xf32, #tpu.memory_space<vmem>>, vector<128x1024xf32>,
    %iota3A = tpu.iota {dimensions = array<i32: 1>} : vector<1x8x1xi32>
    %get3A_92 = arith.constant 0 : index
    %get3A_93 = arith.constant 0 : index
    %get3A_94 = memref.load %arg1[%get3A_92, %get3A_93] : memref<1x1xi32, #tpu.memory_space<smem>>
    %eq3A = vector.broadcast %get3A_94 : i32 to vector<1x8x1xi32>
    %eq3A_95 = arith.cmpi eq, %iota3A, %eq3A : vector<1x8x1xi32>
    %convert_element_type3A_96 = arith.extui %eq3A_95 : vector<1x8x1xi1> to vector<1x8x1xi32>
    %convert_element_type3A_97 = arith.sitofp %convert_element_type3A_96 : vector<1x8x1xi32> to vector<1x8x1xf32>
    %mul3A_98 = vector.broadcast %convert_element_type3A_97 : vector<1x8x1xf32> to vector<128x8x1024xf32>
    %mul3A_99 = arith.mulf %reshape3A, %mul3A_98 : vector<128x8x1024xf32>
    %reduce_sum3A = arith.constant dense<0.000000e+00> : vector<128x1024xf32>
    %reduce_sum3A_100 = vector.multi_reduction <add>, %mul3A_99, %reduce_sum3A [1] : vector<128x8x1024xf32> to vector<128x1024xf32>
    %swap3A_101 = arith.constant 0 : index
    %swap3A_102 = arith.constant 0 : index
    %swap3A_103 = vector.load %arg8[%swap3A_101, %swap3A_102] : memref<128x1024xf32, #tpu.memory_space<vmem>>, vector<128x1024xf32>
    tpu.vector_store %arg8[%swap3A_101, %swap3A_102], %reduce_sum3A_100 {strides = array<i32>} : memref<128x1024xf32, #tpu.memory_space<vmem>>, vector<128x1024xf32>,
    return
  }
  func.func @transform_0(%arg0: i32) -> (i32, i32) {
    %c0_i32 = arith.constant 0 : i32
    %c0_i32_0 = arith.constant 0 : i32
    %c0_i32_1 = arith.constant 0 : i32
    return %c0_i32, %c0_i32_0 : i32, i32
  }
  func.func @transform_1(%arg0: i32) -> (i32, i32) {
    %c0_i32 = arith.constant 0 : i32
    %c0_i32_0 = arith.constant 0 : i32
    return %arg0, %c0_i32 : i32, i32
  }
  func.func @transform_2(%arg0: i32) -> (i32, i32) {
    %c0_i32 = arith.constant 0 : i32
    %c0_i32_0 = arith.constant 0 : i32
    %c0_i32_1 = arith.constant 0 : i32
    return %c0_i32, %c0_i32_0 : i32, i32
  }
  func.func @transform_3(%arg0: i32) -> (i32, i32) {
    %c0_i32 = arith.constant 0 : i32
    %c0_i32_0 = arith.constant 0 : i32
    %c0_i32_1 = arith.constant 0 : i32
    return %c0_i32, %c0_i32_0 : i32, i32
  }
  func.func @transform_4(%arg0: i32) -> (i32, i32) {
    %c0_i32 = arith.constant 0 : i32
    %c0_i32_0 = arith.constant 0 : i32
    return %arg0, %c0_i32 : i32, i32
  }
  func.func @transform_5(%arg0: i32) -> (i32, i32) {
    %c0_i32 = arith.constant 0 : i32
    %c0_i32_0 = arith.constant 0 : i32
    return %arg0, %c0_i32 : i32, i32
  }
  func.func @transform_6(%arg0: i32) -> (i32, i32) {
    %c0_i32 = arith.constant 0 : i32
    %c0_i32_0 = arith.constant 0 : i32
    return %arg0, %c0_i32 : i32, i32
  }
  func.func @transform_7(%arg0: i32) -> (i32, i32) {
    %c0_i32 = arith.constant 0 : i32
    %c0_i32_0 = arith.constant 0 : i32
    return %arg0, %c0_i32 : i32, i32
  }
}

module attributes {stable_mosaic.version = 14 : i64} {
  func.func @_defer_body(%arg0: i32, %arg1: memref<1024x1024xf32, #tpu.memory_space<vmem>>, %arg2: memref<1024x1024xf32, #tpu.memory_space<vmem>>, %arg3: memref<1024x1024xf32, #tpu.memory_space<vmem>>, %arg4: memref<1024x1024xf32, #tpu.memory_space<vmem>>, %arg5: memref<1024x1024xf32, #tpu.memory_space<vmem>>, %arg6: memref<1024x1024xf32, #tpu.memory_space<vmem>>, %arg7: memref<1x1024xf32, #tpu.memory_space<vmem>>, %arg8: memref<1024x1xf32, #tpu.memory_space<vmem>>, %arg9: memref<1x1xf32, #tpu.memory_space<vmem>>, %arg10: memref<1024x1xf32, #tpu.memory_space<vmem>>) attributes {dimension_semantics = [#tpu.dimension_semantics<arbitrary>], iteration_bounds = array<i64: 2>, scalar_prefetch = 0 : i64, scratch_operands = 0 : i64, tpu.core_type = #tpu.core_type<tc>, window_params = [{transform_indices = @transform_0, window_bounds = array<i64: 1024, 1024>}, {transform_indices = @transform_1, window_bounds = array<i64: 1024, 1024>}, {transform_indices = @transform_2, window_bounds = array<i64: 1024, 1024>}, {pipeline_mode = #tpu.pipeline_mode<synchronous>, transform_indices = @transform_3, window_bounds = array<i64: 1024, 1024>}, {pipeline_mode = #tpu.pipeline_mode<synchronous>, transform_indices = @transform_4, window_bounds = array<i64: 1024, 1024>}, {pipeline_mode = #tpu.pipeline_mode<synchronous>, transform_indices = @transform_5, window_bounds = array<i64: 1024, 1024>}, {pipeline_mode = #tpu.pipeline_mode<synchronous>, transform_indices = @transform_6, window_bounds = array<i64: 1, 1024>}, {pipeline_mode = #tpu.pipeline_mode<synchronous>, transform_indices = @transform_7, window_bounds = array<i64: 1024, 1>}, {pipeline_mode = #tpu.pipeline_mode<synchronous>, transform_indices = @transform_8, window_bounds = array<i64: 1, 1>}, {transform_indices = @transform_9, window_bounds = array<i64: 1024, 1>}]} {
    %get3A = arith.constant 0 : index
    %get3A_0 = arith.constant 0 : index
    %get3A_1 = vector.load %arg1[%get3A, %get3A_0] : memref<1024x1024xf32, #tpu.memory_space<vmem>>, vector<1024x1024xf32>
    %get3A_2 = arith.constant 0 : index
    %get3A_3 = arith.constant 0 : index
    %get3A_4 = vector.load %arg4[%get3A_2, %get3A_3] : memref<1024x1024xf32, #tpu.memory_space<vmem>>, vector<1024x1024xf32>
    %dot_general3A = arith.constant dense<0.000000e+00> : vector<1024x1024xf32>
    %dot_general3A_5 = tpu.matmul %get3A_1, %get3A_4, %dot_general3A {dimension_numbers = #tpu.dot_dimension_numbers<[1], [0], [0], [1], [0, 0, 1, 1], [], []>, transpose_lhs_hint = false} : vector<1024x1024xf32>, vector<1024x1024xf32>, vector<1024x1024xf32> -> vector<1024x1024xf32>
    %get3A_6 = arith.constant 0 : index
    %get3A_7 = arith.constant 0 : index
    %get3A_8 = vector.load %arg2[%get3A_6, %get3A_7] : memref<1024x1024xf32, #tpu.memory_space<vmem>>, vector<1024x1024xf32>
    %get3A_9 = arith.constant 0 : index
    %get3A_10 = arith.constant 0 : index
    %get3A_11 = vector.load %arg5[%get3A_9, %get3A_10] : memref<1024x1024xf32, #tpu.memory_space<vmem>>, vector<1024x1024xf32>
    %dot_general3A_12 = arith.constant dense<0.000000e+00> : vector<1024x1024xf32>
    %dot_general3A_13 = tpu.matmul %get3A_8, %get3A_11, %dot_general3A_12 {dimension_numbers = #tpu.dot_dimension_numbers<[1], [0], [0], [1], [0, 0, 1, 1], [], []>, transpose_lhs_hint = false} : vector<1024x1024xf32>, vector<1024x1024xf32>, vector<1024x1024xf32> -> vector<1024x1024xf32>
    %add3A = arith.addf %dot_general3A_5, %dot_general3A_13 : vector<1024x1024xf32>
    %get3A_14 = arith.constant 0 : index
    %get3A_15 = arith.constant 0 : index
    %get3A_16 = vector.load %arg3[%get3A_14, %get3A_15] : memref<1024x1024xf32, #tpu.memory_space<vmem>>, vector<1024x1024xf32>
    %get3A_17 = arith.constant 0 : index
    %get3A_18 = arith.constant 0 : index
    %get3A_19 = vector.load %arg6[%get3A_17, %get3A_18] : memref<1024x1024xf32, #tpu.memory_space<vmem>>, vector<1024x1024xf32>
    %dot_general3A_20 = arith.constant dense<0.000000e+00> : vector<1024x1024xf32>
    %dot_general3A_21 = tpu.matmul %get3A_16, %get3A_19, %dot_general3A_20 {dimension_numbers = #tpu.dot_dimension_numbers<[1], [0], [0], [1], [0, 0, 1, 1], [], []>, transpose_lhs_hint = false} : vector<1024x1024xf32>, vector<1024x1024xf32>, vector<1024x1024xf32> -> vector<1024x1024xf32>
    %add3A_22 = arith.addf %add3A, %dot_general3A_21 : vector<1024x1024xf32>
    %get3A_23 = arith.constant 0 : index
    %get3A_24 = arith.constant 0 : index
    %get3A_25 = vector.load %arg7[%get3A_23, %get3A_24] : memref<1x1024xf32, #tpu.memory_space<vmem>>, vector<1x1024xf32>
    %add3A_26 = vector.broadcast %get3A_25 : vector<1x1024xf32> to vector<1024x1024xf32>
    %add3A_27 = arith.addf %add3A_22, %add3A_26 : vector<1024x1024xf32>
    %max3A = arith.constant 0.000000e+00 : f32
    %max3A_28 = vector.broadcast %max3A : f32 to vector<1024x1024xf32>
    %max3A_29 = arith.maximumf %add3A_27, %max3A_28 : vector<1024x1024xf32>
    %get3A_30 = arith.constant 0 : index
    %get3A_31 = arith.constant 0 : index
    %get3A_32 = vector.load %arg8[%get3A_30, %get3A_31] : memref<1024x1xf32, #tpu.memory_space<vmem>>, vector<1024x1xf32>
    %dot_general3A_33 = arith.constant dense<0.000000e+00> : vector<1024x1xf32>
    %dot_general3A_34 = tpu.matmul %max3A_29, %get3A_32, %dot_general3A_33 {dimension_numbers = #tpu.dot_dimension_numbers<[1], [0], [0], [1], [0, 0, 1, 1], [], []>, transpose_lhs_hint = false} : vector<1024x1024xf32>, vector<1024x1xf32>, vector<1024x1xf32> -> vector<1024x1xf32>
    %get3A_35 = arith.constant 0 : index
    %get3A_36 = arith.constant 0 : index
    %get3A_37 = vector.load %arg9[%get3A_35, %get3A_36] : memref<1x1xf32, #tpu.memory_space<vmem>>, vector<1x1xf32>
    %get3A_38 = vector.extract %get3A_37[0, 0] : f32 from vector<1x1xf32>
    %add3A_39 = vector.broadcast %get3A_38 : f32 to vector<1024x1xf32>
    %add3A_40 = arith.addf %dot_general3A_34, %add3A_39 : vector<1024x1xf32>
    %neg3A = arith.constant 0.000000e+00 : f32
    %neg3A_41 = vector.broadcast %neg3A : f32 to vector<1024x1xf32>
    %neg3A_42 = arith.subf %neg3A_41, %add3A_40 : vector<1024x1xf32>
    %exp3A = math.exp %neg3A_42 : vector<1024x1xf32>
    %add3A_43 = arith.constant 1.000000e+00 : f32
    %add3A_44 = vector.broadcast %add3A_43 : f32 to vector<1024x1xf32>
    %add3A_45 = arith.addf %add3A_44, %exp3A : vector<1024x1xf32>
    %div3A = arith.constant 1.000000e+00 : f32
    %div3A_46 = vector.broadcast %div3A : f32 to vector<1024x1xf32>
    %div3A_47 = arith.divf %div3A_46, %add3A_45 : vector<1024x1xf32>
    %swap3A = arith.constant 0 : index
    %swap3A_48 = arith.constant 0 : index
    %swap3A_49 = vector.load %arg10[%swap3A, %swap3A_48] : memref<1024x1xf32, #tpu.memory_space<vmem>>, vector<1024x1xf32>
    tpu.vector_store %arg10[%swap3A, %swap3A_48], %div3A_47 {strides = array<i32>} : memref<1024x1xf32, #tpu.memory_space<vmem>>, vector<1024x1xf32>,
    return
  }
  func.func @transform_0(%arg0: i32) -> (i32, i32) {
    %c0_i32 = arith.constant 0 : i32
    %c0_i32_0 = arith.constant 0 : i32
    return %arg0, %c0_i32 : i32, i32
  }
  func.func @transform_1(%arg0: i32) -> (i32, i32) {
    %c0_i32 = arith.constant 0 : i32
    %c0_i32_0 = arith.constant 0 : i32
    return %arg0, %c0_i32 : i32, i32
  }
  func.func @transform_2(%arg0: i32) -> (i32, i32) {
    %c0_i32 = arith.constant 0 : i32
    %c0_i32_0 = arith.constant 0 : i32
    return %arg0, %c0_i32 : i32, i32
  }
  func.func @transform_3(%arg0: i32) -> (i32, i32) {
    %c0_i32 = arith.constant 0 : i32
    %c0_i32_0 = arith.constant 0 : i32
    %c0_i32_1 = arith.constant 0 : i32
    return %c0_i32, %c0_i32_0 : i32, i32
  }
  func.func @transform_4(%arg0: i32) -> (i32, i32) {
    %c0_i32 = arith.constant 0 : i32
    %c0_i32_0 = arith.constant 0 : i32
    %c0_i32_1 = arith.constant 0 : i32
    return %c0_i32, %c0_i32_0 : i32, i32
  }
  func.func @transform_5(%arg0: i32) -> (i32, i32) {
    %c0_i32 = arith.constant 0 : i32
    %c0_i32_0 = arith.constant 0 : i32
    %c0_i32_1 = arith.constant 0 : i32
    return %c0_i32, %c0_i32_0 : i32, i32
  }
  func.func @transform_6(%arg0: i32) -> (i32, i32) {
    %c0_i32 = arith.constant 0 : i32
    %c0_i32_0 = arith.constant 0 : i32
    %c0_i32_1 = arith.constant 0 : i32
    return %c0_i32, %c0_i32_0 : i32, i32
  }
  func.func @transform_7(%arg0: i32) -> (i32, i32) {
    %c0_i32 = arith.constant 0 : i32
    %c0_i32_0 = arith.constant 0 : i32
    %c0_i32_1 = arith.constant 0 : i32
    return %c0_i32, %c0_i32_0 : i32, i32
  }
  func.func @transform_8(%arg0: i32) -> (i32, i32) {
    %c0_i32 = arith.constant 0 : i32
    %c0_i32_0 = arith.constant 0 : i32
    %c0_i32_1 = arith.constant 0 : i32
    return %c0_i32, %c0_i32_0 : i32, i32
  }
  func.func @transform_9(%arg0: i32) -> (i32, i32) {
    %c0_i32 = arith.constant 0 : i32
    %c0_i32_0 = arith.constant 0 : i32
    return %arg0, %c0_i32 : i32, i32
  }
}

</mosaic_0001>

<sc_bundles>
// kernel: kernel.7.cloned.1.call-start
scs
__scs_entry_jumppad:
0x0: {  	(pc) =	sbr.rel $0x88, $3  }
0x1: {  	(tag) =	ssettag $0x0;
	lr =	simm.s32 $0x1  }
0x2: {  	[smem:$0x3F93] =	sst lr;
	_ =	strace $0xD0000000  }
0x3: {  	_ = 	snop  }
0x4: {  	_ = 	snop  }
0x5: {  	_ = 	snop  }
0x6: {  	_ = 	snop  }
0x7: {  	_ = 	snop  }
__scs_overlays_trampoline_lowered:
0x8: {  	[smem:$0x3FA2] =	sst s0  }
0x9: {  	[smem:$0x3FA3] =	sst s1  }
0xa: {  	[smem:$0x3FA4] =	sst s2  }
0xb: {  	[smem:$0x3FA5] =	sst s3  }
0xc: {  	[smem:$0x3FA6] =	sst s4  }
0xd: {  	[smem:$0x3FA7] =	sst s5  }
0xe: {  	[smem:$0x3FA8] =	sst s6  }
0xf: {  	[smem:$0x3FA9] =	sst s7  }
0x10: {  	[smem:$0x3FAA] =	sst s8  }
0x11: {  	[smem:$0x3FAB] =	sst s9;
	s0 =	simm.s32 @!p0 $0x0  }
0x12: {  	s1 =	sld [smem:$0x3F91];
	s0 =	simm.s32 @p0 $0x1  }
0x13: {  	[smem:$0x3FAC] =	sst s0;
	s0 =	simm.s32 @!p1 $0x0  }
0x14: {  	s2 =	sld [smem:$0x3F90];
	s0 =	simm.s32 @p1 $0x1  }
0x15: {  	[smem:$0x3FAD] =	sst s0;
	s0 =	simm.s32 @!p2 $0x0  }
0x16: {  	s3 =	sld [smem:$0x3FDB];
	s0 =	simm.s32 @p2 $0x1  }
0x17: {  	s4 =	simm.s32 $0x1BF5;
	[smem:$0x3FAF] =	sst s0  }
0x18: {  	s0 =	sld [smem:$0x3F92];
	_ =	swait.ge [sflag:s4], $0x0  }
0x19: {  	s7 =	sld [smem:$0x3F93]  }
0x1a: {  	s8 =	sadd.s32 $0xFFFFE003, lr  }
0x1b: {  	s9 =	sadd.s32 $0xFFFFFEF7, lr;
	s5 =	simm.s32 $0xFFFFFFFF;
	p2 =	slt.u32 s8, $0xFFFFF086  }
0x1c: {  	p1 =	slt.u32 s9, $0xF7A;
	s5 =	simm.s32 @!p2 $0x0  }
0x1d: {  	s5 =	simm.s32 @p1 $0x1;
	p0 =	seq.s32 s7, s2  }
0x1e: {  	s7 =	smul.u32 @!p0 $0xF7A, s2;
	p2 =	seq.s32 @!p0 s5, $0x0  }
0x1f: {  	s9 =	smul.u32 $0xF7A, s1;
	s8 =	simm.s32 @!p0 $0x1BF5;
	p2 =	por !p2, p0  }
0x20: {  	[sflag:s8] =	ssyncset.s32 @!p0 $0xFFFFF086;
	s6 =	sadd.s32 @!p0 s3, s7;
	s7 =	simm.s32 @!p0 $0x108  }
0x21: {  	s3 =	sadd.s32 s3, s9;
	s6 =	sadd.s32 @!p0 $0x88, s6;
	s7 =	simm.s32 @p2 $0x1082  }
0x22: {  	[simem:s7], [sflag:s8] =	dma.local @!p0 [hbm:s6], $0xF7A  }
0x23: {  	s9 =	sor.u32 $0xD0000000, s2;
	s6 =	simm.s32 $0x108;
	_ =	swait.ge @!p0 [sflag:s8], $0x0  }
0x24: {  	s3 =	sadd.s32 $0x88, s3;
	s6 =	simm.s32 @!p1 $0x1082;
	[sflag:s4] =	ssyncset.s32 $0xFFFFF086  }
0x25: {  	[simem:s6], [sflag:s4] =	dma.local [hbm:s3], $0xF7A  }
0x26: {  	[smem:$0x3F93] =	sst s1;
	(tag) =	ssettag s2;
	_ =	strace s9  }
0x27: {  	s1 =	sld [smem:$0x3FA3]  }
0x28: {  	s2 =	sld [smem:$0x3FA4]  }
0x29: {  	s4 =	sld [smem:$0x3FA6]  }
0x2a: {  	p0 =	seq.s32 s5, $0x0;
	s5 =	sld [smem:$0x3FA7]  }
0x2b: {  	s6 =	sld [smem:$0x3FA8]  }
0x2c: {  	s7 =	sld [smem:$0x3FA9]  }
0x2d: {  	s3 =	simm.s32 $0x108;
	s8 =	sld [smem:$0x3FAA]  }
0x2e: {  	s3 =	simm.s32 @!p0 $0x1082;
	s9 =	sld [smem:$0x3FAB]  }
0x2f: {  	lr =	sadd.s32 s0, s3;
	s0 =	sld [smem:$0x3FA2]  }
0x30: {  	s3 =	sld [smem:$0x3FA5]  }
0x31: {  	[smem:$0x3FAE] =	sst s10  }
0x32: {  	s10 =	sld [smem:$0x3FAC];
	_ =	sdelay $0x3  }
0x33: {  	p0 =	seq.s32 s10, $0x1;
	s10 =	sld [smem:$0x3FAE];
	_ =	sdelay $0x3  }
0x34: {  	[smem:$0x3FAE] =	sst s10  }
0x35: {  	s10 =	sld [smem:$0x3FAD];
	_ =	sdelay $0x3  }
0x36: {  	p1 =	seq.s32 s10, $0x1;
	s10 =	sld [smem:$0x3FAE];
	_ =	sdelay $0x3  }
0x37: {  	[smem:$0x3FAE] =	sst s10  }
0x38: {  	s10 =	sld [smem:$0x3FAF]  }
0x39: {  	_ = 	snop;
	(pc) =	sbr.ind lr, $3  }
0x3a: {  	_ = 	snop  }
0x3b: {  	_ = 	snop  }
0x3c: {  	p2 =	seq.s32 s10, $0x1;
	s10 =	sld [smem:$0x3FAE]  }
0x3d: {  	_ =	shalt  }
0x3e: {  	_ =	shalt  }
0x3f: {  	_ =	shalt  }
0x40: {  	_ =	shalt  }
0x41: {  	_ =	shalt  }
0x42: {  	_ =	shalt  }
0x43: {  	_ =	shalt  }
0x44: {  	_ =	shalt  }
0x45: {  	_ =	shalt  }
0x46: {  	_ =	shalt  }
0x47: {  	_ =	shalt  }
0x48: {  	_ =	shalt  }
0x49: {  	_ =	shalt  }
0x4a: {  	_ =	shalt  }
0x4b: {  	_ =	shalt  }
0x4c: {  	_ =	shalt  }
0x4d: {  	_ =	shalt  }
0x4e: {  	_ =	shalt  }
0x4f: {  	_ =	shalt  }
0x50: {  	_ =	shalt  }
0x51: {  	_ =	shalt  }
0x52: {  	_ =	shalt  }
0x53: {  	_ =	shalt  }
0x54: {  	_ =	shalt  }
0x55: {  	_ =	shalt  }
0x56: {  	_ =	shalt  }
0x57: {  	_ =	shalt  }
0x58: {  	_ =	shalt  }
0x59: {  	_ =	shalt  }
0x5a: {  	_ =	shalt  }
0x5b: {  	_ =	shalt  }
0x5c: {  	_ =	shalt  }
0x5d: {  	_ =	shalt  }
0x5e: {  	_ =	shalt  }
0x5f: {  	_ =	shalt  }
0x60: {  	_ =	shalt  }
0x61: {  	_ =	shalt  }
0x62: {  	_ =	shalt  }
0x63: {  	_ =	shalt  }
0x64: {  	_ =	shalt  }
0x65: {  	_ =	shalt  }
0x66: {  	_ =	shalt  }
0x67: {  	_ =	shalt  }
0x68: {  	_ =	shalt  }
0x69: {  	_ =	shalt  }
0x6a: {  	_ =	shalt  }
0x6b: {  	_ =	shalt  }
0x6c: {  	_ =	shalt  }
0x6d: {  	_ =	shalt  }
0x6e: {  	_ =	shalt  }
0x6f: {  	_ =	shalt  }
0x70: {  	_ =	shalt  }
0x71: {  	_ =	shalt  }
0x72: {  	_ =	shalt  }
0x73: {  	_ =	shalt  }
0x74: {  	_ =	shalt  }
0x75: {  	_ =	shalt  }
0x76: {  	_ =	shalt  }
0x77: {  	_ =	shalt  }
0x78: {  	_ =	shalt  }
0x79: {  	_ =	shalt  }
0x7a: {  	_ =	shalt  }
0x7b: {  	_ =	shalt  }
0x7c: {  	_ =	shalt  }
0x7d: {  	_ =	shalt  }
0x7e: {  	_ =	shalt  }
0x7f: {  	_ =	shalt  }
0x80: {  	_ =	shalt  }
0x81: {  	_ =	shalt  }
0x82: {  	_ =	shalt  }
0x83: {  	_ =	shalt  }
0x84: {  	_ =	shalt  }
0x85: {  	_ =	shalt  }
0x86: {  	_ =	shalt  }
0x87: {  	_ =	shalt  }
.Lfunc_end0:
.L_simem_size_0:
called_computation_lowered:
.L_overlay_start_0:
0x88: {  	s2 =	sld [smem:$0x3FD9]  }
0x89: {  	s3 =	sld [smem:$0x3FFE];
	_ =	sdelay $0x1  }
0x8a: {  	s1 =	srdreg.scid  }
0x8b: {  	s0 =	sand.u32 $0x1, s1  }
0x8c: {  	s14 =	sshll.u32 s0, $0xA;
	s2 =	sadd.s32 s3, s2  }
0x8d: {  	s2 =	sadd.s32 s2, s14  }
0x8e: {  	[smem:$0x3FBA] =	sst s2  }
0x8f: {  	_ = 	snop  }
0x90: {  	s2 =	sld [smem:$0x3FD0];
	_ =	sdelay $0x2  }
0x91: {  	s15 =	simm.s32 $0xA;
	s4 =	simm.s32 $0x10  }
0x92: {  	[smem:s4], [sflag:s15] =	dma.local [hbm:s2], $0x1  }
0x93: {  	_ =	swait.eq [sflag:s15], $0x1  }
0x94: {  	[sflag:s15] =	ssyncset.done $0x0  }
0x95: {  	[sflag:s15] =	ssyncadd.s32 $0xFFFFFFFF  }
0x96: {  	s16 =	sld [smem:$0x10];
	(tm) =	ssettm $0x1  }
0x97: {  	s17 =	sld [smem:$0x3FFB];
	_ =	sdelay $0x3  }
0x98: {  	_ =	strace s17  }
0x99: {  	s3 =	sld [smem:$0x3FFC];
	_ =	sdelay $0x3  }
0x9a: {  	_ =	strace s3  }
0x9b: {  	s3 =	sld [smem:$0x3FFD];
	_ =	sdelay $0x3  }
0x9c: {  	_ =	strace s3  }
0x9d: {  	_ =	strace $0x8FFFFFFF  }
0x9e: {  	s18 =	sld [smem:$0x3FDB];
	_ =	sdelay $0x1  }
0x9f: {  	s19 =	simm.s32 $_scs_section_size  }
0xa0: {  	s5 =	simm.s32 $_size__tile_overlayer_lowered;
	s6 =	simm.s32 $_tile_overlayer_lowered  }
0xa1: {  	s22 =	simm.s32 $0x1BFF;
	s21 =	sshll.u32 s6, $0x1;
	s3 =	sadd.s32 s19, s18  }
0xa2: {  	s7 =	simm.s32 $0x0;
	s20 =	sshll.u32 s5, $0x1;
	s5 =	sadd.s32 s21, s3  }
0xa3: {  	[timem:s7], [sflag:s22] =	dma.local [hbm:s5], s20  }
0xa4: {  	_ =	swait.ge [sflag:s22], s20  }
0xa5: {  	s4 =	ssub.s32 $0x0, s20;
	[sflag:s22] =	ssyncset.done $0x0  }
0xa6: {  	[sflag:s22] =	ssyncadd.s32 s4;
	_ =	sdelay $0x1  }
0xa7: {  	s23 =	simm.s32 $0x1B8B  }
0xa8: {  	_ =	swait.ge [sflag:s23], $0x1  }
0xa9: {  	[sflag:s23] =	ssyncset.done $0x0  }
0xaa: {  	s25 =	simm.s32 $0x1B8E;
	s24 =	sld [smem:$0x3FFE];
	[sflag:s23] =	ssyncadd.s32 $0xFFFFFFFF  }
0xab: {  	s26 =	simm.s32 $execute0_lowered;
	[smem:$0x3FD2] =	sst s25  }
0xac: {  	s5 =	sshll.u32 s26, $0x1;
	_ =	strace $0x80000046;
	[dreg:$0x1] =	wrdreg $0xFFFFFFFF  }
0xad: {  	s28 =	simm.s32 $_size_execute0_lowered;
	s3 =	sadd.s32 s3, s5;
	[dreg:$0x0] =	wrdreg $0x0  }
0xae: {  	s5 =	sshll.u32 s28, $0x1;
	[dreg:$0x2] =	wrdreg s3  }
0xaf: {  	[dreg:$0x3] =	wrdreg s5  }
0xb0: {  	[dreg:$0x4] =	wrdreg $0xC0  }
0xb1: {  	_ =	task [dreg:s7], $0x5FFFF  }
0xb2: {  	[dreg:$0x1] =	wrdreg $0xFFFFFFFF  }
0xb3: {  	[dreg:$0x0] =	wrdreg $0x60  }
0xb4: {  	[dreg:$0x2] =	wrdreg s16  }
0xb5: {  	[dreg:$0x3] =	wrdreg s24  }
0xb6: {  	[dreg:$0x4] =	wrdreg $0x9  }
0xb7: {  	_ =	task.clear_ibuf [dreg:s7], $0x5FFFF;
	_ =	strace $0x90000046  }
0xb8: {  	s29 =	simm.s32 $0x9;
	_ =	strace $0x80000048  }
0xb9: {  	_ =	swait.ge [sflag:s29], $0x1  }
0xba: {  	[sflag:s29] =	ssyncadd.s32 $0xFFFFFFFF  }
0xbb: {  	_ =	strace $0x90000048  }
0xbc: {  	_ =	sfence  }
0xbd: {  	s30 =	sld [smem:$0x0];
	_ =	sdelay $0x2  }
0xbe: {  	s31 =	sshll.u32 s1, $0xD;
	s1 =	sshrl.u32 s1, $0x2  }
0xbf: {  	s3 =	sand.u32 $0x4000, s31;
	s1 =	sadd.s32 s1, s30  }
0xc0: {  	s0 =	sor.u32 s3, s0;
	s1 =	sshll.u32 s1, $0x11  }
0xc1: {  	s0 =	sor.u32 s1, s0  }
0xc2: {  	s0 =	sadd.s32 $0x8F2B, s0  }
0xc3: {  	[sflag:s0] =	ssyncadd.remote.s32 $0x1  }
0xc4: {  	_ =	sfence.sel $0xFFFF  }
0xc5: {  	[dreg:$0x0] =	wrdreg $0xFFFFFFFF;
	(pc) =	sbr.abs _section_cstart, $3  }
0xc6: {  	[dreg:$0x1] =	wrdreg $0xFFFFFFFF  }
0xc7: {  	_ =	task.clear_ibuf [dreg:s7], $0x2FFFF;
	_ =	strace $0x9FFFFFFF  }
0xc8: {  	(tm) =	ssettm $0x7FFFFFFF  }
0xc9: {  	_ =	shalt  }
tec
execute0_lowered:
.L_overlay_start_1:
0x0: {  	(tag) =	ssettag $0x1  }
0x1: {  	v0 =	vlaneseq.u32  }
0x2: {  	v0 =	vmul.u32 $0x8, v0;
	_ =	sdelay $0x1  }
0x3: {  	v8 =	vimm.s32 $0x8;
	v1 =	vor.u32 $0x1, v0  }
0x4: {  	v2 =	vor.u32 $0x2, v0;
	v3 =	vor.u32 $0x3, v0;
	v4 =	vor.u32 $0x4, v0  }
0x5: {  	s4 =	rddreg [dreg:$0x0];
	v5 =	vor.u32 $0x5, v0;
	v6 =	vor.u32 $0x6, v0;
	v7 =	vor.u32 $0x7, v0  }
0x6: {  	s5 =	rddreg [dreg:$0x1];
	v9 =	vor.u32 $0x80, v0;
	v10 =	vor.u32 $0x81, v0;
	v11 =	vor.u32 $0x82, v0  }
0x7: {  	s0 =	rddreg [dreg:$0x2];
	s1 =	simm.s32 $0x0;
	s3 =	srdreg.scid;
	v12 =	vor.u32 $0x83, v0;
	v13 =	vor.u32 $0x84, v0;
	v14 =	vor.u32 $0x85, v0  }
0x8: {  	s2 =	stileid.u32;
	s9 =	simm.s32 $0x200;
	s3 =	sand.u32 $0x1, s3;
	v15 =	vor.u32 $0x86, v0;
	v16 =	vor.u32 $0x87, v0;
	v17 =	vor.u32 $0x100, v0  }
0x9: {  	[smem:$0x7FF] =	sst s1;
	s6 =	sshll.u32 s2, $0x7;
	s7 =	sshll.u32 s3, $0x6;
	v18 =	vor.u32 $0x101, v0;
	v19 =	vor.u32 $0x102, v0;
	v20 =	vor.u32 $0x103, v0  }
0xa: {  	s8 =	ssub.s32 $0x2, s3;
	_ =	strace $0x80000047;
	s6 =	sor.u32 s7, s6;
	v21 =	vor.u32 $0x104, v0;
	v22 =	vor.u32 $0x105, v0;
	v23 =	vor.u32 $0x106, v0  }
0xb: {  	s3 =	sadd.s32 $0x800, s5;
	s31 =	sshrl.u32 s8, $0x1;
	v24 =	vor.u32 $0x107, v0;
	v25 =	vor.u32 $0x180, v0;
	v26 =	vor.u32 $0x181, v0;
	s5 =	sadd.s32 s6, s5  }
0xc: {  	v27 =	vor.u32 $0x182, v0;
	v28 =	vor.u32 $0x183, v0;
	v29 =	vor.u32 $0x184, v0;
	s7 =	ssub.s32 s8, s31;
	s4 =	sadd.s32 s4, s6;
	s8 =	simm.s32 $0x400  }
0xd: {  	v30 =	vor.u32 $0x185, v0;
	v31 =	vor.u32 $0x186, v0;
	v32 =	vor.u32 $0x187, v0;
	s5 =	sadd.s32 $0xA00, s5;
	s6 =	smax.u32 s7, $0x1;
	s7 =	simm.s32 $0x1  }
.LBB2_1:
0xe: {  	[tilespmem:s1], [sflag:$0x1] =	stream.linear.gather [hbm4b:s4+s1], $0x200, $0x38;
	[tilespmem:$0x480] =	vst v63  }
0xf: {  	_ =	swait.ge [sflag:s7], $0x200  }
0x10: {  	[sflag:s7] =	ssyncset.done $0x0  }
0x11: {  	[sflag:s7] =	ssyncadd.s32 $0xFFFFFE00  }
0x12: {  	[tilespmem:s8], [sflag:$0x1] =	stream.linear.gather [hbm4b:s3+s1], $0x80, $0x38;
	[tilespmem:$0x480] =	vst v63  }
0x13: {  	_ =	swait.ge [sflag:s7], $0x80  }
0x14: {  	[sflag:s7] =	ssyncset.done $0x0  }
0x15: {  	[sflag:s7] =	ssyncadd.s32 $0xFFFFFF80  }
0x16: {  	v33 =	vld [tilespmem:$0x400]  }
0x17: {  	v34 =	vld.idx.msk [tilespmem:v0+s1+$0x0], $0xffff  }
0x18: {  	v35 =	vld.idx.msk [tilespmem:v1+s1+$0x0], $0xffff  }
0x19: {  	v36 =	vld.idx.msk [tilespmem:v2+s1+$0x0], $0xffff  }
0x1a: {  	v37 =	vld.idx.msk [tilespmem:v3+s1+$0x0], $0xffff  }
0x1b: {  	v38 =	vld.idx.msk [tilespmem:v4+s1+$0x0], $0xffff  }
0x1c: {  	v39 =	vld.idx.msk [tilespmem:v5+s1+$0x0], $0xffff;
	vm2 =	vne.s32 v33, $0x0;
	vm7 =	vne.s32 v33, $0x1;
	v40 =	vmax.f32 v34, $-3.402823470e+38  }
0x1d: {  	v41 =	vld.idx.msk [tilespmem:v6+s1+$0x0], $0xffff;
	vm4 =	vne.s32 v33, $0x2;
	v42 =	vnsel vm2, $0xFF7FFFFF, v40;
	v43 =	vnsel vm7, $0xFF7FFFFF, v35  }
0x1e: {  	v44 =	vld.idx.msk [tilespmem:v7+s1+$0x0], $0xffff;
	vm0 =	vne.s32 v33, $0x3;
	v62 =	vnsel vm4, $0xFF7FFFFF, v36;
	v42 =	vmax.f32 v42, v43  }
0x1f: {  	vm1 =	vne.s32 v33, $0x4;
	v63 =	vnsel vm0, $0xFF7FFFFF, v37;
	v42 =	vmax.f32 v42, v62  }
0x20: {  	vm3 =	vne.s32 v33, $0x5;
	v45 =	vnsel vm1, $0xFF7FFFFF, v38;
	v42 =	vmax.f32 v42, v63  }
0x21: {  	vm5 =	vne.s32 v33, $0x6;
	v46 =	vnsel vm3, $0xFF7FFFFF, v39;
	v42 =	vmax.f32 v42, v45  }
0x22: {  	vm6 =	vne.s32 v33, $0x7;
	v48 =	vnsel vm5, $0xFF7FFFFF, v41;
	v47 =	vmax.f32 v42, v46  }
0x23: {  	v49 =	vnsel vm6, $0xFF7FFFFF, v44;
	v33 =	vmax.f32 v47, v48  }
0x24: {  	v33 =	vmax.f32 v33, v49  }
0x25: {  	vm8 =	veq.f32 v44, v33  }
0x26: {  	v51 =	vimm.s32 $0x0;
	vm9 =	veq.f32 v41, v33;
	vm8 =	vmand vm6, vm8  }
0x27: {  	vm13 =	veq.f32 v39, v33;
	vm12 =	vmand vm5, vm9;
	v50 =	vsel vm8, $0x7, v8  }
0x28: {  	vm15 =	veq.f32 v38, v33;
	vm14 =	vmand vm3, vm13;
	v42 =	vsel vm12, $0x6, v50  }
0x29: {  	vm13 =	veq.f32 v37, v33;
	vm12 =	vmand vm1, vm15;
	v42 =	vsel vm14, $0x5, v42  }
0x2a: {  	vm15 =	veq.f32 v36, v33;
	vm14 =	vmand vm0, vm13;
	v42 =	vsel vm12, $0x4, v42  }
0x2b: {  	vm13 =	veq.f32 v35, v33;
	vm12 =	vmand vm4, vm15;
	v42 =	vsel vm14, $0x3, v42  }
0x2c: {  	vm8 =	vmand vm7, vm13;
	vm14 =	veq.f32 v34, v33;
	v42 =	vsel vm12, $0x2, v42  }
0x2d: {  	v52 =	vimm.s32 $0x0;
	vm9 =	vmand vm2, vm14;
	v42 =	vsel vm8, $0x1, v42  }
0x2e: {  	v43 =	vsel vm1, $0xFFFFFFFF, v51;
	vm10 =	vmxor vm2, vm9;
	v42 =	vsel vm9, $0x0, v42  }
0x2f: {  	[tilespmem:$0x1FFA0] =	vst v43;
	v43 =	vsel vm0, $0xFFFFFFFF, v52;
	v40 =	vnsel vm10, $0xFF7FFFFF, v40;
	vm11 =	vne.s32 v42, $0x1  }
0x30: {  	vm12 =	vne.s32 v42, $0x2;
	vm13 =	vne.s32 v42, $0x3;
	vm14 =	vne.s32 v42, $0x4  }
0x31: {  	vm15 =	vne.s32 v42, $0x5;
	vm11 =	vmand vm7, vm11;
	vm12 =	vmand vm4, vm12  }
0x32: {  	vm13 =	vmand vm0, vm13;
	vm14 =	vmand vm1, vm14;
	v54 =	vnsel vm11, $0xFF7FFFFF, v35  }
0x33: {  	vm15 =	vmand vm3, vm15;
	v55 =	vnsel vm12, $0xFF7FFFFF, v36;
	v40 =	vmax.f32 v40, v54  }
0x34: {  	vm0 =	vne.s32 v42, $0x6;
	v56 =	vnsel vm13, $0xFF7FFFFF, v37;
	v40 =	vmax.f32 v40, v55  }
0x35: {  	vm1 =	vne.s32 v42, $0x7;
	v57 =	vnsel vm14, $0xFF7FFFFF, v38;
	v40 =	vmax.f32 v40, v56  }
0x36: {  	v58 =	vnsel vm15, $0xFF7FFFFF, v39;
	vm0 =	vmand vm5, vm0;
	v40 =	vmax.f32 v40, v57  }
0x37: {  	vm1 =	vmand vm6, vm1;
	v59 =	vnsel vm0, $0xFF7FFFFF, v41;
	v40 =	vmax.f32 v40, v58  }
0x38: {  	v60 =	vnsel vm1, $0xFF7FFFFF, v44;
	v40 =	vmax.f32 v40, v59  }
0x39: {  	v53 =	vimm.s32 $0x0;
	v40 =	vmax.f32 v40, v60  }
0x3a: {  	[tilespmem:$0x1FF90] =	vst v43;
	v43 =	vsel vm2, $0xFFFFFFFF, v53;
	v45 =	vsub.f32 v34, v33;
	vm2 =	veq.f32 v44, v40  }
0x3b: {  	v62 =	vsub.f32 v35, v33;
	vm1 =	vmand vm1, vm2;
	vm2 =	veq.f32 v41, v40  }
0x3c: {  	v45 =	vmul.f32 $1.442695020e+00, v45;
	v61 =	vsel vm1, $0x7, v8;
	vm0 =	vmand vm0, vm2  }
0x3d: {  	[tilespmem:$0x1FFB0] =	vst v43;
	v46 =	vsub.f32 v38, v33;
	v43 =	vsel vm0, $0x6, v61;
	vm0 =	veq.f32 v39, v40  }
0x3e: {  	(erf) = vpow2.f32 v45;
	vm0 =	vmand vm15, vm0;
	vm15 =	veq.f32 v38, v40  }
0x3f: {  	v45 =	vmul.f32 $1.442695020e+00, v62;
	v43 =	vsel vm0, $0x5, v43;
	vm14 =	vmand vm14, vm15  }
0x40: {  	v43 =	vsel vm14, $0x4, v43;
	vm14 =	veq.f32 v36, v40;
	v36 =	vsub.f32 v36, v33  }
0x41: {  	v49 =	vsub.f32 v39, v33;
	v48 =	vmul.f32 $1.442695020e+00, v46  }
0x42: {  	v51 =	vsub.f32 v41, v33;
	(erf) = vpow2.f32 v45;
	v63 =	vmul.f32 $1.442695020e+00, v36  }
0x43: {  	v50 =	vmul.f32 $1.442695020e+00, v49;
	vm15 =	veq.f32 v37, v40;
	v37 =	vsub.f32 v37, v33  }
0x44: {  	v54 =	vmul.f32 $1.442695020e+00, v51;
	vm13 =	vmand vm13, vm15;
	(erf) = vpow2.f32 v63  }
0x45: {  	v33 =	vsub.f32 v44, v33;
	v43 =	vsel vm13, $0x3, v43;
	v45 =	vmul.f32 $1.442695020e+00, v37  }
0x46: {  	vm15 =	vmand vm12, vm14;
	vm12 =	veq.f32 v35, v40;
	vm14 =	veq.f32 v34, v40  }
0x47: {  	v47 =	vpop (erf);
	v43 =	vsel vm15, $0x2, v43;
	vm13 =	vmand vm11, vm12;
	(erf) = vpow2.f32 v45  }
0x48: {  	vm1 =	vmand vm10, vm14;
	vm12 =	veq.s32 v42, $0x2;
	v33 =	vmul.f32 $1.442695020e+00, v33  }
0x49: {  	v36 =	vsel vm13, $0x1, v43;
	vm15 =	vmor vm9, vm1;
	(erf) = vpow2.f32 v48  }
0x4a: {  	vm9 =	vmneg vm9;
	vm10 =	vmneg vm1;
	v37 =	vnsel vm15, $0x0, v47  }
0x4b: {  	v53 =	vpop (erf);
	vm11 =	vmand vm9, vm8;
	vm0 =	vmand vm10, vm13;
	(erf) = vpow2.f32 v50  }
0x4c: {  	v36 =	vsel vm1, $0x0, v36;
	v52 =	vadd.f32 $0.0e+00, v37;
	vm0 =	vmor vm11, vm0  }
0x4d: {  	vm1 =	veq.s32 v36, $0x2;
	v55 =	vnsel vm0, $0x0, v53;
	v56 =	vpop (erf);
	(erf) = vpow2.f32 v54  }
0x4e: {  	vm13 =	veq.s32 v42, $0x3;
	vm0 =	vmor vm12, vm1;
	v57 =	vadd.f32 v55, v52  }
0x4f: {  	vm14 =	veq.s32 v36, $0x3;
	v58 =	vnsel vm0, $0x0, v56;
	(erf) = vpow2.f32 v33  }
0x50: {  	vm0 =	vmor vm13, vm14;
	v60 =	vpop (erf);
	v59 =	vadd.f32 v58, v57  }
0x51: {  	vm15 =	veq.s32 v42, $0x4;
	vm8 =	veq.s32 v36, $0x4;
	v34 =	vnsel vm0, $0x0, v60  }
0x52: {  	vm0 =	vmor vm15, vm8;
	v61 =	vpop (erf);
	v33 =	vadd.f32 v59, v34  }
0x53: {  	vm9 =	veq.s32 v42, $0x5;
	vm10 =	veq.s32 v36, $0x5;
	v39 =	vnsel vm0, $0x0, v61  }
0x54: {  	vm0 =	vmor vm9, vm10;
	v62 =	vpop (erf);
	v33 =	vadd.f32 v33, v39  }
0x55: {  	vm11 =	veq.s32 v42, $0x6;
	vm12 =	veq.s32 v36, $0x6;
	v40 =	vnsel vm0, $0x0, v62  }
0x56: {  	vm0 =	vmor vm11, vm12;
	v33 =	vadd.f32 v33, v40;
	v63 =	vpop (erf)  }
0x57: {  	vm13 =	veq.s32 v42, $0x7;
	vm14 =	veq.s32 v36, $0x7;
	v41 =	vnsel vm0, $0x0, v63  }
0x58: {  	vm0 =	vmor vm13, vm14;
	v43 =	vpop (erf);
	v33 =	vadd.f32 v33, v41  }
0x59: {  	v36 =	vnsel vm0, $0x0, v43  }
0x5a: {  	v33 =	vadd.f32 v33, v36;
	_ =	sdelay $0x1  }
0x5b: {  	(erf) = vrcp.f32 v33;
	_ =	sdelay $0x8  }
0x5c: {  	v33 =	vpop (erf)  }
0x5d: {  	v37 =	vmul.f32 v33, v37  }
0x5e: {  	v35 =	vmul.f32 v33, v55  }
0x5f: {  	v44 =	vmul.f32 v33, v58;
	[tilespmem:v0+s9+$0x0] =	vst.idx.msk $0xffff, v37  }
0x60: {  	v34 =	vmul.f32 v33, v34;
	[tilespmem:v1+s9+$0x0] =	vst.idx.msk $0xffff, v35  }
0x61: {  	v45 =	vmul.f32 v33, v39;
	[tilespmem:v2+s9+$0x0] =	vst.idx.msk $0xffff, v44  }
0x62: {  	v46 =	vmul.f32 v33, v40;
	[tilespmem:v3+s9+$0x0] =	vst.idx.msk $0xffff, v34  }
0x63: {  	v47 =	vmul.f32 v33, v41;
	[tilespmem:v4+s9+$0x0] =	vst.idx.msk $0xffff, v45  }
0x64: {  	v49 =	vld [tilespmem:$0x1FFB0];
	v33 =	vmul.f32 v33, v36;
	[tilespmem:v5+s9+$0x0] =	vst.idx.msk $0xffff, v46  }
0x65: {  	v53 =	vld [tilespmem:$0x1FFA0];
	[tilespmem:v6+s9+$0x0] =	vst.idx.msk $0xffff, v47  }
0x66: {  	v52 =	vld [tilespmem:$0x1FF90];
	[tilespmem:v7+s9+$0x0] =	vst.idx.msk $0xffff, v33  }
0x67: {  	v33 =	vld.idx.msk [tilespmem:v9+s1+$0x0], $0xffff  }
0x68: {  	v34 =	vld.idx.msk [tilespmem:v10+s1+$0x0], $0xffff  }
0x69: {  	v35 =	vld.idx.msk [tilespmem:v11+s1+$0x0], $0xffff  }
0x6a: {  	v36 =	vld.idx.msk [tilespmem:v12+s1+$0x0], $0xffff  }
0x6b: {  	v37 =	vld.idx.msk [tilespmem:v13+s1+$0x0], $0xffff  }
0x6c: {  	vm9 =	vnez.u8 v49;
	v38 =	vld.idx.msk [tilespmem:v14+s1+$0x0], $0xffff;
	v48 =	vmax.f32 v33, $-3.402823470e+38  }
0x6d: {  	v40 =	vld.idx.msk [tilespmem:v15+s1+$0x0], $0xffff;
	v50 =	vnsel vm7, $0xFF7FFFFF, v34;
	v41 =	vnsel vm9, $0xFF7FFFFF, v48  }
0x6e: {  	vm2 =	vnez.u8 v52;
	v43 =	vld.idx.msk [tilespmem:v16+s1+$0x0], $0xffff;
	v51 =	vnsel vm4, $0xFF7FFFFF, v35;
	v41 =	vmax.f32 v41, v50  }
0x6f: {  	vm8 =	vnez.u8 v53;
	v42 =	vnsel vm2, $0xFF7FFFFF, v36;
	v41 =	vmax.f32 v41, v51  }
0x70: {  	v41 =	vmax.f32 v41, v42;
	v42 =	vnsel vm8, $0xFF7FFFFF, v37  }
0x71: {  	v59 =	vimm.s32 $0x0;
	v54 =	vnsel vm3, $0xFF7FFFFF, v38;
	v41 =	vmax.f32 v41, v42  }
0x72: {  	v58 =	vimm.s32 $0x0;
	v55 =	vnsel vm5, $0xFF7FFFFF, v40;
	v41 =	vmax.f32 v41, v54  }
0x73: {  	v44 =	vsel vm5, $0xFFFFFFFF, v58;
	v56 =	vnsel vm6, $0xFF7FFFFF, v43;
	v41 =	vmax.f32 v41, v55  }
0x74: {  	vm14 =	vmmov vm5;
	[tilespmem:$0x1FFE0] =	vst v44;
	v44 =	vsel vm4, $0xFFFFFFFF, v59;
	v41 =	vmax.f32 v41, v56  }
0x75: {  	vm15 =	veq.f32 v43, v41;
	vm10 =	veq.f32 v40, v41;
	vm13 =	veq.f32 v38, v41  }
0x76: {  	v52 =	vsub.f32 v33, v41;
	v53 =	vsub.f32 v34, v41;
	vm0 =	vmand vm6, vm15  }
0x77: {  	vm15 =	vmmov vm6;
	vm11 =	vmand vm5, vm10;
	vm5 =	vmand vm3, vm13  }
0x78: {  	vm6 =	veq.f32 v37, v41;
	vm13 =	veq.f32 v35, v41;
	v57 =	vsel vm0, $0x7, v8  }
0x79: {  	vm10 =	vmand vm8, vm6;
	vm6 =	vmmov vm2;
	v42 =	vsel vm11, $0x6, v57  }
0x7a: {  	v45 =	vmul.f32 $1.442695020e+00, v52;
	vm11 =	veq.f32 v36, v41;
	v42 =	vsel vm5, $0x5, v42  }
0x7b: {  	vm5 =	vmmov vm8;
	vm12 =	vmand vm2, vm11;
	v42 =	vsel vm10, $0x4, v42  }
0x7c: {  	vm8 =	vmand vm4, vm13;
	vm10 =	veq.f32 v34, v41;
	v42 =	vsel vm12, $0x3, v42  }
0x7d: {  	vm11 =	veq.f32 v33, v41;
	v42 =	vsel vm8, $0x2, v42;
	vm8 =	vmand vm7, vm10  }
0x7e: {  	vm12 =	vmmov vm9;
	vm9 =	vmand vm9, vm11;
	v42 =	vsel vm8, $0x1, v42  }
0x7f: {  	(erf) = vpow2.f32 v45;
	v45 =	vmul.f32 $1.442695020e+00, v53;
	v42 =	vsel vm9, $0x0, v42  }
0x80: {  	vm10 =	vmxor vm12, vm9;
	vm13 =	vne.s32 v42, $0x1;
	vm12 =	vne.s32 v42, $0x2  }
0x81: {  	v39 =	vnsel vm10, $0xFF7FFFFF, v48;
	vm11 =	vmand vm7, vm13;
	vm12 =	vmand vm4, vm12  }
0x82: {  	vm13 =	vne.s32 v42, $0x3;
	vm4 =	vne.s32 v42, $0x4;
	v60 =	vnsel vm11, $0xFF7FFFFF, v34  }
0x83: {  	v61 =	vnsel vm12, $0xFF7FFFFF, v35;
	vm13 =	vmand vm2, vm13;
	vm0 =	vmand vm5, vm4  }
0x84: {  	vm4 =	vne.s32 v42, $0x5;
	v39 =	vmax.f32 v39, v60;
	v62 =	vnsel vm13, $0xFF7FFFFF, v36  }
0x85: {  	v63 =	vnsel vm0, $0xFF7FFFFF, v37;
	vm1 =	vmand vm3, vm4;
	v39 =	vmax.f32 v39, v61  }
0x86: {  	vm4 =	vne.s32 v42, $0x6;
	v48 =	vnsel vm1, $0xFF7FFFFF, v38;
	v39 =	vmax.f32 v39, v62  }
0x87: {  	vm2 =	vmand vm14, vm4;
	vm4 =	vne.s32 v42, $0x7;
	v39 =	vmax.f32 v39, v63  }
0x88: {  	v49 =	vnsel vm2, $0xFF7FFFFF, v40;
	vm14 =	vmand vm15, vm4;
	v39 =	vmax.f32 v39, v48  }
0x89: {  	v57 =	vsub.f32 v37, v41;
	v50 =	vnsel vm14, $0xFF7FFFFF, v43;
	v39 =	vmax.f32 v39, v49  }
0x8a: {  	(erf) = vpow2.f32 v45;
	v45 =	vsub.f32 v43, v41;
	v39 =	vmax.f32 v39, v50  }
0x8b: {  	v60 =	vsub.f32 v38, v41;
	vm4 =	vmmov vm15;
	vm15 =	veq.f32 v43, v39  }
0x8c: {  	v59 =	vmul.f32 $1.442695020e+00, v57;
	v47 =	vmul.f32 $1.442695020e+00, v45;
	vm14 =	vmand vm14, vm15  }
0x8d: {  	v61 =	vmul.f32 $1.442695020e+00, v60;
	vm15 =	veq.f32 v40, v39;
	v51 =	vsel vm14, $0x7, v8  }
0x8e: {  	vm2 =	vmand vm2, vm15;
	vm15 =	veq.f32 v38, v39;
	vm14 =	veq.f32 v37, v39  }
0x8f: {  	vm0 =	vmand vm0, vm14;
	vm14 =	veq.f32 v35, v39;
	v35 =	vsub.f32 v35, v41  }
0x90: {  	[tilespmem:$0x1FFC0] =	vst v44;
	v62 =	vsub.f32 v40, v41;
	v44 =	vsel vm2, $0x6, v51;
	vm1 =	vmand vm1, vm15  }
0x91: {  	vm15 =	veq.f32 v36, v39;
	v36 =	vsub.f32 v36, v41;
	v54 =	vmul.f32 $1.442695020e+00, v35  }
0x92: {  	v44 =	vsel vm1, $0x5, v44;
	vm13 =	vmand vm13, vm15;
	vm15 =	vmand vm12, vm14  }
0x93: {  	vm14 =	veq.f32 v33, v39;
	v56 =	vmul.f32 $1.442695020e+00, v36;
	(erf) = vpow2.f32 v54  }
0x94: {  	vm12 =	veq.f32 v34, v39;
	v44 =	vsel vm0, $0x4, v44;
	vm1 =	vmand vm10, vm14  }
0x95: {  	v44 =	vsel vm13, $0x3, v44;
	vm13 =	vmand vm11, vm12;
	(erf) = vpow2.f32 v56  }
0x96: {  	vm10 =	vmneg vm1;
	v55 =	vsel vm15, $0x2, v44;
	vm15 =	vmor vm9, vm1  }
0x97: {  	v58 =	vpop (erf);
	vm9 =	vmneg vm9;
	vm0 =	vmand vm10, vm13;
	(erf) = vpow2.f32 v59  }
0x98: {  	v44 =	vmul.f32 $1.442695020e+00, v62;
	v35 =	vsel vm13, $0x1, v55;
	v36 =	vnsel vm15, $0x0, v58  }
0x99: {  	vm8 =	vmand vm9, vm8;
	vm9 =	veq.s32 v42, $0x2;
	(erf) = vpow2.f32 v61  }
0x9a: {  	v40 =	vpop (erf);
	v35 =	vsel vm1, $0x0, v35;
	v63 =	vadd.f32 $0.0e+00, v36;
	vm0 =	vmor vm8, vm0  }
0x9b: {  	v38 =	vnsel vm0, $0x0, v40;
	vm1 =	veq.s32 v35, $0x2;
	(erf) = vpow2.f32 v44  }
0x9c: {  	vm10 =	veq.s32 v42, $0x3;
	vm0 =	vmor vm9, vm1;
	v48 =	vadd.f32 v38, v63;
	v46 =	vpop (erf)  }
0x9d: {  	vm11 =	veq.s32 v35, $0x3;
	(erf) = vpow2.f32 v47;
	v49 =	vnsel vm0, $0x0, v46  }
0x9e: {  	vm0 =	vmor vm10, vm11;
	v51 =	vpop (erf);
	v50 =	vadd.f32 v49, v48  }
0x9f: {  	vm12 =	veq.s32 v42, $0x4;
	vm13 =	veq.s32 v35, $0x4;
	v34 =	vnsel vm0, $0x0, v51  }
0xa0: {  	vm0 =	vmor vm12, vm13;
	v52 =	vpop (erf);
	v33 =	vadd.f32 v50, v34  }
0xa1: {  	vm14 =	veq.s32 v42, $0x5;
	vm15 =	veq.s32 v35, $0x5;
	v39 =	vnsel vm0, $0x0, v52  }
0xa2: {  	vm0 =	vmor vm14, vm15;
	v53 =	vpop (erf);
	v33 =	vadd.f32 v33, v39  }
0xa3: {  	vm8 =	veq.s32 v42, $0x6;
	vm9 =	veq.s32 v35, $0x6;
	v40 =	vnsel vm0, $0x0, v53  }
0xa4: {  	vm0 =	vmor vm8, vm9;
	v54 =	vpop (erf);
	v33 =	vadd.f32 v33, v40  }
0xa5: {  	vm10 =	veq.s32 v42, $0x7;
	vm11 =	veq.s32 v35, $0x7;
	v41 =	vnsel vm0, $0x0, v54  }
0xa6: {  	vm0 =	vmor vm10, vm11;
	v55 =	vpop (erf);
	v33 =	vadd.f32 v33, v41  }
0xa7: {  	v35 =	vnsel vm0, $0x0, v55  }
0xa8: {  	v33 =	vadd.f32 v33, v35;
	_ =	sdelay $0x1  }
0xa9: {  	(erf) = vrcp.f32 v33;
	_ =	sdelay $0x8  }
0xaa: {  	v33 =	vpop (erf)  }
0xab: {  	v36 =	vmul.f32 v33, v36  }
0xac: {  	v38 =	vmul.f32 v33, v38  }
0xad: {  	v56 =	vmul.f32 v33, v49;
	[tilespmem:v9+s9+$0x0] =	vst.idx.msk $0xffff, v36  }
0xae: {  	v34 =	vmul.f32 v33, v34;
	[tilespmem:v10+s9+$0x0] =	vst.idx.msk $0xffff, v38  }
0xaf: {  	v57 =	vmul.f32 v33, v39;
	[tilespmem:v11+s9+$0x0] =	vst.idx.msk $0xffff, v56  }
0xb0: {  	v58 =	vmul.f32 v33, v40;
	[tilespmem:v12+s9+$0x0] =	vst.idx.msk $0xffff, v34  }
0xb1: {  	v59 =	vmul.f32 v33, v41;
	[tilespmem:v13+s9+$0x0] =	vst.idx.msk $0xffff, v57  }
0xb2: {  	v61 =	vld [tilespmem:$0x1FFB0];
	v33 =	vmul.f32 v33, v35;
	[tilespmem:v14+s9+$0x0] =	vst.idx.msk $0xffff, v58  }
0xb3: {  	v63 =	vld [tilespmem:$0x1FFC0];
	[tilespmem:v15+s9+$0x0] =	vst.idx.msk $0xffff, v59  }
0xb4: {  	v48 =	vld [tilespmem:$0x1FFE0];
	[tilespmem:v16+s9+$0x0] =	vst.idx.msk $0xffff, v33  }
0xb5: {  	v33 =	vld.idx.msk [tilespmem:v17+s1+$0x0], $0xffff  }
0xb6: {  	v34 =	vld.idx.msk [tilespmem:v18+s1+$0x0], $0xffff  }
0xb7: {  	v35 =	vld.idx.msk [tilespmem:v19+s1+$0x0], $0xffff  }
0xb8: {  	v36 =	vld.idx.msk [tilespmem:v20+s1+$0x0], $0xffff  }
0xb9: {  	v37 =	vld.idx.msk [tilespmem:v21+s1+$0x0], $0xffff  }
0xba: {  	vm9 =	vnez.u8 v61;
	v38 =	vld.idx.msk [tilespmem:v22+s1+$0x0], $0xffff;
	v60 =	vmax.f32 v33, $-3.402823470e+38  }
0xbb: {  	vm2 =	vnez.u8 v63;
	v40 =	vld.idx.msk [tilespmem:v23+s1+$0x0], $0xffff;
	v62 =	vnsel vm7, $0xFF7FFFFF, v34;
	v41 =	vnsel vm9, $0xFF7FFFFF, v60  }
0xbc: {  	v43 =	vld.idx.msk [tilespmem:v24+s1+$0x0], $0xffff;
	v42 =	vnsel vm2, $0xFF7FFFFF, v35;
	v41 =	vmax.f32 v41, v62  }
0xbd: {  	v45 =	vnsel vm6, $0xFF7FFFFF, v36;
	v41 =	vmax.f32 v41, v42  }
0xbe: {  	v46 =	vnsel vm5, $0xFF7FFFFF, v37;
	v41 =	vmax.f32 v41, v45  }
0xbf: {  	vm14 =	vnez.u8 v48;
	v47 =	vnsel vm3, $0xFF7FFFFF, v38;
	v41 =	vmax.f32 v41, v46  }
0xc0: {  	v42 =	vnsel vm14, $0xFF7FFFFF, v40;
	v41 =	vmax.f32 v41, v47  }
0xc1: {  	v49 =	vnsel vm4, $0xFF7FFFFF, v43;
	v41 =	vmax.f32 v41, v42  }
0xc2: {  	vm15 =	vmmov vm4;
	v50 =	vimm.s32 $0x0;
	v41 =	vmax.f32 v41, v49  }
0xc3: {  	v52 =	vimm.s32 $0x0;
	v42 =	vsel vm4, $0xFFFFFFFF, v50;
	vm12 =	veq.f32 v43, v41  }
0xc4: {  	vm13 =	veq.f32 v40, v41;
	vm8 =	veq.f32 v38, v41;
	vm0 =	vmand vm4, vm12  }
0xc5: {  	vm11 =	veq.f32 v37, v41;
	vm4 =	vmand vm14, vm13;
	v51 =	vsel vm0, $0x7, v8  }
0xc6: {  	[tilespmem:$0x1FFF0] =	vst v42;
	vm10 =	vmand vm3, vm8;
	vm12 =	vmand vm5, vm11;
	v42 =	vsel vm4, $0x6, v51  }
0xc7: {  	vm13 =	veq.f32 v36, v41;
	vm8 =	veq.f32 v35, v41;
	v42 =	vsel vm10, $0x5, v42  }
0xc8: {  	vm4 =	vmmov vm6;
	vm6 =	vmand vm6, vm13;
	v42 =	vsel vm12, $0x4, v42  }
0xc9: {  	vm11 =	veq.f32 v34, v41;
	vm10 =	vmand vm2, vm8;
	v42 =	vsel vm6, $0x3, v42  }
0xca: {  	vm8 =	vmand vm7, vm11;
	vm12 =	veq.f32 v33, v41;
	v42 =	vsel vm10, $0x2, v42  }
0xcb: {  	vm6 =	vmmov vm9;
	vm9 =	vmand vm9, vm12;
	v42 =	vsel vm8, $0x1, v42  }
0xcc: {  	v44 =	vsel vm3, $0xFFFFFFFF, v52;
	vm10 =	vmxor vm6, vm9;
	v42 =	vsel vm9, $0x0, v42  }
0xcd: {  	v39 =	vnsel vm10, $0xFF7FFFFF, v60;
	v60 =	vsub.f32 v33, v41;
	vm13 =	vne.s32 v42, $0x1  }
0xce: {  	vm12 =	vne.s32 v42, $0x2;
	vm0 =	vne.s32 v42, $0x4;
	vm1 =	vne.s32 v42, $0x5  }
0xcf: {  	vm11 =	vmand vm7, vm13;
	vm12 =	vmand vm2, vm12;
	vm13 =	vne.s32 v42, $0x3  }
0xd0: {  	vm0 =	vmand vm5, vm0;
	vm1 =	vmand vm3, vm1;
	v53 =	vnsel vm11, $0xFF7FFFFF, v34  }
0xd1: {  	v54 =	vnsel vm12, $0xFF7FFFFF, v35;
	vm13 =	vmand vm4, vm13;
	v39 =	vmax.f32 v39, v53  }
0xd2: {  	vm2 =	vne.s32 v42, $0x6;
	v55 =	vnsel vm13, $0xFF7FFFFF, v36;
	v39 =	vmax.f32 v39, v54  }
0xd3: {  	vm3 =	vne.s32 v42, $0x7;
	v56 =	vnsel vm0, $0xFF7FFFFF, v37;
	v39 =	vmax.f32 v39, v55  }
0xd4: {  	v57 =	vnsel vm1, $0xFF7FFFFF, v38;
	vm2 =	vmand vm14, vm2;
	v39 =	vmax.f32 v39, v56  }
0xd5: {  	vm14 =	vmand vm15, vm3;
	v58 =	vnsel vm2, $0xFF7FFFFF, v40;
	v39 =	vmax.f32 v39, v57  }
0xd6: {  	[tilespmem:$0x1FFD0] =	vst v44;
	v44 =	vmul.f32 $1.442695020e+00, v60;
	v59 =	vnsel vm14, $0xFF7FFFFF, v43;
	v39 =	vmax.f32 v39, v58  }
0xd7: {  	v63 =	vsub.f32 v34, v41;
	v50 =	vsub.f32 v37, v41;
	v39 =	vmax.f32 v39, v59  }
0xd8: {  	v52 =	vsub.f32 v38, v41;
	(erf) = vpow2.f32 v44;
	vm3 =	veq.f32 v43, v39  }
0xd9: {  	vm15 =	veq.f32 v37, v39;
	vm14 =	vmand vm14, vm3;
	vm3 =	veq.f32 v40, v39  }
0xda: {  	vm0 =	vmand vm0, vm15;
	v61 =	vsel vm14, $0x7, v8;
	vm2 =	vmand vm2, vm3  }
0xdb: {  	vm3 =	veq.f32 v38, v39;
	vm14 =	veq.f32 v36, v39;
	v45 =	vsel vm2, $0x6, v61  }
0xdc: {  	vm1 =	vmand vm1, vm3;
	vm15 =	vmand vm13, vm14;
	vm13 =	veq.f32 v35, v39  }
0xdd: {  	v35 =	vsub.f32 v35, v41;
	v62 =	vsel vm1, $0x5, v45;
	v45 =	vmul.f32 $1.442695020e+00, v63  }
0xde: {  	v51 =	vmul.f32 $1.442695020e+00, v50;
	v54 =	vmul.f32 $1.442695020e+00, v52;
	v55 =	vsub.f32 v40, v41  }
0xdf: {  	v48 =	vsub.f32 v36, v41;
	v35 =	vmul.f32 $1.442695020e+00, v35;
	(erf) = vpow2.f32 v45  }
0xe0: {  	v58 =	vmul.f32 $1.442695020e+00, v55;
	v59 =	vsub.f32 v43, v41;
	vm14 =	vmand vm12, vm13  }
0xe1: {  	vm12 =	veq.f32 v33, v39;
	v33 =	vmul.f32 $1.442695020e+00, v48;
	(erf) = vpow2.f32 v35  }
0xe2: {  	v61 =	vmul.f32 $1.442695020e+00, v59;
	v44 =	vsel vm0, $0x4, v62;
	vm1 =	vmand vm10, vm12  }
0xe3: {  	v44 =	vsel vm15, $0x3, v44;
	vm15 =	veq.f32 v34, v39;
	(erf) = vpow2.f32 v33  }
0xe4: {  	v49 =	vpop (erf);
	vm13 =	vmor vm9, vm1;
	v44 =	vsel vm14, $0x2, v44;
	vm0 =	vmand vm11, vm15  }
0xe5: {  	v34 =	vnsel vm13, $0x0, v49;
	vm14 =	vmneg vm9;
	(erf) = vpow2.f32 v51  }
0xe6: {  	vm15 =	vmneg vm1;
	vm11 =	veq.s32 v42, $0x2;
	vm2 =	vmand vm14, vm8  }
0xe7: {  	v53 =	vsel vm0, $0x1, v44;
	vm0 =	vmand vm15, vm0;
	(erf) = vpow2.f32 v54  }
0xe8: {  	v56 =	vadd.f32 $0.0e+00, v34;
	v36 =	vsel vm1, $0x0, v53;
	vm0 =	vmor vm2, vm0;
	v57 =	vpop (erf)  }
0xe9: {  	vm1 =	veq.s32 v36, $0x2;
	(erf) = vpow2.f32 v58;
	v38 =	vnsel vm0, $0x0, v57  }
0xea: {  	vm12 =	veq.s32 v42, $0x3;
	vm0 =	vmor vm11, vm1;
	v60 =	vpop (erf);
	v62 =	vadd.f32 v38, v56  }
0xeb: {  	vm13 =	veq.s32 v36, $0x3;
	(erf) = vpow2.f32 v61;
	v63 =	vnsel vm0, $0x0, v60  }
0xec: {  	vm0 =	vmor vm12, vm13;
	v44 =	vpop (erf);
	v43 =	vadd.f32 v63, v62  }
0xed: {  	vm14 =	veq.s32 v42, $0x4;
	vm15 =	veq.s32 v36, $0x4;
	v35 =	vnsel vm0, $0x0, v44  }
0xee: {  	vm0 =	vmor vm14, vm15;
	v45 =	vpop (erf);
	v33 =	vadd.f32 v43, v35  }
0xef: {  	vm8 =	veq.s32 v42, $0x5;
	vm9 =	veq.s32 v36, $0x5;
	v39 =	vnsel vm0, $0x0, v45  }
0xf0: {  	vm0 =	vmor vm8, vm9;
	v46 =	vpop (erf);
	v33 =	vadd.f32 v33, v39  }
0xf1: {  	vm10 =	veq.s32 v42, $0x6;
	vm11 =	veq.s32 v36, $0x6;
	v40 =	vnsel vm0, $0x0, v46  }
0xf2: {  	vm0 =	vmor vm10, vm11;
	v47 =	vpop (erf);
	v33 =	vadd.f32 v33, v40  }
0xf3: {  	vm12 =	veq.s32 v42, $0x7;
	vm13 =	veq.s32 v36, $0x7;
	v41 =	vnsel vm0, $0x0, v47  }
0xf4: {  	vm0 =	vmor vm12, vm13;
	v48 =	vpop (erf);
	v33 =	vadd.f32 v33, v41  }
0xf5: {  	v36 =	vnsel vm0, $0x0, v48  }
0xf6: {  	v33 =	vadd.f32 v33, v36;
	_ =	sdelay $0x1  }
0xf7: {  	(erf) = vrcp.f32 v33;
	_ =	sdelay $0x8  }
0xf8: {  	v33 =	vpop (erf)  }
0xf9: {  	v34 =	vmul.f32 v33, v34  }
0xfa: {  	v38 =	vmul.f32 v33, v38  }
0xfb: {  	v49 =	vmul.f32 v33, v63;
	[tilespmem:v17+s9+$0x0] =	vst.idx.msk $0xffff, v34  }
0xfc: {  	v35 =	vmul.f32 v33, v35;
	[tilespmem:v18+s9+$0x0] =	vst.idx.msk $0xffff, v38  }
0xfd: {  	v50 =	vmul.f32 v33, v39;
	[tilespmem:v19+s9+$0x0] =	vst.idx.msk $0xffff, v49  }
0xfe: {  	v51 =	vmul.f32 v33, v40;
	[tilespmem:v20+s9+$0x0] =	vst.idx.msk $0xffff, v35  }
0xff: {  	v59 =	vld [tilespmem:$0x1FFD0];
	v52 =	vmul.f32 v33, v41;
	[tilespmem:v21+s9+$0x0] =	vst.idx.msk $0xffff, v50  }
0x100: {  	v61 =	vld [tilespmem:$0x1FFF0];
	v33 =	vmul.f32 v33, v36;
	[tilespmem:v22+s9+$0x0] =	vst.idx.msk $0xffff, v51  }
0x101: {  	v56 =	vld [tilespmem:$0x1FFC0];
	[tilespmem:v23+s9+$0x0] =	vst.idx.msk $0xffff, v52  }
0x102: {  	v60 =	vld [tilespmem:$0x1FFE0];
	[tilespmem:v24+s9+$0x0] =	vst.idx.msk $0xffff, v33  }
0x103: {  	v33 =	vld.idx.msk [tilespmem:v25+s1+$0x0], $0xffff  }
0x104: {  	v34 =	vld.idx.msk [tilespmem:v26+s1+$0x0], $0xffff  }
0x105: {  	v35 =	vld.idx.msk [tilespmem:v27+s1+$0x0], $0xffff  }
0x106: {  	v36 =	vld.idx.msk [tilespmem:v28+s1+$0x0], $0xffff  }
0x107: {  	v37 =	vld.idx.msk [tilespmem:v29+s1+$0x0], $0xffff  }
0x108: {  	v38 =	vld.idx.msk [tilespmem:v30+s1+$0x0], $0xffff;
	v53 =	vmax.f32 v33, $-3.402823470e+38  }
0x109: {  	vm8 =	vnez.u8 v56;
	v40 =	vld.idx.msk [tilespmem:v31+s1+$0x0], $0xffff;
	v55 =	vnsel vm7, $0xFF7FFFFF, v34;
	v54 =	vnsel vm6, $0xFF7FFFFF, v53  }
0x10a: {  	v43 =	vld.idx.msk [tilespmem:v32+s1+$0x0], $0xffff;
	v42 =	vnsel vm8, $0xFF7FFFFF, v35;
	v41 =	vmax.f32 v54, v55  }
0x10b: {  	v57 =	vnsel vm4, $0xFF7FFFFF, v36;
	v41 =	vmax.f32 v41, v42  }
0x10c: {  	vm2 =	vnez.u8 v59;
	v58 =	vnsel vm5, $0xFF7FFFFF, v37;
	v41 =	vmax.f32 v41, v57  }
0x10d: {  	vm11 =	vnez.u8 v60;
	v42 =	vnsel vm2, $0xFF7FFFFF, v38;
	v41 =	vmax.f32 v41, v58  }
0x10e: {  	vm10 =	vnez.u8 v61;
	v41 =	vmax.f32 v41, v42;
	v42 =	vnsel vm11, $0xFF7FFFFF, v40  }
0x10f: {  	v41 =	vmax.f32 v41, v42;
	v42 =	vnsel vm10, $0xFF7FFFFF, v43  }
0x110: {  	v41 =	vmax.f32 v41, v42  }
0x111: {  	vm14 =	veq.f32 v43, v41;
	vm15 =	veq.f32 v40, v41  }
0x112: {  	vm12 =	veq.f32 v38, v41;
	v54 =	vsub.f32 v33, v41;
	vm0 =	vmand vm10, vm14  }
0x113: {  	vm9 =	vmand vm11, vm15;
	vm14 =	veq.f32 v37, v41;
	v62 =	vsel vm0, $0x7, v8  }
0x114: {  	vm13 =	vmand vm2, vm12;
	vm15 =	vmand vm5, vm14;
	v42 =	vsel vm9, $0x6, v62  }
0x115: {  	vm9 =	veq.f32 v36, v41;
	v42 =	vsel vm13, $0x5, v42;
	vm13 =	veq.f32 v35, v41  }
0x116: {  	vm12 =	vmand vm4, vm9;
	v42 =	vsel vm15, $0x4, v42;
	vm14 =	vmand vm8, vm13  }
0x117: {  	vm15 =	vmmov vm8;
	vm8 =	veq.f32 v34, v41;
	v42 =	vsel vm12, $0x3, v42  }
0x118: {  	vm9 =	veq.f32 v33, v41;
	vm8 =	vmand vm7, vm8;
	v42 =	vsel vm14, $0x2, v42  }
0x119: {  	v57 =	vsub.f32 v34, v41;
	vm9 =	vmand vm6, vm9;
	v42 =	vsel vm8, $0x1, v42  }
0x11a: {  	v58 =	vsub.f32 v36, v41;
	vm6 =	vmxor vm6, vm9;
	v42 =	vsel vm9, $0x0, v42  }
0x11b: {  	v60 =	vsub.f32 v37, v41;
	v39 =	vnsel vm6, $0xFF7FFFFF, v53;
	vm12 =	vne.s32 v42, $0x1  }
0x11c: {  	vm13 =	vne.s32 v42, $0x2;
	vm14 =	vne.s32 v42, $0x3;
	vm7 =	vmand vm7, vm12  }
0x11d: {  	vm3 =	vmand vm15, vm13;
	vm4 =	vmand vm4, vm14;
	vm15 =	vne.s32 v42, $0x4  }
0x11e: {  	vm12 =	vne.s32 v42, $0x5;
	vm13 =	vne.s32 v42, $0x6;
	v63 =	vnsel vm7, $0xFF7FFFFF, v34  }
0x11f: {  	vm14 =	vne.s32 v42, $0x7;
	v48 =	vnsel vm3, $0xFF7FFFFF, v35;
	v39 =	vmax.f32 v39, v63  }
0x120: {  	v49 =	vnsel vm4, $0xFF7FFFFF, v36;
	vm0 =	vmand vm5, vm15;
	v39 =	vmax.f32 v39, v48  }
0x121: {  	vm1 =	vmand vm2, vm12;
	v50 =	vnsel vm0, $0xFF7FFFFF, v37;
	v39 =	vmax.f32 v39, v49  }
0x122: {  	vm2 =	vmand vm11, vm13;
	v51 =	vnsel vm1, $0xFF7FFFFF, v38;
	v39 =	vmax.f32 v39, v50  }
0x123: {  	vm5 =	vmand vm10, vm14;
	v52 =	vnsel vm2, $0xFF7FFFFF, v40;
	v39 =	vmax.f32 v39, v51  }
0x124: {  	v44 =	vmul.f32 $1.442695020e+00, v54;
	v53 =	vnsel vm5, $0xFF7FFFFF, v43;
	v39 =	vmax.f32 v39, v52  }
0x125: {  	v61 =	vmul.f32 $1.442695020e+00, v60;
	v62 =	vsub.f32 v38, v41;
	v39 =	vmax.f32 v39, v53  }
0x126: {  	(erf) = vpow2.f32 v44;
	v49 =	vsub.f32 v43, v41;
	vm15 =	veq.f32 v43, v39  }
0x127: {  	vm12 =	veq.f32 v40, v39;
	vm13 =	veq.f32 v38, v39;
	vm5 =	vmand vm5, vm15  }
0x128: {  	vm14 =	veq.f32 v37, v39;
	vm2 =	vmand vm2, vm12;
	v55 =	vsel vm5, $0x7, v8  }
0x129: {  	vm1 =	vmand vm1, vm13;
	vm5 =	veq.f32 v35, v39;
	v45 =	vsel vm2, $0x6, v55  }
0x12a: {  	v35 =	vsub.f32 v35, v41;
	v56 =	vsel vm1, $0x5, v45;
	v45 =	vmul.f32 $1.442695020e+00, v57  }
0x12b: {  	v51 =	vmul.f32 $1.442695020e+00, v49;
	vm11 =	veq.f32 v34, v39;
	vm0 =	vmand vm0, vm14  }
0x12c: {  	vm15 =	veq.f32 v36, v39;
	v35 =	vmul.f32 $1.442695020e+00, v35;
	(erf) = vpow2.f32 v45  }
0x12d: {  	vm12 =	veq.f32 v33, v39;
	v33 =	vmul.f32 $1.442695020e+00, v58;
	vm14 =	vmneg vm9  }
0x12e: {  	vm4 =	vmand vm4, vm15;
	vm10 =	vmand vm3, vm5;
	(erf) = vpow2.f32 v35  }
0x12f: {  	vm2 =	vmand vm14, vm8;
	vm1 =	vmand vm6, vm12;
	v44 =	vsel vm0, $0x4, v56  }
0x130: {  	vm0 =	vmand vm7, vm11;
	v44 =	vsel vm4, $0x3, v44;
	(erf) = vpow2.f32 v33  }
0x131: {  	vm13 =	vmor vm9, vm1;
	v45 =	vsub.f32 v40, v41;
	v44 =	vsel vm10, $0x2, v44  }
0x132: {  	v59 =	vpop (erf);
	v63 =	vsel vm0, $0x1, v44;
	v44 =	vmul.f32 $1.442695020e+00, v62;
	(erf) = vpow2.f32 v61  }
0x133: {  	vm5 =	veq.s32 v42, $0x2;
	vm15 =	vmneg vm1;
	v34 =	vnsel vm13, $0x0, v59  }
0x134: {  	vm0 =	vmand vm15, vm0;
	v48 =	vmul.f32 $1.442695020e+00, v45;
	(erf) = vpow2.f32 v44  }
0x135: {  	v46 =	vadd.f32 $0.0e+00, v34;
	v36 =	vsel vm1, $0x0, v63;
	vm0 =	vmor vm2, vm0;
	v47 =	vpop (erf)  }
0x136: {  	vm1 =	veq.s32 v36, $0x2;
	(erf) = vpow2.f32 v48;
	v38 =	vnsel vm0, $0x0, v47  }
0x137: {  	vm6 =	veq.s32 v42, $0x3;
	vm0 =	vmor vm5, vm1;
	v50 =	vpop (erf);
	v52 =	vadd.f32 v38, v46  }
0x138: {  	vm7 =	veq.s32 v36, $0x3;
	(erf) = vpow2.f32 v51;
	v53 =	vnsel vm0, $0x0, v50  }
0x139: {  	v54 =	vpop (erf);
	vm0 =	vmor vm6, vm7;
	v35 =	vadd.f32 v53, v52  }
0x13a: {  	vm8 =	veq.s32 v42, $0x4;
	vm9 =	veq.s32 v36, $0x4;
	v33 =	vnsel vm0, $0x0, v54  }
0x13b: {  	v55 =	vpop (erf);
	vm0 =	vmor vm8, vm9;
	v35 =	vadd.f32 v35, v33  }
0x13c: {  	vm10 =	veq.s32 v42, $0x5;
	vm11 =	veq.s32 v36, $0x5;
	v39 =	vnsel vm0, $0x0, v55  }
0x13d: {  	v56 =	vpop (erf);
	vm0 =	vmor vm10, vm11;
	v35 =	vadd.f32 v35, v39  }
0x13e: {  	vm12 =	veq.s32 v42, $0x6;
	vm13 =	veq.s32 v36, $0x6;
	v40 =	vnsel vm0, $0x0, v56  }
0x13f: {  	vm0 =	vmor vm12, vm13;
	v57 =	vpop (erf);
	v35 =	vadd.f32 v35, v40  }
0x140: {  	vm14 =	veq.s32 v42, $0x7;
	vm15 =	veq.s32 v36, $0x7;
	v41 =	vnsel vm0, $0x0, v57  }
0x141: {  	vm0 =	vmor vm14, vm15;
	v58 =	vpop (erf);
	v35 =	vadd.f32 v35, v41  }
0x142: {  	v36 =	vnsel vm0, $0x0, v58  }
0x143: {  	v35 =	vadd.f32 v35, v36;
	_ =	sdelay $0x1  }
0x144: {  	(erf) = vrcp.f32 v35;
	_ =	sdelay $0x8  }
0x145: {  	v35 =	vpop (erf)  }
0x146: {  	v34 =	vmul.f32 v35, v34  }
0x147: {  	v38 =	vmul.f32 v35, v38  }
0x148: {  	v59 =	vmul.f32 v35, v53;
	[tilespmem:v25+s9+$0x0] =	vst.idx.msk $0xffff, v34  }
0x149: {  	v33 =	vmul.f32 v35, v33;
	[tilespmem:v26+s9+$0x0] =	vst.idx.msk $0xffff, v38  }
0x14a: {  	v60 =	vmul.f32 v35, v39;
	[tilespmem:v27+s9+$0x0] =	vst.idx.msk $0xffff, v59  }
0x14b: {  	v61 =	vmul.f32 v35, v40;
	[tilespmem:v28+s9+$0x0] =	vst.idx.msk $0xffff, v33  }
0x14c: {  	v62 =	vmul.f32 v35, v41;
	[tilespmem:v29+s9+$0x0] =	vst.idx.msk $0xffff, v60  }
0x14d: {  	v63 =	vmul.f32 v35, v36;
	[tilespmem:v30+s9+$0x0] =	vst.idx.msk $0xffff, v61  }
0x14e: {  	p0 =	sne.s32 s6, $0x1;
	[tilespmem:v31+s9+$0x0] =	vst.idx.msk $0xffff, v62  }
.Ltmp0:
0x14f: {  	[tilespmem:v32+s9+$0x0] =	vst.idx.msk $0xffff, v63;
	(pc) =	sbr.rel @p0 .LBB2_1-.Ltmp0, $4  }
0x150: {  	[hbm4b:s5+s1] =	stream.linear.scatter [tilespmem:s9], [sflag:$0x1], $0x200, $0x38;
	[tilespmem:$0x480] =	vst v63  }
0x151: {  	_ =	swait.ge [sflag:s7], $0x200  }
0x152: {  	[sflag:s7] =	ssyncset.done $0x0  }
0x153: {  	s6 =	sadd.s32 $0xFFFFFFFF, s6;
	[sflag:s7] =	ssyncadd.s32 $0xFFFFFE00  }
0x154: {  	_ =	sfence.sel $0x180000  }
0x155: {  	[bflag:$0x0] =	sbarrier.arrive $0xFFFF  }
0x156: {  	p0 =	sne.s32 s2, $0x0;
	_ =	strace $0x90000047  }
0x157: {  	s0 =	sadd.s32 @!p0 $0x100000, s0;
	[bflag:$0x2] =	sbarrier.arrive $0xFFFF  }
0x158: {  	[sflag:s0] =	ssyncadd.tile.s32 @!p0 $0x1;
	_ =	shalt  }
.Lfunc_end2:
_tile_overlayer_lowered:
.L_overlay_start_2:
0x159: {  	(tag) =	ssettag $0x2  }
0x15a: {  	s0 =	rddreg [dreg:$0x0];
	s2 =	stileid.u32  }
0x15b: {  	s1 =	rddreg [dreg:$0x1];
	p0 =	sne.s32 s2, $0x0  }
0x15c: {  	s3 =	rddreg [dreg:$0x2];
	[bflag:$0x3] =	sbarrier.arrive $0xFFFF;
	s2 =	simm.s32 @!p0 $0x1C01  }
0x15d: {  	[timem:s3], [sflag:s2] =	dma.local @!p0 [hbm:s0], s1  }
0x15e: {  	s0 =	simm.s32 @!p0 $0x1  }
0x15f: {  	_ =	swait.ge @!p0 [sflag:s0], s1  }
0x160: {  	s1 =	ssub.s32 @!p0 $0x0, s1;
	[sflag:s0] =	ssyncset.done @!p0 $0x0  }
0x161: {  	[sflag:s0] =	ssyncadd.s32 @!p0 s1  }
0x162: {  	[bflag:$0x3] =	sbarrier.arrive $0xFFFF  }
0x163: {  	_ =	shalt  }

</sc_bundles>
